<compile_context>
chip_gen: v7x
topology: tpu7x:2x2x1
jax: 0.10.2.dev20260603
libtpu: 0.0.44.dev20260713+nightly
codegen_flags: <defaults>
</compile_context>

<pallas_src>
import functools

import jax
import jax.numpy as jnp
from jax import lax
from jax.experimental import pallas as pl
from jax.experimental.pallas import tpu as pltpu
from jax.experimental.pallas import tpu_sc as plsc

B, N, S, K = 4, 8192, 2048, 16
CIN, CH = 35, 64
CHP = 128
TS = 256
CHN = 1024
NCH = N // CHN
BIG = 1e30
R = B * S * K
GCH = 512



def _fps_body(xyzt_ref, xc_ref, yc_ref, zc_ref, fidx_ref, dist_ref):
    col3 = lax.broadcasted_iota(jnp.int32, (3, B, N), 2)
    col2 = lax.broadcasted_iota(jnp.int32, (B, N), 1)
    xyzt = xyzt_ref[...]
    dist_ref[...] = jnp.full((B, N), 1e10, dtype=jnp.float32)

    def body(i, f):
        masked = jnp.where(col3 == f[None, :, :], xyzt, 0.0)
        cen = jnp.sum(masked, axis=2)
        xc_ref[pl.ds(i, 1), :] = cen[0:1]
        yc_ref[pl.ds(i, 1), :] = cen[1:2]
        zc_ref[pl.ds(i, 1), :] = cen[2:3]
        fidx_ref[pl.ds(i, 1), :] = jnp.transpose(f)
        d = jnp.sum((xyzt - cen[:, :, None]) ** 2, axis=0)
        dist = jnp.minimum(dist_ref[...], d)
        dist_ref[...] = dist
        m = jnp.max(dist, axis=1, keepdims=True)
        am = jnp.min(jnp.where(dist == m, col2, N), axis=1, keepdims=True)
        return am.astype(jnp.int32)

    lax.fori_loop(0, S, body, jnp.zeros((B, 1), jnp.int32))


def _fps(xyzt):
    return pl.pallas_call(
        _fps_body,
        out_shape=[jax.ShapeDtypeStruct((S, B), jnp.float32)] * 3
        + [jax.ShapeDtypeStruct((S, B), jnp.int32)],
        scratch_shapes=[pltpu.VMEM((B, N), jnp.float32)],
    )(xyzt)



def _knn_body(xyzc_ref, xc_ref, yc_ref, zc_ref, idx_ref, d_ref):
    b = pl.program_id(0)
    cx = jnp.transpose(xc_ref[0])
    cy = jnp.transpose(yc_ref[0])
    cz = jnp.transpose(zc_ref[0])
    csq = cx * cx + cy * cy + cz * cz

    ct = jnp.concatenate([cx, cy, cz], axis=1)

    def fill(c, _):
        xs = xyzc_ref[0, c]
        x0, y0, z0 = xs[0:1], xs[1:2], xs[2:3]
        xsq = x0 * x0 + y0 * y0 + z0 * z0
        cross = jnp.dot(ct, xs, preferred_element_type=jnp.float32)
        d_ref[c] = (csq + xsq) - 2.0 * cross
        return 0

    lax.fori_loop(0, NCH, fill, 0)

    colc = lax.broadcasted_iota(jnp.int32, (TS, CHN), 1)

    for k in range(K):
        def scan_chunk(c, carry):
            m, am = carry
            dc = d_ref[c]
            mc = jnp.min(dc, axis=1, keepdims=True)
            amc = jnp.min(jnp.where(dc == mc, colc, CHN),
                          axis=1, keepdims=True) + c * CHN
            take = mc < m
            return jnp.where(take, mc, m), jnp.where(take, amc, am)

        m0 = jnp.full((TS, 1), 2e30, jnp.float32)
        a0 = jnp.zeros((TS, 1), jnp.int32)
        m, am = lax.fori_loop(0, NCH, scan_chunk, (m0, a0))
        idx_ref[0, k:k + 1, :] = jnp.transpose(am + b * N)

        def mask(c, _):
            d_ref[c] = jnp.where(colc + c * CHN == am, BIG, d_ref[c])
            return 0

        lax.fori_loop(0, NCH, mask, 0)


def _knn(xyzc, xc3, yc3, zc3):
    return pl.pallas_call(
        _knn_body,
        grid=(B, S // TS),
        in_specs=[
            pl.BlockSpec((1, NCH, 3, CHN), lambda b, st: (b, 0, 0, 0)),
            pl.BlockSpec((1, 1, TS), lambda b, st: (b, 0, st)),
            pl.BlockSpec((1, 1, TS), lambda b, st: (b, 0, st)),
            pl.BlockSpec((1, 1, TS), lambda b, st: (b, 0, st)),
        ],
        out_specs=pl.BlockSpec((1, K, TS), lambda b, st: (b, 0, st)),
        out_shape=jax.ShapeDtypeStruct((B, K, S), jnp.int32),
        scratch_shapes=[pltpu.VMEM((NCH, TS, CHN), jnp.float32)],
    )(xyzc, xc3, yc3, zc3)



def _proj_body(cat_ref, w0t_ref, u_ref):
    u_ref[0] = jnp.dot(cat_ref[0], w0t_ref[...],
                       preferred_element_type=jnp.float32,
                       precision=lax.Precision.HIGHEST)


def _proj(cat, w0t):
    return pl.pallas_call(
        _proj_body,
        grid=(B,),
        in_specs=[
            pl.BlockSpec((1, N, CIN), lambda b: (b, 0, 0)),
            pl.BlockSpec((CIN, CHP), lambda b: (0, 0)),
        ],
        out_specs=pl.BlockSpec((1, N, CHP), lambda b: (b, 0, 0)),
        out_shape=jax.ShapeDtypeStruct((B, N, CHP), jnp.float32),
    )(cat, w0t)



def _sc_gather(table, idxf):
    info = plsc.get_sparse_core_info()
    nw = info.num_cores * info.num_subcores
    rows_per_w = R // nw
    nch = rows_per_w // GCH
    mesh = plsc.VectorSubcoreMesh(core_axis_name="c", subcore_axis_name="s")

    @functools.partial(
        pl.kernel, mesh=mesh,
        out_type=jax.ShapeDtypeStruct((R, CHP), jnp.float32),
        scratch_types=[
            pltpu.VMEM((GCH,), jnp.int32),
            pltpu.VMEM((GCH, CHP), jnp.float32),
            pltpu.SemaphoreType.DMA,
        ],
    )
    def k(table_hbm, idx_hbm, out_hbm, idx_v, rows_v, sem):
        wid = lax.axis_index("s") * info.num_cores + lax.axis_index("c")
        base = wid * rows_per_w
        for c in range(nch):
            off = base + c * GCH
            pltpu.sync_copy(idx_hbm.at[pl.ds(off, GCH)], idx_v)
            pltpu.async_copy(table_hbm.at[idx_v], rows_v, sem).wait()
            pltpu.sync_copy(rows_v, out_hbm.at[pl.ds(off, GCH)])

    return k(table, idxf)



def _z1(g_ref, xc_ref, yc_ref, zc_ref, w0_ref, b0_ref):
    cx = jnp.transpose(xc_ref[0])
    cy = jnp.transpose(yc_ref[0])
    cz = jnp.transpose(zc_ref[0])
    w0x = jnp.transpose(w0_ref[:, 0:3])
    v = b0_ref[...] - (cx * w0x[0:1] + cy * w0x[1:2] + cz * w0x[2:3])
    return g_ref[0][:, :, 0:CH] + v[None]


def _acc_stats(stats_ref, z2d):
    first = (pl.program_id(0) == 0) & (pl.program_id(1) == 0)

    @pl.when(first)
    def _():
        stats_ref[...] = jnp.zeros_like(stats_ref)

    stats_ref[0:1, :] += jnp.sum(z2d, axis=0, keepdims=True)
    stats_ref[1:2, :] += jnp.sum(z2d * z2d, axis=0, keepdims=True)


def _stats1_body(g_ref, xc_ref, yc_ref, zc_ref, w0_ref, b0_ref, stats_ref):
    z1 = _z1(g_ref, xc_ref, yc_ref, zc_ref, w0_ref, b0_ref)
    _acc_stats(stats_ref, z1.reshape(K * TS, CH))


def _z2(g_ref, xc_ref, yc_ref, zc_ref, w0_ref, b0_ref, s1_ref, t1_ref,
        w1t_ref, b1_ref):
    z1 = _z1(g_ref, xc_ref, yc_ref, zc_ref, w0_ref, b0_ref)
    a1 = jnp.maximum(z1 * s1_ref[...][None] + t1_ref[...][None], 0.0)
    return jnp.dot(a1.reshape(K * TS, CH), w1t_ref[...],
                   preferred_element_type=jnp.float32,
                   precision=lax.Precision.HIGHEST) + b1_ref[...]


def _stats2_body(g_ref, xc_ref, yc_ref, zc_ref, w0_ref, b0_ref, s1_ref,
                 t1_ref, w1t_ref, b1_ref, stats_ref):
    _acc_stats(stats_ref, _z2(g_ref, xc_ref, yc_ref, zc_ref, w0_ref,
                              b0_ref, s1_ref, t1_ref, w1t_ref, b1_ref))


def _final_body(g_ref, xc_ref, yc_ref, zc_ref, w0_ref, b0_ref, s1_ref,
                t1_ref, w1t_ref, b1_ref, s2_ref, t2_ref, out_ref):
    z2 = _z2(g_ref, xc_ref, yc_ref, zc_ref, w0_ref, b0_ref, s1_ref,
             t1_ref, w1t_ref, b1_ref)
    y = jnp.maximum(z2 * s2_ref[...] + t2_ref[...], 0.0)
    out_ref[0] = jnp.max(y.reshape(K, TS, CH), axis=0)


def _mlp_specs(extra):
    tile = [
        pl.BlockSpec((1, K, TS, CHP), lambda b, st: (b, 0, st, 0)),
        pl.BlockSpec((1, 1, TS), lambda b, st: (b, 0, st)),
        pl.BlockSpec((1, 1, TS), lambda b, st: (b, 0, st)),
        pl.BlockSpec((1, 1, TS), lambda b, st: (b, 0, st)),
        pl.BlockSpec((CH, CIN), lambda b, st: (0, 0)),
        pl.BlockSpec((1, CH), lambda b, st: (0, 0)),
    ]
    tile += [pl.BlockSpec(s, lambda b, st: (0, 0)) for s in extra]
    return tile


def _stats1(g4, xc, yc, zc, w0, b0r):
    return pl.pallas_call(
        _stats1_body,
        grid=(B, S // TS),
        in_specs=_mlp_specs([]),
        out_specs=pl.BlockSpec((8, CH), lambda b, st: (0, 0)),
        out_shape=jax.ShapeDtypeStruct((8, CH), jnp.float32),
    )(g4, xc, yc, zc, w0, b0r)


def _stats2(g4, xc, yc, zc, w0, b0r, s1, t1, w1t, b1r):
    return pl.pallas_call(
        _stats2_body,
        grid=(B, S // TS),
        in_specs=_mlp_specs([(1, CH), (1, CH), (CH, CH), (1, CH)]),
        out_specs=pl.BlockSpec((8, CH), lambda b, st: (0, 0)),
        out_shape=jax.ShapeDtypeStruct((8, CH), jnp.float32),
    )(g4, xc, yc, zc, w0, b0r, s1, t1, w1t, b1r)


def _final(g4, xc, yc, zc, w0, b0r, s1, t1, w1t, b1r, s2, t2):
    return pl.pallas_call(
        _final_body,
        grid=(B, S // TS),
        in_specs=_mlp_specs([(1, CH), (1, CH), (CH, CH), (1, CH),
                             (1, CH), (1, CH)]),
        out_specs=pl.BlockSpec((1, TS, CH), lambda b, st: (b, st, 0)),
        out_shape=jax.ShapeDtypeStruct((B, S, CH), jnp.float32),
    )(g4, xc, yc, zc, w0, b0r, s1, t1, w1t, b1r, s2, t2)



def _affine(stats, g, beta, cnt):
    mean = stats[0] / cnt
    var = stats[1] / cnt - mean * mean
    scale = g / jnp.sqrt(var + 1e-5)
    return (scale.reshape(1, CH),
            (beta - mean * scale).reshape(1, CH))


def kernel(xyz, points, w0, b0, g0, beta0, w1, b1, g1, beta1):
    xyzt = jnp.transpose(xyz, (2, 0, 1))
    xcs, ycs, zcs, _ = _fps(xyzt)
    new_xyz = jnp.transpose(jnp.stack([xcs, ycs, zcs], axis=-1), (1, 0, 2))
    xc = xcs.T.reshape(B, 1, S)
    yc = ycs.T.reshape(B, 1, S)
    zc = zcs.T.reshape(B, 1, S)

    xyzc = jnp.transpose(
        jnp.transpose(xyz, (0, 2, 1)).reshape(B, 3, NCH, CHN), (0, 2, 1, 3))
    idx = _knn(xyzc, xc, yc, zc)
    cat = jnp.concatenate([xyz, points], axis=-1)
    w0p = jnp.concatenate([w0.T, jnp.zeros((CIN, CHP - CH), w0.dtype)], axis=1)
    u = _proj(cat, w0p)
    g = _sc_gather(u.reshape(B * N, CHP), idx.reshape(R))
    g4 = g.reshape(B, K, S, CHP)

    b0r = b0.reshape(1, CH)
    b1r = b1.reshape(1, CH)
    cnt = jnp.float32(B * S * K)
    st1 = _stats1(g4, xc, yc, zc, w0, b0r)
    s1, t1 = _affine(st1, g0, beta0, cnt)
    st2 = _stats2(g4, xc, yc, zc, w0, b0r, s1, t1, w1.T, b1r)
    s2, t2 = _affine(st2, g1, beta1, cnt)
    out = _final(g4, xc, yc, zc, w0, b0r, s1, t1, w1.T, b1r, s2, t2)
    return new_xyz, out

# --- scband reference (transcript-rebuilt; emitter-appended) ---
"""Pipeline reference for scband-transition-down-24781961298010 (READ-ONLY COPY).

The authoritative reference and input builder live on the scoring server;
editing this copy changes nothing except your own understanding.
"""

import jax, jax.numpy as jnp
import numpy as np

B, N, NPOINT, NSAMPLE = 4, 8192, 2048, 16
IN_CH = 35

def square_distance(src, dst):
    # src: [B,S,3], dst: [B,N,3] -> [B,S,N]
    return (jnp.sum(src ** 2, -1)[:, :, None]
            + jnp.sum(dst ** 2, -1)[:, None, :]
            - 2.0 * jnp.einsum('bsc,bnc->bsn', src, dst))

def index_points(points, idx):
    # points: [B,N,C], idx: [B,...] -> [B,...,C]
    return jax.vmap(lambda p, i: p[i])(points, idx)

def farthest_point_sample(xyz, npoint):
    # deterministic FPS (start at index 0 instead of torch's randint start)
    Bc, Nc, _ = xyz.shape
    distance0 = jnp.full((Bc, Nc), 1e10, dtype=jnp.float32)
    farthest0 = jnp.zeros((Bc,), dtype=jnp.int32)
    def body(carry, _):
        distance, farthest = carry
        centroid = jnp.take_along_axis(xyz, farthest[:, None, None], axis=1)  # [B,1,3]
        dist = jnp.sum((xyz - centroid) ** 2, -1)
        distance = jnp.minimum(distance, dist)
        new_farthest = jnp.argmax(distance, axis=-1).astype(jnp.int32)
        return (distance, new_farthest), farthest
    _, centroids = jax.lax.scan(body, (distance0, farthest0), None, length=npoint)
    return jnp.transpose(centroids)  # [B, npoint]

def bn2d(x, g, b, eps=1e-5):
    mean = jnp.mean(x, axis=(0, 2, 3), keepdims=True)
    var = jnp.var(x, axis=(0, 2, 3), keepdims=True)
    return (x - mean) / jnp.sqrt(var + eps) * g[None, :, None, None] + b[None, :, None, None]

def setup_inputs(seed: int = 0):
    key = jax.random.key(seed)
    ks = jax.random.split(key, 6)
    xyz = jax.random.normal(ks[0], (B, N, 3), dtype=jnp.float32)
    points = jax.random.normal(ks[1], (B, N, 32), dtype=jnp.float32)
    w0 = jax.random.normal(ks[2], (64, IN_CH), dtype=jnp.float32) * (1.0 / np.sqrt(IN_CH))
    b0 = jnp.zeros((64,), dtype=jnp.float32)
    g0 = jnp.ones((64,), dtype=jnp.float32)
    beta0 = jnp.zeros((64,), dtype=jnp.float32)
    w1 = jax.random.normal(ks[3], (64, 64), dtype=jnp.float32) * (1.0 / np.sqrt(64))
    b1 = jnp.zeros((64,), dtype=jnp.float32)
    g1 = jnp.ones((64,), dtype=jnp.float32)
    beta1 = jnp.zeros((64,), dtype=jnp.float32)
    return {"xyz": xyz, "points": points, "w0": w0, "b0": b0, "g0": g0, "beta0": beta0,
            "w1": w1, "b1": b1, "g1": g1, "beta1": beta1}

def reference(xyz, points, w0, b0, g0, beta0, w1, b1, g1, beta1):
    fps_idx = farthest_point_sample(xyz, NPOINT)          # [B, S]
    new_xyz = index_points(xyz, fps_idx)                  # [B, S, 3]
    dists = square_distance(new_xyz, xyz)                 # [B, S, N]
    idx = jnp.argsort(dists, axis=-1)[:, :, :NSAMPLE]     # [B, S, K] kNN
    grouped_xyz = index_points(xyz, idx)                  # [B, S, K, 3]
    grouped_xyz_norm = grouped_xyz - new_xyz[:, :, None, :]
    grouped_points = index_points(points, idx)            # [B, S, K, 32]
    new_points = jnp.concatenate([grouped_xyz_norm, grouped_points], axis=-1)  # [B,S,K,35]
    x = jnp.transpose(new_points, (0, 3, 2, 1))           # [B, C, K, S]
    x = jax.nn.relu(bn2d(jnp.einsum('oi,biks->boks', w0, x) + b0[None, :, None, None], g0, beta0))
    x = jax.nn.relu(bn2d(jnp.einsum('oi,biks->boks', w1, x) + b1[None, :, None, None], g1, beta1))
    out = jnp.transpose(jnp.max(x, axis=2), (0, 2, 1))    # [B, S, 64]
    return new_xyz, out

if __name__ == "__main__":
    import jax
    _d = setup_inputs()
    print(jax.jit(kernel)(*tuple(_d.values())))

</pallas_src>

<mosaic_0001>
#map = affine_map<(d0, d1) -> (0, 0)>
#map1 = affine_map<(d0, d1) -> (0)>
module attributes {stable_mosaic.version = 14 : i64} {
  func.func @k(%arg0: i32, %arg1: i32, %arg2: memref<32768x128xf32, #tpu.memory_space<hbm>>, %arg3: memref<131072xi32, #tpu.memory_space<hbm>>, %arg4: memref<131072x128xf32, #tpu.memory_space<hbm>>, %arg5: memref<512xi32, #tpu.memory_space<vmem>>, %arg6: memref<512x128xf32, #tpu.memory_space<vmem>>, %arg7: memref<!tpu.dma_semaphore, #tpu.memory_space<semaphore_mem>>) attributes {dimension_semantics = [#tpu.dimension_semantics<core_parallel>, #tpu.dimension_semantics<subcore_parallel>], iteration_bounds = array<i64: 2, 16>, scalar_prefetch = 0 : i64, scratch_operands = 3 : i64, tpu.core_type = #tpu.core_type<sc_vector_subcore>, window_params = [{transform_indices = #map}, {transform_indices = #map1}, {transform_indices = #map}]} {
    %mul3A = arith.constant 2 : i32
    %mul3A_0 = arith.muli %arg1, %mul3A : i32
    %add3A = arith.addi %mul3A_0, %arg0 : i32
    %mul3A_1 = arith.constant 4096 : i32
    %mul3A_2 = arith.muli %add3A, %mul3A_1 : i32
    %add3A_3 = arith.constant 0 : i32
    %add3A_4 = arith.addi %mul3A_2, %add3A_3 : i32
    "tpu.region"() ({
      %run_scoped3A = tpu.sem_alloc : memref<!tpu.dma_semaphore, #tpu.memory_space<semaphore_mem>>
      %dma_start3A_65 = tpu.memref_slice %arg3[%add3A_4] : memref<131072xi32, #tpu.memory_space<hbm>> -> memref<512xi32, #tpu.memory_space<hbm>>
      %dma_start3A_66 = tpu.memref_slice %arg3[%add3A_4] : memref<131072xi32, #tpu.memory_space<hbm>> -> memref<512xi32, #tpu.memory_space<hbm>>
      tpu.enqueue_dma source(%dma_start3A_66 : memref<512xi32, #tpu.memory_space<hbm>>) target(%arg5 : memref<512xi32, #tpu.memory_space<vmem>>) target_semaphore(%run_scoped3A : memref<!tpu.dma_semaphore, #tpu.memory_space<semaphore_mem>>)
      %dma_wait3A_67 = tpu.memref_slice %arg3[%add3A_4] : memref<131072xi32, #tpu.memory_space<hbm>> -> memref<512xi32, #tpu.memory_space<hbm>>
      %dma_wait3A_68 = tpu.memref_slice %arg3[%add3A_4] : memref<131072xi32, #tpu.memory_space<hbm>> -> memref<512xi32, #tpu.memory_space<hbm>>
      tpu.wait_dma2 semaphore(%run_scoped3A : memref<!tpu.dma_semaphore, #tpu.memory_space<semaphore_mem>>) src(%dma_wait3A_68 : memref<512xi32, #tpu.memory_space<hbm>>) dst(%arg5 : memref<512xi32, #tpu.memory_space<vmem>>)
      tpu.yield
    }) : () -> ()
    %dma_start3A = arith.constant 0 : i32
    %dma_start3A_5 = arith.constant 0 : i32
    %dma_start3A_6 = tpu.memref_slice %arg2[%dma_start3A, %dma_start3A_5] : memref<32768x128xf32, #tpu.memory_space<hbm>> -> memref<32768x128xf32, #tpu.memory_space<hbm>>
    tpu.enqueue_indirect_dma source(%dma_start3A_6 : memref<32768x128xf32, #tpu.memory_space<hbm>>) target(%arg6 : memref<512x128xf32, #tpu.memory_space<vmem>>) offsets(%arg5 : memref<512xi32, #tpu.memory_space<vmem>>) semaphore(%arg7 : memref<!tpu.dma_semaphore, #tpu.memory_space<semaphore_mem>>)
    %dma_wait3A = arith.constant 0 : i32
    %dma_wait3A_7 = arith.constant 0 : i32
    %dma_wait3A_8 = tpu.memref_slice %arg2[%dma_wait3A, %dma_wait3A_7] : memref<32768x128xf32, #tpu.memory_space<hbm>> -> memref<32768x128xf32, #tpu.memory_space<hbm>>
    tpu.wait_indirect_dma semaphore(%arg7 : memref<!tpu.dma_semaphore, #tpu.memory_space<semaphore_mem>>) src(%dma_wait3A_8 : memref<32768x128xf32, #tpu.memory_space<hbm>>) dst(%arg6 : memref<512x128xf32, #tpu.memory_space<vmem>>)
    "tpu.region"() ({
      %run_scoped3A = tpu.sem_alloc : memref<!tpu.dma_semaphore, #tpu.memory_space<semaphore_mem>>
      %dma_start3A_65 = arith.constant 0 : i32
      %dma_start3A_66 = tpu.memref_slice %arg4[%add3A_4, %dma_start3A_65] : memref<131072x128xf32, #tpu.memory_space<hbm>> -> memref<512x128xf32, #tpu.memory_space<hbm>>
      %dma_start3A_67 = arith.constant 0 : i32
      %dma_start3A_68 = tpu.memref_slice %arg4[%add3A_4, %dma_start3A_67] : memref<131072x128xf32, #tpu.memory_space<hbm>> -> memref<512x128xf32, #tpu.memory_space<hbm>>
      tpu.enqueue_dma source(%arg6 : memref<512x128xf32, #tpu.memory_space<vmem>>) target(%dma_start3A_68 : memref<512x128xf32, #tpu.memory_space<hbm>>) target_semaphore(%run_scoped3A : memref<!tpu.dma_semaphore, #tpu.memory_space<semaphore_mem>>)
      %dma_wait3A_69 = arith.constant 0 : i32
      %dma_wait3A_70 = tpu.memref_slice %arg4[%add3A_4, %dma_wait3A_69] : memref<131072x128xf32, #tpu.memory_space<hbm>> -> memref<512x128xf32, #tpu.memory_space<hbm>>
      %dma_wait3A_71 = arith.constant 0 : i32
      %dma_wait3A_72 = tpu.memref_slice %arg4[%add3A_4, %dma_wait3A_71] : memref<131072x128xf32, #tpu.memory_space<hbm>> -> memref<512x128xf32, #tpu.memory_space<hbm>>
      tpu.wait_dma2 semaphore(%run_scoped3A : memref<!tpu.dma_semaphore, #tpu.memory_space<semaphore_mem>>) src(%arg6 : memref<512x128xf32, #tpu.memory_space<vmem>>) dst(%dma_wait3A_72 : memref<512x128xf32, #tpu.memory_space<hbm>>)
      tpu.yield
    }) : () -> ()
    %add3A_9 = arith.constant 512 : i32
    %add3A_10 = arith.addi %mul3A_2, %add3A_9 : i32
    "tpu.region"() ({
      %run_scoped3A = tpu.sem_alloc : memref<!tpu.dma_semaphore, #tpu.memory_space<semaphore_mem>>
      %dma_start3A_65 = tpu.memref_slice %arg3[%add3A_10] : memref<131072xi32, #tpu.memory_space<hbm>> -> memref<512xi32, #tpu.memory_space<hbm>>
      %dma_start3A_66 = tpu.memref_slice %arg3[%add3A_10] : memref<131072xi32, #tpu.memory_space<hbm>> -> memref<512xi32, #tpu.memory_space<hbm>>
      tpu.enqueue_dma source(%dma_start3A_66 : memref<512xi32, #tpu.memory_space<hbm>>) target(%arg5 : memref<512xi32, #tpu.memory_space<vmem>>) target_semaphore(%run_scoped3A : memref<!tpu.dma_semaphore, #tpu.memory_space<semaphore_mem>>)
      %dma_wait3A_67 = tpu.memref_slice %arg3[%add3A_10] : memref<131072xi32, #tpu.memory_space<hbm>> -> memref<512xi32, #tpu.memory_space<hbm>>
      %dma_wait3A_68 = tpu.memref_slice %arg3[%add3A_10] : memref<131072xi32, #tpu.memory_space<hbm>> -> memref<512xi32, #tpu.memory_space<hbm>>
      tpu.wait_dma2 semaphore(%run_scoped3A : memref<!tpu.dma_semaphore, #tpu.memory_space<semaphore_mem>>) src(%dma_wait3A_68 : memref<512xi32, #tpu.memory_space<hbm>>) dst(%arg5 : memref<512xi32, #tpu.memory_space<vmem>>)
      tpu.yield
    }) : () -> ()
    %dma_start3A_11 = arith.constant 0 : i32
    %dma_start3A_12 = arith.constant 0 : i32
    %dma_start3A_13 = tpu.memref_slice %arg2[%dma_start3A_11, %dma_start3A_12] : memref<32768x128xf32, #tpu.memory_space<hbm>> -> memref<32768x128xf32, #tpu.memory_space<hbm>>
    tpu.enqueue_indirect_dma source(%dma_start3A_13 : memref<32768x128xf32, #tpu.memory_space<hbm>>) target(%arg6 : memref<512x128xf32, #tpu.memory_space<vmem>>) offsets(%arg5 : memref<512xi32, #tpu.memory_space<vmem>>) semaphore(%arg7 : memref<!tpu.dma_semaphore, #tpu.memory_space<semaphore_mem>>)
    %dma_wait3A_14 = arith.constant 0 : i32
    %dma_wait3A_15 = arith.constant 0 : i32
    %dma_wait3A_16 = tpu.memref_slice %arg2[%dma_wait3A_14, %dma_wait3A_15] : memref<32768x128xf32, #tpu.memory_space<hbm>> -> memref<32768x128xf32, #tpu.memory_space<hbm>>
    tpu.wait_indirect_dma semaphore(%arg7 : memref<!tpu.dma_semaphore, #tpu.memory_space<semaphore_mem>>) src(%dma_wait3A_16 : memref<32768x128xf32, #tpu.memory_space<hbm>>) dst(%arg6 : memref<512x128xf32, #tpu.memory_space<vmem>>)
    "tpu.region"() ({
      %run_scoped3A = tpu.sem_alloc : memref<!tpu.dma_semaphore, #tpu.memory_space<semaphore_mem>>
      %dma_start3A_65 = arith.constant 0 : i32
      %dma_start3A_66 = tpu.memref_slice %arg4[%add3A_10, %dma_start3A_65] : memref<131072x128xf32, #tpu.memory_space<hbm>> -> memref<512x128xf32, #tpu.memory_space<hbm>>
      %dma_start3A_67 = arith.constant 0 : i32
      %dma_start3A_68 = tpu.memref_slice %arg4[%add3A_10, %dma_start3A_67] : memref<131072x128xf32, #tpu.memory_space<hbm>> -> memref<512x128xf32, #tpu.memory_space<hbm>>
      tpu.enqueue_dma source(%arg6 : memref<512x128xf32, #tpu.memory_space<vmem>>) target(%dma_start3A_68 : memref<512x128xf32, #tpu.memory_space<hbm>>) target_semaphore(%run_scoped3A : memref<!tpu.dma_semaphore, #tpu.memory_space<semaphore_mem>>)
      %dma_wait3A_69 = arith.constant 0 : i32
      %dma_wait3A_70 = tpu.memref_slice %arg4[%add3A_10, %dma_wait3A_69] : memref<131072x128xf32, #tpu.memory_space<hbm>> -> memref<512x128xf32, #tpu.memory_space<hbm>>
      %dma_wait3A_71 = arith.constant 0 : i32
      %dma_wait3A_72 = tpu.memref_slice %arg4[%add3A_10, %dma_wait3A_71] : memref<131072x128xf32, #tpu.memory_space<hbm>> -> memref<512x128xf32, #tpu.memory_space<hbm>>
      tpu.wait_dma2 semaphore(%run_scoped3A : memref<!tpu.dma_semaphore, #tpu.memory_space<semaphore_mem>>) src(%arg6 : memref<512x128xf32, #tpu.memory_space<vmem>>) dst(%dma_wait3A_72 : memref<512x128xf32, #tpu.memory_space<hbm>>)
      tpu.yield
    }) : () -> ()
    %add3A_17 = arith.constant 1024 : i32
    %add3A_18 = arith.addi %mul3A_2, %add3A_17 : i32
    "tpu.region"() ({
      %run_scoped3A = tpu.sem_alloc : memref<!tpu.dma_semaphore, #tpu.memory_space<semaphore_mem>>
      %dma_start3A_65 = tpu.memref_slice %arg3[%add3A_18] : memref<131072xi32, #tpu.memory_space<hbm>> -> memref<512xi32, #tpu.memory_space<hbm>>
      %dma_start3A_66 = tpu.memref_slice %arg3[%add3A_18] : memref<131072xi32, #tpu.memory_space<hbm>> -> memref<512xi32, #tpu.memory_space<hbm>>
      tpu.enqueue_dma source(%dma_start3A_66 : memref<512xi32, #tpu.memory_space<hbm>>) target(%arg5 : memref<512xi32, #tpu.memory_space<vmem>>) target_semaphore(%run_scoped3A : memref<!tpu.dma_semaphore, #tpu.memory_space<semaphore_mem>>)
      %dma_wait3A_67 = tpu.memref_slice %arg3[%add3A_18] : memref<131072xi32, #tpu.memory_space<hbm>> -> memref<512xi32, #tpu.memory_space<hbm>>
      %dma_wait3A_68 = tpu.memref_slice %arg3[%add3A_18] : memref<131072xi32, #tpu.memory_space<hbm>> -> memref<512xi32, #tpu.memory_space<hbm>>
      tpu.wait_dma2 semaphore(%run_scoped3A : memref<!tpu.dma_semaphore, #tpu.memory_space<semaphore_mem>>) src(%dma_wait3A_68 : memref<512xi32, #tpu.memory_space<hbm>>) dst(%arg5 : memref<512xi32, #tpu.memory_space<vmem>>)
      tpu.yield
    }) : () -> ()
    %dma_start3A_19 = arith.constant 0 : i32
    %dma_start3A_20 = arith.constant 0 : i32
    %dma_start3A_21 = tpu.memref_slice %arg2[%dma_start3A_19, %dma_start3A_20] : memref<32768x128xf32, #tpu.memory_space<hbm>> -> memref<32768x128xf32, #tpu.memory_space<hbm>>
    tpu.enqueue_indirect_dma source(%dma_start3A_21 : memref<32768x128xf32, #tpu.memory_space<hbm>>) target(%arg6 : memref<512x128xf32, #tpu.memory_space<vmem>>) offsets(%arg5 : memref<512xi32, #tpu.memory_space<vmem>>) semaphore(%arg7 : memref<!tpu.dma_semaphore, #tpu.memory_space<semaphore_mem>>)
    %dma_wait3A_22 = arith.constant 0 : i32
    %dma_wait3A_23 = arith.constant 0 : i32
    %dma_wait3A_24 = tpu.memref_slice %arg2[%dma_wait3A_22, %dma_wait3A_23] : memref<32768x128xf32, #tpu.memory_space<hbm>> -> memref<32768x128xf32, #tpu.memory_space<hbm>>
    tpu.wait_indirect_dma semaphore(%arg7 : memref<!tpu.dma_semaphore, #tpu.memory_space<semaphore_mem>>) src(%dma_wait3A_24 : memref<32768x128xf32, #tpu.memory_space<hbm>>) dst(%arg6 : memref<512x128xf32, #tpu.memory_space<vmem>>)
    "tpu.region"() ({
      %run_scoped3A = tpu.sem_alloc : memref<!tpu.dma_semaphore, #tpu.memory_space<semaphore_mem>>
      %dma_start3A_65 = arith.constant 0 : i32
      %dma_start3A_66 = tpu.memref_slice %arg4[%add3A_18, %dma_start3A_65] : memref<131072x128xf32, #tpu.memory_space<hbm>> -> memref<512x128xf32, #tpu.memory_space<hbm>>
      %dma_start3A_67 = arith.constant 0 : i32
      %dma_start3A_68 = tpu.memref_slice %arg4[%add3A_18, %dma_start3A_67] : memref<131072x128xf32, #tpu.memory_space<hbm>> -> memref<512x128xf32, #tpu.memory_space<hbm>>
      tpu.enqueue_dma source(%arg6 : memref<512x128xf32, #tpu.memory_space<vmem>>) target(%dma_start3A_68 : memref<512x128xf32, #tpu.memory_space<hbm>>) target_semaphore(%run_scoped3A : memref<!tpu.dma_semaphore, #tpu.memory_space<semaphore_mem>>)
      %dma_wait3A_69 = arith.constant 0 : i32
      %dma_wait3A_70 = tpu.memref_slice %arg4[%add3A_18, %dma_wait3A_69] : memref<131072x128xf32, #tpu.memory_space<hbm>> -> memref<512x128xf32, #tpu.memory_space<hbm>>
      %dma_wait3A_71 = arith.constant 0 : i32
      %dma_wait3A_72 = tpu.memref_slice %arg4[%add3A_18, %dma_wait3A_71] : memref<131072x128xf32, #tpu.memory_space<hbm>> -> memref<512x128xf32, #tpu.memory_space<hbm>>
      tpu.wait_dma2 semaphore(%run_scoped3A : memref<!tpu.dma_semaphore, #tpu.memory_space<semaphore_mem>>) src(%arg6 : memref<512x128xf32, #tpu.memory_space<vmem>>) dst(%dma_wait3A_72 : memref<512x128xf32, #tpu.memory_space<hbm>>)
      tpu.yield
    }) : () -> ()
    %add3A_25 = arith.constant 1536 : i32
    %add3A_26 = arith.addi %mul3A_2, %add3A_25 : i32
    "tpu.region"() ({
      %run_scoped3A = tpu.sem_alloc : memref<!tpu.dma_semaphore, #tpu.memory_space<semaphore_mem>>
      %dma_start3A_65 = tpu.memref_slice %arg3[%add3A_26] : memref<131072xi32, #tpu.memory_space<hbm>> -> memref<512xi32, #tpu.memory_space<hbm>>
      %dma_start3A_66 = tpu.memref_slice %arg3[%add3A_26] : memref<131072xi32, #tpu.memory_space<hbm>> -> memref<512xi32, #tpu.memory_space<hbm>>
      tpu.enqueue_dma source(%dma_start3A_66 : memref<512xi32, #tpu.memory_space<hbm>>) target(%arg5 : memref<512xi32, #tpu.memory_space<vmem>>) target_semaphore(%run_scoped3A : memref<!tpu.dma_semaphore, #tpu.memory_space<semaphore_mem>>)
      %dma_wait3A_67 = tpu.memref_slice %arg3[%add3A_26] : memref<131072xi32, #tpu.memory_space<hbm>> -> memref<512xi32, #tpu.memory_space<hbm>>
      %dma_wait3A_68 = tpu.memref_slice %arg3[%add3A_26] : memref<131072xi32, #tpu.memory_space<hbm>> -> memref<512xi32, #tpu.memory_space<hbm>>
      tpu.wait_dma2 semaphore(%run_scoped3A : memref<!tpu.dma_semaphore, #tpu.memory_space<semaphore_mem>>) src(%dma_wait3A_68 : memref<512xi32, #tpu.memory_space<hbm>>) dst(%arg5 : memref<512xi32, #tpu.memory_space<vmem>>)
      tpu.yield
    }) : () -> ()
    %dma_start3A_27 = arith.constant 0 : i32
    %dma_start3A_28 = arith.constant 0 : i32
    %dma_start3A_29 = tpu.memref_slice %arg2[%dma_start3A_27, %dma_start3A_28] : memref<32768x128xf32, #tpu.memory_space<hbm>> -> memref<32768x128xf32, #tpu.memory_space<hbm>>
    tpu.enqueue_indirect_dma source(%dma_start3A_29 : memref<32768x128xf32, #tpu.memory_space<hbm>>) target(%arg6 : memref<512x128xf32, #tpu.memory_space<vmem>>) offsets(%arg5 : memref<512xi32, #tpu.memory_space<vmem>>) semaphore(%arg7 : memref<!tpu.dma_semaphore, #tpu.memory_space<semaphore_mem>>)
    %dma_wait3A_30 = arith.constant 0 : i32
    %dma_wait3A_31 = arith.constant 0 : i32
    %dma_wait3A_32 = tpu.memref_slice %arg2[%dma_wait3A_30, %dma_wait3A_31] : memref<32768x128xf32, #tpu.memory_space<hbm>> -> memref<32768x128xf32, #tpu.memory_space<hbm>>
    tpu.wait_indirect_dma semaphore(%arg7 : memref<!tpu.dma_semaphore, #tpu.memory_space<semaphore_mem>>) src(%dma_wait3A_32 : memref<32768x128xf32, #tpu.memory_space<hbm>>) dst(%arg6 : memref<512x128xf32, #tpu.memory_space<vmem>>)
    "tpu.region"() ({
      %run_scoped3A = tpu.sem_alloc : memref<!tpu.dma_semaphore, #tpu.memory_space<semaphore_mem>>
      %dma_start3A_65 = arith.constant 0 : i32
      %dma_start3A_66 = tpu.memref_slice %arg4[%add3A_26, %dma_start3A_65] : memref<131072x128xf32, #tpu.memory_space<hbm>> -> memref<512x128xf32, #tpu.memory_space<hbm>>
      %dma_start3A_67 = arith.constant 0 : i32
      %dma_start3A_68 = tpu.memref_slice %arg4[%add3A_26, %dma_start3A_67] : memref<131072x128xf32, #tpu.memory_space<hbm>> -> memref<512x128xf32, #tpu.memory_space<hbm>>
      tpu.enqueue_dma source(%arg6 : memref<512x128xf32, #tpu.memory_space<vmem>>) target(%dma_start3A_68 : memref<512x128xf32, #tpu.memory_space<hbm>>) target_semaphore(%run_scoped3A : memref<!tpu.dma_semaphore, #tpu.memory_space<semaphore_mem>>)
      %dma_wait3A_69 = arith.constant 0 : i32
      %dma_wait3A_70 = tpu.memref_slice %arg4[%add3A_26, %dma_wait3A_69] : memref<131072x128xf32, #tpu.memory_space<hbm>> -> memref<512x128xf32, #tpu.memory_space<hbm>>
      %dma_wait3A_71 = arith.constant 0 : i32
      %dma_wait3A_72 = tpu.memref_slice %arg4[%add3A_26, %dma_wait3A_71] : memref<131072x128xf32, #tpu.memory_space<hbm>> -> memref<512x128xf32, #tpu.memory_space<hbm>>
      tpu.wait_dma2 semaphore(%run_scoped3A : memref<!tpu.dma_semaphore, #tpu.memory_space<semaphore_mem>>) src(%arg6 : memref<512x128xf32, #tpu.memory_space<vmem>>) dst(%dma_wait3A_72 : memref<512x128xf32, #tpu.memory_space<hbm>>)
      tpu.yield
    }) : () -> ()
    %add3A_33 = arith.constant 2048 : i32
    %add3A_34 = arith.addi %mul3A_2, %add3A_33 : i32
    "tpu.region"() ({
      %run_scoped3A = tpu.sem_alloc : memref<!tpu.dma_semaphore, #tpu.memory_space<semaphore_mem>>
      %dma_start3A_65 = tpu.memref_slice %arg3[%add3A_34] : memref<131072xi32, #tpu.memory_space<hbm>> -> memref<512xi32, #tpu.memory_space<hbm>>
      %dma_start3A_66 = tpu.memref_slice %arg3[%add3A_34] : memref<131072xi32, #tpu.memory_space<hbm>> -> memref<512xi32, #tpu.memory_space<hbm>>
      tpu.enqueue_dma source(%dma_start3A_66 : memref<512xi32, #tpu.memory_space<hbm>>) target(%arg5 : memref<512xi32, #tpu.memory_space<vmem>>) target_semaphore(%run_scoped3A : memref<!tpu.dma_semaphore, #tpu.memory_space<semaphore_mem>>)
      %dma_wait3A_67 = tpu.memref_slice %arg3[%add3A_34] : memref<131072xi32, #tpu.memory_space<hbm>> -> memref<512xi32, #tpu.memory_space<hbm>>
      %dma_wait3A_68 = tpu.memref_slice %arg3[%add3A_34] : memref<131072xi32, #tpu.memory_space<hbm>> -> memref<512xi32, #tpu.memory_space<hbm>>
      tpu.wait_dma2 semaphore(%run_scoped3A : memref<!tpu.dma_semaphore, #tpu.memory_space<semaphore_mem>>) src(%dma_wait3A_68 : memref<512xi32, #tpu.memory_space<hbm>>) dst(%arg5 : memref<512xi32, #tpu.memory_space<vmem>>)
      tpu.yield
    }) : () -> ()
    %dma_start3A_35 = arith.constant 0 : i32
    %dma_start3A_36 = arith.constant 0 : i32
    %dma_start3A_37 = tpu.memref_slice %arg2[%dma_start3A_35, %dma_start3A_36] : memref<32768x128xf32, #tpu.memory_space<hbm>> -> memref<32768x128xf32, #tpu.memory_space<hbm>>
    tpu.enqueue_indirect_dma source(%dma_start3A_37 : memref<32768x128xf32, #tpu.memory_space<hbm>>) target(%arg6 : memref<512x128xf32, #tpu.memory_space<vmem>>) offsets(%arg5 : memref<512xi32, #tpu.memory_space<vmem>>) semaphore(%arg7 : memref<!tpu.dma_semaphore, #tpu.memory_space<semaphore_mem>>)
    %dma_wait3A_38 = arith.constant 0 : i32
    %dma_wait3A_39 = arith.constant 0 : i32
    %dma_wait3A_40 = tpu.memref_slice %arg2[%dma_wait3A_38, %dma_wait3A_39] : memref<32768x128xf32, #tpu.memory_space<hbm>> -> memref<32768x128xf32, #tpu.memory_space<hbm>>
    tpu.wait_indirect_dma semaphore(%arg7 : memref<!tpu.dma_semaphore, #tpu.memory_space<semaphore_mem>>) src(%dma_wait3A_40 : memref<32768x128xf32, #tpu.memory_space<hbm>>) dst(%arg6 : memref<512x128xf32, #tpu.memory_space<vmem>>)
    "tpu.region"() ({
      %run_scoped3A = tpu.sem_alloc : memref<!tpu.dma_semaphore, #tpu.memory_space<semaphore_mem>>
      %dma_start3A_65 = arith.constant 0 : i32
      %dma_start3A_66 = tpu.memref_slice %arg4[%add3A_34, %dma_start3A_65] : memref<131072x128xf32, #tpu.memory_space<hbm>> -> memref<512x128xf32, #tpu.memory_space<hbm>>
      %dma_start3A_67 = arith.constant 0 : i32
      %dma_start3A_68 = tpu.memref_slice %arg4[%add3A_34, %dma_start3A_67] : memref<131072x128xf32, #tpu.memory_space<hbm>> -> memref<512x128xf32, #tpu.memory_space<hbm>>
      tpu.enqueue_dma source(%arg6 : memref<512x128xf32, #tpu.memory_space<vmem>>) target(%dma_start3A_68 : memref<512x128xf32, #tpu.memory_space<hbm>>) target_semaphore(%run_scoped3A : memref<!tpu.dma_semaphore, #tpu.memory_space<semaphore_mem>>)
      %dma_wait3A_69 = arith.constant 0 : i32
      %dma_wait3A_70 = tpu.memref_slice %arg4[%add3A_34, %dma_wait3A_69] : memref<131072x128xf32, #tpu.memory_space<hbm>> -> memref<512x128xf32, #tpu.memory_space<hbm>>
      %dma_wait3A_71 = arith.constant 0 : i32
      %dma_wait3A_72 = tpu.memref_slice %arg4[%add3A_34, %dma_wait3A_71] : memref<131072x128xf32, #tpu.memory_space<hbm>> -> memref<512x128xf32, #tpu.memory_space<hbm>>
      tpu.wait_dma2 semaphore(%run_scoped3A : memref<!tpu.dma_semaphore, #tpu.memory_space<semaphore_mem>>) src(%arg6 : memref<512x128xf32, #tpu.memory_space<vmem>>) dst(%dma_wait3A_72 : memref<512x128xf32, #tpu.memory_space<hbm>>)
      tpu.yield
    }) : () -> ()
    %add3A_41 = arith.constant 2560 : i32
    %add3A_42 = arith.addi %mul3A_2, %add3A_41 : i32
    "tpu.region"() ({
      %run_scoped3A = tpu.sem_alloc : memref<!tpu.dma_semaphore, #tpu.memory_space<semaphore_mem>>
      %dma_start3A_65 = tpu.memref_slice %arg3[%add3A_42] : memref<131072xi32, #tpu.memory_space<hbm>> -> memref<512xi32, #tpu.memory_space<hbm>>
      %dma_start3A_66 = tpu.memref_slice %arg3[%add3A_42] : memref<131072xi32, #tpu.memory_space<hbm>> -> memref<512xi32, #tpu.memory_space<hbm>>
      tpu.enqueue_dma source(%dma_start3A_66 : memref<512xi32, #tpu.memory_space<hbm>>) target(%arg5 : memref<512xi32, #tpu.memory_space<vmem>>) target_semaphore(%run_scoped3A : memref<!tpu.dma_semaphore, #tpu.memory_space<semaphore_mem>>)
      %dma_wait3A_67 = tpu.memref_slice %arg3[%add3A_42] : memref<131072xi32, #tpu.memory_space<hbm>> -> memref<512xi32, #tpu.memory_space<hbm>>
      %dma_wait3A_68 = tpu.memref_slice %arg3[%add3A_42] : memref<131072xi32, #tpu.memory_space<hbm>> -> memref<512xi32, #tpu.memory_space<hbm>>
      tpu.wait_dma2 semaphore(%run_scoped3A : memref<!tpu.dma_semaphore, #tpu.memory_space<semaphore_mem>>) src(%dma_wait3A_68 : memref<512xi32, #tpu.memory_space<hbm>>) dst(%arg5 : memref<512xi32, #tpu.memory_space<vmem>>)
      tpu.yield
    }) : () -> ()
    %dma_start3A_43 = arith.constant 0 : i32
    %dma_start3A_44 = arith.constant 0 : i32
    %dma_start3A_45 = tpu.memref_slice %arg2[%dma_start3A_43, %dma_start3A_44] : memref<32768x128xf32, #tpu.memory_space<hbm>> -> memref<32768x128xf32, #tpu.memory_space<hbm>>
    tpu.enqueue_indirect_dma source(%dma_start3A_45 : memref<32768x128xf32, #tpu.memory_space<hbm>>) target(%arg6 : memref<512x128xf32, #tpu.memory_space<vmem>>) offsets(%arg5 : memref<512xi32, #tpu.memory_space<vmem>>) semaphore(%arg7 : memref<!tpu.dma_semaphore, #tpu.memory_space<semaphore_mem>>)
    %dma_wait3A_46 = arith.constant 0 : i32
    %dma_wait3A_47 = arith.constant 0 : i32
    %dma_wait3A_48 = tpu.memref_slice %arg2[%dma_wait3A_46, %dma_wait3A_47] : memref<32768x128xf32, #tpu.memory_space<hbm>> -> memref<32768x128xf32, #tpu.memory_space<hbm>>
    tpu.wait_indirect_dma semaphore(%arg7 : memref<!tpu.dma_semaphore, #tpu.memory_space<semaphore_mem>>) src(%dma_wait3A_48 : memref<32768x128xf32, #tpu.memory_space<hbm>>) dst(%arg6 : memref<512x128xf32, #tpu.memory_space<vmem>>)
    "tpu.region"() ({
      %run_scoped3A = tpu.sem_alloc : memref<!tpu.dma_semaphore, #tpu.memory_space<semaphore_mem>>
      %dma_start3A_65 = arith.constant 0 : i32
      %dma_start3A_66 = tpu.memref_slice %arg4[%add3A_42, %dma_start3A_65] : memref<131072x128xf32, #tpu.memory_space<hbm>> -> memref<512x128xf32, #tpu.memory_space<hbm>>
      %dma_start3A_67 = arith.constant 0 : i32
      %dma_start3A_68 = tpu.memref_slice %arg4[%add3A_42, %dma_start3A_67] : memref<131072x128xf32, #tpu.memory_space<hbm>> -> memref<512x128xf32, #tpu.memory_space<hbm>>
      tpu.enqueue_dma source(%arg6 : memref<512x128xf32, #tpu.memory_space<vmem>>) target(%dma_start3A_68 : memref<512x128xf32, #tpu.memory_space<hbm>>) target_semaphore(%run_scoped3A : memref<!tpu.dma_semaphore, #tpu.memory_space<semaphore_mem>>)
      %dma_wait3A_69 = arith.constant 0 : i32
      %dma_wait3A_70 = tpu.memref_slice %arg4[%add3A_42, %dma_wait3A_69] : memref<131072x128xf32, #tpu.memory_space<hbm>> -> memref<512x128xf32, #tpu.memory_space<hbm>>
      %dma_wait3A_71 = arith.constant 0 : i32
      %dma_wait3A_72 = tpu.memref_slice %arg4[%add3A_42, %dma_wait3A_71] : memref<131072x128xf32, #tpu.memory_space<hbm>> -> memref<512x128xf32, #tpu.memory_space<hbm>>
      tpu.wait_dma2 semaphore(%run_scoped3A : memref<!tpu.dma_semaphore, #tpu.memory_space<semaphore_mem>>) src(%arg6 : memref<512x128xf32, #tpu.memory_space<vmem>>) dst(%dma_wait3A_72 : memref<512x128xf32, #tpu.memory_space<hbm>>)
      tpu.yield
    }) : () -> ()
    %add3A_49 = arith.constant 3072 : i32
    %add3A_50 = arith.addi %mul3A_2, %add3A_49 : i32
    "tpu.region"() ({
      %run_scoped3A = tpu.sem_alloc : memref<!tpu.dma_semaphore, #tpu.memory_space<semaphore_mem>>
      %dma_start3A_65 = tpu.memref_slice %arg3[%add3A_50] : memref<131072xi32, #tpu.memory_space<hbm>> -> memref<512xi32, #tpu.memory_space<hbm>>
      %dma_start3A_66 = tpu.memref_slice %arg3[%add3A_50] : memref<131072xi32, #tpu.memory_space<hbm>> -> memref<512xi32, #tpu.memory_space<hbm>>
      tpu.enqueue_dma source(%dma_start3A_66 : memref<512xi32, #tpu.memory_space<hbm>>) target(%arg5 : memref<512xi32, #tpu.memory_space<vmem>>) target_semaphore(%run_scoped3A : memref<!tpu.dma_semaphore, #tpu.memory_space<semaphore_mem>>)
      %dma_wait3A_67 = tpu.memref_slice %arg3[%add3A_50] : memref<131072xi32, #tpu.memory_space<hbm>> -> memref<512xi32, #tpu.memory_space<hbm>>
      %dma_wait3A_68 = tpu.memref_slice %arg3[%add3A_50] : memref<131072xi32, #tpu.memory_space<hbm>> -> memref<512xi32, #tpu.memory_space<hbm>>
      tpu.wait_dma2 semaphore(%run_scoped3A : memref<!tpu.dma_semaphore, #tpu.memory_space<semaphore_mem>>) src(%dma_wait3A_68 : memref<512xi32, #tpu.memory_space<hbm>>) dst(%arg5 : memref<512xi32, #tpu.memory_space<vmem>>)
      tpu.yield
    }) : () -> ()
    %dma_start3A_51 = arith.constant 0 : i32
    %dma_start3A_52 = arith.constant 0 : i32
    %dma_start3A_53 = tpu.memref_slice %arg2[%dma_start3A_51, %dma_start3A_52] : memref<32768x128xf32, #tpu.memory_space<hbm>> -> memref<32768x128xf32, #tpu.memory_space<hbm>>
    tpu.enqueue_indirect_dma source(%dma_start3A_53 : memref<32768x128xf32, #tpu.memory_space<hbm>>) target(%arg6 : memref<512x128xf32, #tpu.memory_space<vmem>>) offsets(%arg5 : memref<512xi32, #tpu.memory_space<vmem>>) semaphore(%arg7 : memref<!tpu.dma_semaphore, #tpu.memory_space<semaphore_mem>>)
    %dma_wait3A_54 = arith.constant 0 : i32
    %dma_wait3A_55 = arith.constant 0 : i32
    %dma_wait3A_56 = tpu.memref_slice %arg2[%dma_wait3A_54, %dma_wait3A_55] : memref<32768x128xf32, #tpu.memory_space<hbm>> -> memref<32768x128xf32, #tpu.memory_space<hbm>>
    tpu.wait_indirect_dma semaphore(%arg7 : memref<!tpu.dma_semaphore, #tpu.memory_space<semaphore_mem>>) src(%dma_wait3A_56 : memref<32768x128xf32, #tpu.memory_space<hbm>>) dst(%arg6 : memref<512x128xf32, #tpu.memory_space<vmem>>)
    "tpu.region"() ({
      %run_scoped3A = tpu.sem_alloc : memref<!tpu.dma_semaphore, #tpu.memory_space<semaphore_mem>>
      %dma_start3A_65 = arith.constant 0 : i32
      %dma_start3A_66 = tpu.memref_slice %arg4[%add3A_50, %dma_start3A_65] : memref<131072x128xf32, #tpu.memory_space<hbm>> -> memref<512x128xf32, #tpu.memory_space<hbm>>
      %dma_start3A_67 = arith.constant 0 : i32
      %dma_start3A_68 = tpu.memref_slice %arg4[%add3A_50, %dma_start3A_67] : memref<131072x128xf32, #tpu.memory_space<hbm>> -> memref<512x128xf32, #tpu.memory_space<hbm>>
      tpu.enqueue_dma source(%arg6 : memref<512x128xf32, #tpu.memory_space<vmem>>) target(%dma_start3A_68 : memref<512x128xf32, #tpu.memory_space<hbm>>) target_semaphore(%run_scoped3A : memref<!tpu.dma_semaphore, #tpu.memory_space<semaphore_mem>>)
      %dma_wait3A_69 = arith.constant 0 : i32
      %dma_wait3A_70 = tpu.memref_slice %arg4[%add3A_50, %dma_wait3A_69] : memref<131072x128xf32, #tpu.memory_space<hbm>> -> memref<512x128xf32, #tpu.memory_space<hbm>>
      %dma_wait3A_71 = arith.constant 0 : i32
      %dma_wait3A_72 = tpu.memref_slice %arg4[%add3A_50, %dma_wait3A_71] : memref<131072x128xf32, #tpu.memory_space<hbm>> -> memref<512x128xf32, #tpu.memory_space<hbm>>
      tpu.wait_dma2 semaphore(%run_scoped3A : memref<!tpu.dma_semaphore, #tpu.memory_space<semaphore_mem>>) src(%arg6 : memref<512x128xf32, #tpu.memory_space<vmem>>) dst(%dma_wait3A_72 : memref<512x128xf32, #tpu.memory_space<hbm>>)
      tpu.yield
    }) : () -> ()
    %add3A_57 = arith.constant 3584 : i32
    %add3A_58 = arith.addi %mul3A_2, %add3A_57 : i32
    "tpu.region"() ({
      %run_scoped3A = tpu.sem_alloc : memref<!tpu.dma_semaphore, #tpu.memory_space<semaphore_mem>>
      %dma_start3A_65 = tpu.memref_slice %arg3[%add3A_58] : memref<131072xi32, #tpu.memory_space<hbm>> -> memref<512xi32, #tpu.memory_space<hbm>>
      %dma_start3A_66 = tpu.memref_slice %arg3[%add3A_58] : memref<131072xi32, #tpu.memory_space<hbm>> -> memref<512xi32, #tpu.memory_space<hbm>>
      tpu.enqueue_dma source(%dma_start3A_66 : memref<512xi32, #tpu.memory_space<hbm>>) target(%arg5 : memref<512xi32, #tpu.memory_space<vmem>>) target_semaphore(%run_scoped3A : memref<!tpu.dma_semaphore, #tpu.memory_space<semaphore_mem>>)
      %dma_wait3A_67 = tpu.memref_slice %arg3[%add3A_58] : memref<131072xi32, #tpu.memory_space<hbm>> -> memref<512xi32, #tpu.memory_space<hbm>>
      %dma_wait3A_68 = tpu.memref_slice %arg3[%add3A_58] : memref<131072xi32, #tpu.memory_space<hbm>> -> memref<512xi32, #tpu.memory_space<hbm>>
      tpu.wait_dma2 semaphore(%run_scoped3A : memref<!tpu.dma_semaphore, #tpu.memory_space<semaphore_mem>>) src(%dma_wait3A_68 : memref<512xi32, #tpu.memory_space<hbm>>) dst(%arg5 : memref<512xi32, #tpu.memory_space<vmem>>)
      tpu.yield
    }) : () -> ()
    %dma_start3A_59 = arith.constant 0 : i32
    %dma_start3A_60 = arith.constant 0 : i32
    %dma_start3A_61 = tpu.memref_slice %arg2[%dma_start3A_59, %dma_start3A_60] : memref<32768x128xf32, #tpu.memory_space<hbm>> -> memref<32768x128xf32, #tpu.memory_space<hbm>>
    tpu.enqueue_indirect_dma source(%dma_start3A_61 : memref<32768x128xf32, #tpu.memory_space<hbm>>) target(%arg6 : memref<512x128xf32, #tpu.memory_space<vmem>>) offsets(%arg5 : memref<512xi32, #tpu.memory_space<vmem>>) semaphore(%arg7 : memref<!tpu.dma_semaphore, #tpu.memory_space<semaphore_mem>>)
    %dma_wait3A_62 = arith.constant 0 : i32
    %dma_wait3A_63 = arith.constant 0 : i32
    %dma_wait3A_64 = tpu.memref_slice %arg2[%dma_wait3A_62, %dma_wait3A_63] : memref<32768x128xf32, #tpu.memory_space<hbm>> -> memref<32768x128xf32, #tpu.memory_space<hbm>>
    tpu.wait_indirect_dma semaphore(%arg7 : memref<!tpu.dma_semaphore, #tpu.memory_space<semaphore_mem>>) src(%dma_wait3A_64 : memref<32768x128xf32, #tpu.memory_space<hbm>>) dst(%arg6 : memref<512x128xf32, #tpu.memory_space<vmem>>)
    "tpu.region"() ({
      %run_scoped3A = tpu.sem_alloc : memref<!tpu.dma_semaphore, #tpu.memory_space<semaphore_mem>>
      %dma_start3A_65 = arith.constant 0 : i32
      %dma_start3A_66 = tpu.memref_slice %arg4[%add3A_58, %dma_start3A_65] : memref<131072x128xf32, #tpu.memory_space<hbm>> -> memref<512x128xf32, #tpu.memory_space<hbm>>
      %dma_start3A_67 = arith.constant 0 : i32
      %dma_start3A_68 = tpu.memref_slice %arg4[%add3A_58, %dma_start3A_67] : memref<131072x128xf32, #tpu.memory_space<hbm>> -> memref<512x128xf32, #tpu.memory_space<hbm>>
      tpu.enqueue_dma source(%arg6 : memref<512x128xf32, #tpu.memory_space<vmem>>) target(%dma_start3A_68 : memref<512x128xf32, #tpu.memory_space<hbm>>) target_semaphore(%run_scoped3A : memref<!tpu.dma_semaphore, #tpu.memory_space<semaphore_mem>>)
      %dma_wait3A_69 = arith.constant 0 : i32
      %dma_wait3A_70 = tpu.memref_slice %arg4[%add3A_58, %dma_wait3A_69] : memref<131072x128xf32, #tpu.memory_space<hbm>> -> memref<512x128xf32, #tpu.memory_space<hbm>>
      %dma_wait3A_71 = arith.constant 0 : i32
      %dma_wait3A_72 = tpu.memref_slice %arg4[%add3A_58, %dma_wait3A_71] : memref<131072x128xf32, #tpu.memory_space<hbm>> -> memref<512x128xf32, #tpu.memory_space<hbm>>
      tpu.wait_dma2 semaphore(%run_scoped3A : memref<!tpu.dma_semaphore, #tpu.memory_space<semaphore_mem>>) src(%arg6 : memref<512x128xf32, #tpu.memory_space<vmem>>) dst(%dma_wait3A_72 : memref<512x128xf32, #tpu.memory_space<hbm>>)
      tpu.yield
    }) : () -> ()
    return
  }
}

module attributes {stable_mosaic.version = 14 : i64} {
  func.func @_fps_body(%arg0: memref<3x4x8192xf32, #tpu.memory_space<vmem>>, %arg1: memref<2048x4xf32, #tpu.memory_space<vmem>>, %arg2: memref<2048x4xf32, #tpu.memory_space<vmem>>, %arg3: memref<2048x4xf32, #tpu.memory_space<vmem>>, %arg4: memref<2048x4xi32, #tpu.memory_space<vmem>>, %arg5: memref<4x8192xf32, #tpu.memory_space<vmem>>) attributes {dimension_semantics = [], scalar_prefetch = 0 : i64, scratch_operands = 1 : i64, tpu.core_type = #tpu.core_type<tc>} {
    %iota3A = tpu.iota {dimensions = array<i32: 2>} : vector<3x4x8192xi32>
    %iota3A_0 = tpu.iota {dimensions = array<i32: 1>} : vector<4x8192xi32>
    %get3A = arith.constant 0 : index
    %get3A_1 = arith.constant 0 : index
    %get3A_2 = arith.constant 0 : index
    %get3A_3 = vector.load %arg0[%get3A, %get3A_1, %get3A_2] : memref<3x4x8192xf32, #tpu.memory_space<vmem>>, vector<3x4x8192xf32>
    %broadcast_in_dim3A = arith.constant 1.000000e+10 : f32
    %broadcast_in_dim3A_4 = vector.broadcast %broadcast_in_dim3A : f32 to vector<4x8192xf32>
    %swap3A = arith.constant 0 : index
    %swap3A_5 = arith.constant 0 : index
    %swap3A_6 = vector.load %arg5[%swap3A, %swap3A_5] : memref<4x8192xf32, #tpu.memory_space<vmem>>, vector<4x8192xf32>
    tpu.vector_store %arg5[%swap3A, %swap3A_5], %broadcast_in_dim3A_4 {strides = array<i32>} : memref<4x8192xf32, #tpu.memory_space<vmem>>, vector<4x8192xf32>,
    %broadcast_in_dim3A_7 = arith.constant 0 : i32
    %broadcast_in_dim3A_8 = vector.broadcast %broadcast_in_dim3A_7 : i32 to vector<4x1xi32>
    %scan3A = arith.constant 0 : i32
    %scan3A_9 = arith.constant 2048 : i32
    %scan3A_10 = arith.addi %scan3A, %scan3A_9 : i32
    %scan3A_11 = arith.constant 1 : i32
    %scan3A_12 = scf.for %scan3A_14 = %scan3A to %scan3A_10 step %scan3A_11 iter_args(%scan3A_15 = %broadcast_in_dim3A_8) -> (vector<4x1xi32>)  : i32 {
      %broadcast_in_dim3A_16 = vector.shape_cast %scan3A_15 : vector<4x1xi32> to vector<1x4x1xi32>
      %eq3A = vector.broadcast %broadcast_in_dim3A_16 : vector<1x4x1xi32> to vector<3x4x8192xi32>
      %eq3A_17 = arith.cmpi eq, %iota3A, %eq3A : vector<3x4x8192xi32>
      %jit3A = arith.constant 0.000000e+00 : f32
      %broadcast_in_dim3A_18 = vector.broadcast %jit3A : f32 to vector<3x4x8192xf32>
      %select_n3A = arith.select %eq3A_17, %get3A_3, %broadcast_in_dim3A_18 : vector<3x4x8192xi1>, vector<3x4x8192xf32>
      %reduce_sum3A = arith.constant dense<0.000000e+00> : vector<3x4xf32>
      %reduce_sum3A_19 = vector.multi_reduction <add>, %select_n3A, %reduce_sum3A [2] : vector<3x4x8192xf32> to vector<3x4xf32>
      %slice3A = vector.extract_strided_slice %reduce_sum3A_19 {offsets = [0, 0], sizes = [1, 4], strides = [1, 1]} : vector<3x4xf32> to vector<1x4xf32>
      %swap3A_20 = arith.index_cast %scan3A_14 : i32 to index
      %swap3A_21 = arith.constant 0 : index
      %swap3A_22 = vector.load %arg1[%swap3A_20, %swap3A_21] : memref<2048x4xf32, #tpu.memory_space<vmem>>, vector<1x4xf32>
      tpu.vector_store %arg1[%swap3A_20, %swap3A_21], %slice3A {strides = array<i32>} : memref<2048x4xf32, #tpu.memory_space<vmem>>, vector<1x4xf32>,
      %slice3A_23 = vector.extract_strided_slice %reduce_sum3A_19 {offsets = [1, 0], sizes = [1, 4], strides = [1, 1]} : vector<3x4xf32> to vector<1x4xf32>
      %swap3A_24 = arith.index_cast %scan3A_14 : i32 to index
      %swap3A_25 = arith.constant 0 : index
      %swap3A_26 = vector.load %arg2[%swap3A_24, %swap3A_25] : memref<2048x4xf32, #tpu.memory_space<vmem>>, vector<1x4xf32>
      tpu.vector_store %arg2[%swap3A_24, %swap3A_25], %slice3A_23 {strides = array<i32>} : memref<2048x4xf32, #tpu.memory_space<vmem>>, vector<1x4xf32>,
      %slice3A_27 = vector.extract_strided_slice %reduce_sum3A_19 {offsets = [2, 0], sizes = [1, 4], strides = [1, 1]} : vector<3x4xf32> to vector<1x4xf32>
      %swap3A_28 = arith.index_cast %scan3A_14 : i32 to index
      %swap3A_29 = arith.constant 0 : index
      %swap3A_30 = vector.load %arg3[%swap3A_28, %swap3A_29] : memref<2048x4xf32, #tpu.memory_space<vmem>>, vector<1x4xf32>
      tpu.vector_store %arg3[%swap3A_28, %swap3A_29], %slice3A_27 {strides = array<i32>} : memref<2048x4xf32, #tpu.memory_space<vmem>>, vector<1x4xf32>,
      %transpose3A = tpu.transpose %scan3A_15, [1, 0] : vector<4x1xi32> -> vector<1x4xi32>
      %swap3A_31 = arith.index_cast %scan3A_14 : i32 to index
      %swap3A_32 = arith.constant 0 : index
      %swap3A_33 = vector.load %arg4[%swap3A_31, %swap3A_32] : memref<2048x4xi32, #tpu.memory_space<vmem>>, vector<1x4xi32>
      tpu.vector_store %arg4[%swap3A_31, %swap3A_32], %transpose3A {strides = array<i32>} : memref<2048x4xi32, #tpu.memory_space<vmem>>, vector<1x4xi32>,
      %broadcast_in_dim3A_34 = vector.shape_cast %reduce_sum3A_19 : vector<3x4xf32> to vector<3x4x1xf32>
      %sub3A = vector.broadcast %broadcast_in_dim3A_34 : vector<3x4x1xf32> to vector<3x4x8192xf32>
      %sub3A_35 = arith.subf %get3A_3, %sub3A : vector<3x4x8192xf32>
      %integer_pow3A = arith.mulf %sub3A_35, %sub3A_35 : vector<3x4x8192xf32>
      %reduce_sum3A_36 = arith.constant dense<0.000000e+00> : vector<4x8192xf32>
      %reduce_sum3A_37 = vector.multi_reduction <add>, %integer_pow3A, %reduce_sum3A_36 [0] : vector<3x4x8192xf32> to vector<4x8192xf32>
      %get3A_38 = arith.constant 0 : index
      %get3A_39 = arith.constant 0 : index
      %get3A_40 = vector.load %arg5[%get3A_38, %get3A_39] : memref<4x8192xf32, #tpu.memory_space<vmem>>, vector<4x8192xf32>
      %min3A = arith.minimumf %get3A_40, %reduce_sum3A_37 : vector<4x8192xf32>
      %swap3A_41 = arith.constant 0 : index
      %swap3A_42 = arith.constant 0 : index
      %swap3A_43 = vector.load %arg5[%swap3A_41, %swap3A_42] : memref<4x8192xf32, #tpu.memory_space<vmem>>, vector<4x8192xf32>
      tpu.vector_store %arg5[%swap3A_41, %swap3A_42], %min3A {strides = array<i32>} : memref<4x8192xf32, #tpu.memory_space<vmem>>, vector<4x8192xf32>,
      %reduce_max3A = arith.constant dense<0xFF800000> : vector<4xf32>
      %reduce_max3A_44 = vector.multi_reduction <maximumf>, %min3A, %reduce_max3A [1] : vector<4x8192xf32> to vector<4xf32>
      %broadcast_in_dim3A_45 = vector.shape_cast %reduce_max3A_44 : vector<4xf32> to vector<4x1xf32>
      %eq3A_46 = vector.broadcast %broadcast_in_dim3A_45 : vector<4x1xf32> to vector<4x8192xf32>
      %eq3A_47 = arith.cmpf oeq, %min3A, %eq3A_46 : vector<4x8192xf32>
      %jit3A_48 = arith.constant 8192 : i32
      %broadcast_in_dim3A_49 = vector.broadcast %jit3A_48 : i32 to vector<4x8192xi32>
      %select_n3A_50 = arith.select %eq3A_47, %iota3A_0, %broadcast_in_dim3A_49 : vector<4x8192xi1>, vector<4x8192xi32>
      %reduce_min3A = arith.constant dense<2147483647> : vector<4xi32>
      %reduce_min3A_51 = vector.multi_reduction <minsi>, %select_n3A_50, %reduce_min3A [1] : vector<4x8192xi32> to vector<4xi32>
      %broadcast_in_dim3A_52 = vector.shape_cast %reduce_min3A_51 : vector<4xi32> to vector<4x1xi32>
      scf.yield %broadcast_in_dim3A_52 : vector<4x1xi32>
    }
    %scan3A_13 = arith.constant 2048 : i32
    return
  }
}

module attributes {stable_mosaic.version = 14 : i64} {
  func.func @_knn_body(%arg0: i32, %arg1: i32, %arg2: memref<1x8x3x1024xf32, #tpu.memory_space<vmem>>, %arg3: memref<1x1x256xf32, #tpu.memory_space<vmem>>, %arg4: memref<1x1x256xf32, #tpu.memory_space<vmem>>, %arg5: memref<1x1x256xf32, #tpu.memory_space<vmem>>, %arg6: memref<1x16x256xi32, #tpu.memory_space<vmem>>, %arg7: memref<8x256x1024xf32, #tpu.memory_space<vmem>>) attributes {dimension_semantics = [#tpu.dimension_semantics<arbitrary>, #tpu.dimension_semantics<arbitrary>], iteration_bounds = array<i64: 4, 8>, scalar_prefetch = 0 : i64, scratch_operands = 1 : i64, tpu.core_type = #tpu.core_type<tc>, window_params = [{transform_indices = @transform_0, window_bounds = array<i64: 1, 8, 3, 1024>}, {transform_indices = @transform_1, window_bounds = array<i64: 1, 1, 256>}, {transform_indices = @transform_2, window_bounds = array<i64: 1, 1, 256>}, {transform_indices = @transform_3, window_bounds = array<i64: 1, 1, 256>}, {transform_indices = @transform_4, window_bounds = array<i64: 1, 16, 256>}]} {
    %get3A = arith.constant 0 : index
    %get3A_0 = arith.constant 0 : index
    %get3A_1 = arith.constant 0 : index
    %get3A_2 = vector.load %arg3[%get3A, %get3A_0, %get3A_1] : memref<1x1x256xf32, #tpu.memory_space<vmem>>, vector<1x1x256xf32>
    %get3A_3 = vector.shape_cast %get3A_2 : vector<1x1x256xf32> to vector<1x256xf32>
    %transpose3A = tpu.transpose %get3A_3, [1, 0] : vector<1x256xf32> -> vector<256x1xf32>
    %get3A_4 = arith.constant 0 : index
    %get3A_5 = arith.constant 0 : index
    %get3A_6 = arith.constant 0 : index
    %get3A_7 = vector.load %arg4[%get3A_4, %get3A_5, %get3A_6] : memref<1x1x256xf32, #tpu.memory_space<vmem>>, vector<1x1x256xf32>
    %get3A_8 = vector.shape_cast %get3A_7 : vector<1x1x256xf32> to vector<1x256xf32>
    %transpose3A_9 = tpu.transpose %get3A_8, [1, 0] : vector<1x256xf32> -> vector<256x1xf32>
    %get3A_10 = arith.constant 0 : index
    %get3A_11 = arith.constant 0 : index
    %get3A_12 = arith.constant 0 : index
    %get3A_13 = vector.load %arg5[%get3A_10, %get3A_11, %get3A_12] : memref<1x1x256xf32, #tpu.memory_space<vmem>>, vector<1x1x256xf32>
    %get3A_14 = vector.shape_cast %get3A_13 : vector<1x1x256xf32> to vector<1x256xf32>
    %transpose3A_15 = tpu.transpose %get3A_14, [1, 0] : vector<1x256xf32> -> vector<256x1xf32>
    %mul3A = arith.mulf %transpose3A, %transpose3A : vector<256x1xf32>
    %mul3A_16 = arith.mulf %transpose3A_9, %transpose3A_9 : vector<256x1xf32>
    %add3A = arith.addf %mul3A, %mul3A_16 : vector<256x1xf32>
    %mul3A_17 = arith.mulf %transpose3A_15, %transpose3A_15 : vector<256x1xf32>
    %add3A_18 = arith.addf %add3A, %mul3A_17 : vector<256x1xf32>
    %concatenate3A = tpu.concatenate %transpose3A, %transpose3A_9, %transpose3A_15 in 1 : vector<256x1xf32>, vector<256x1xf32>, vector<256x1xf32> -> vector<256x3xf32>
    %scan3A = arith.constant 0 : i32
    %scan3A_19 = arith.constant 8 : i32
    %scan3A_20 = arith.addi %scan3A, %scan3A_19 : i32
    %scan3A_21 = arith.constant 1 : i32
    scf.for %scan3A_437 = %scan3A to %scan3A_20 step %scan3A_21  : i32 {
      %get3A_438 = arith.constant 0 : index
      %get3A_439 = arith.index_cast %scan3A_437 : i32 to index
      %get3A_440 = arith.constant 0 : index
      %get3A_441 = arith.constant 0 : index
      %get3A_442 = vector.load %arg2[%get3A_438, %get3A_439, %get3A_440, %get3A_441] : memref<1x8x3x1024xf32, #tpu.memory_space<vmem>>, vector<1x1x3x1024xf32>
      %get3A_443 = vector.shape_cast %get3A_442 : vector<1x1x3x1024xf32> to vector<3x1024xf32>
      %slice3A = vector.extract_strided_slice %get3A_443 {offsets = [0, 0], sizes = [1, 1024], strides = [1, 1]} : vector<3x1024xf32> to vector<1x1024xf32>
      %slice3A_444 = vector.extract_strided_slice %get3A_443 {offsets = [1, 0], sizes = [1, 1024], strides = [1, 1]} : vector<3x1024xf32> to vector<1x1024xf32>
      %slice3A_445 = vector.extract_strided_slice %get3A_443 {offsets = [2, 0], sizes = [1, 1024], strides = [1, 1]} : vector<3x1024xf32> to vector<1x1024xf32>
      %mul3A_446 = arith.mulf %slice3A, %slice3A : vector<1x1024xf32>
      %mul3A_447 = arith.mulf %slice3A_444, %slice3A_444 : vector<1x1024xf32>
      %add3A_448 = arith.addf %mul3A_446, %mul3A_447 : vector<1x1024xf32>
      %mul3A_449 = arith.mulf %slice3A_445, %slice3A_445 : vector<1x1024xf32>
      %add3A_450 = arith.addf %add3A_448, %mul3A_449 : vector<1x1024xf32>
      %dot_general3A = arith.constant dense<0.000000e+00> : vector<256x1024xf32>
      %dot_general3A_451 = tpu.matmul %concatenate3A, %get3A_443, %dot_general3A {dimension_numbers = #tpu.dot_dimension_numbers<[1], [0], [0], [1], [0, 0, 1, 1], [], []>, transpose_lhs_hint = false} : vector<256x3xf32>, vector<3x1024xf32>, vector<256x1024xf32> -> vector<256x1024xf32>
      %add3A_452 = vector.broadcast %add3A_18 : vector<256x1xf32> to vector<256x1024xf32>
      %add3A_453 = vector.broadcast %add3A_450 : vector<1x1024xf32> to vector<256x1024xf32>
      %add3A_454 = arith.addf %add3A_452, %add3A_453 : vector<256x1024xf32>
      %mul3A_455 = arith.constant 2.000000e+00 : f32
      %mul3A_456 = vector.broadcast %mul3A_455 : f32 to vector<256x1024xf32>
      %mul3A_457 = arith.mulf %mul3A_456, %dot_general3A_451 : vector<256x1024xf32>
      %sub3A = arith.subf %add3A_454, %mul3A_457 : vector<256x1024xf32>
      %swap3A_458 = arith.index_cast %scan3A_437 : i32 to index
      %swap3A_459 = arith.constant 0 : index
      %swap3A_460 = arith.constant 0 : index
      %swap3A_461 = vector.load %arg7[%swap3A_458, %swap3A_459, %swap3A_460] : memref<8x256x1024xf32, #tpu.memory_space<vmem>>, vector<1x256x1024xf32>
      %swap3A_462 = vector.shape_cast %swap3A_461 : vector<1x256x1024xf32> to vector<256x1024xf32>
      %swap3A_463 = vector.shape_cast %sub3A : vector<256x1024xf32> to vector<1x256x1024xf32>
      tpu.vector_store %arg7[%swap3A_458, %swap3A_459, %swap3A_460], %swap3A_463 {strides = array<i32>} : memref<8x256x1024xf32, #tpu.memory_space<vmem>>, vector<1x256x1024xf32>,
    }
    %scan3A_22 = arith.constant 8 : i32
    %iota3A = tpu.iota {dimensions = array<i32: 1>} : vector<256x1024xi32>
    %broadcast_in_dim3A = arith.constant 2.000000e+30 : f32
    %broadcast_in_dim3A_23 = vector.broadcast %broadcast_in_dim3A : f32 to vector<256x1xf32>
    %broadcast_in_dim3A_24 = arith.constant 0 : i32
    %broadcast_in_dim3A_25 = vector.broadcast %broadcast_in_dim3A_24 : i32 to vector<256x1xi32>
    %scan3A_26 = arith.constant 0 : i32
    %scan3A_27 = arith.constant 8 : i32
    %scan3A_28 = arith.addi %scan3A_26, %scan3A_27 : i32
    %scan3A_29 = arith.constant 1 : i32
    %scan3A_30:2 = scf.for %scan3A_437 = %scan3A_26 to %scan3A_28 step %scan3A_29 iter_args(%scan3A_438 = %broadcast_in_dim3A_23, %scan3A_439 = %broadcast_in_dim3A_25) -> (vector<256x1xf32>, vector<256x1xi32>)  : i32 {
      %get3A_440 = arith.index_cast %scan3A_437 : i32 to index
      %get3A_441 = arith.constant 0 : index
      %get3A_442 = arith.constant 0 : index
      %get3A_443 = vector.load %arg7[%get3A_440, %get3A_441, %get3A_442] : memref<8x256x1024xf32, #tpu.memory_space<vmem>>, vector<1x256x1024xf32>
      %get3A_444 = vector.shape_cast %get3A_443 : vector<1x256x1024xf32> to vector<256x1024xf32>
      %reduce_min3A = arith.constant dense<0x7F800000> : vector<256xf32>
      %reduce_min3A_445 = vector.multi_reduction <minimumf>, %get3A_444, %reduce_min3A [1] : vector<256x1024xf32> to vector<256xf32>
      %broadcast_in_dim3A_446 = vector.shape_cast %reduce_min3A_445 : vector<256xf32> to vector<256x1xf32>
      %eq3A = vector.broadcast %broadcast_in_dim3A_446 : vector<256x1xf32> to vector<256x1024xf32>
      %eq3A_447 = arith.cmpf oeq, %get3A_444, %eq3A : vector<256x1024xf32>
      %jit3A = arith.constant 1024 : i32
      %broadcast_in_dim3A_448 = vector.broadcast %jit3A : i32 to vector<256x1024xi32>
      %select_n3A = arith.select %eq3A_447, %iota3A, %broadcast_in_dim3A_448 : vector<256x1024xi1>, vector<256x1024xi32>
      %reduce_min3A_449 = arith.constant dense<2147483647> : vector<256xi32>
      %reduce_min3A_450 = vector.multi_reduction <minsi>, %select_n3A, %reduce_min3A_449 [1] : vector<256x1024xi32> to vector<256xi32>
      %broadcast_in_dim3A_451 = vector.shape_cast %reduce_min3A_450 : vector<256xi32> to vector<256x1xi32>
      %mul3A_452 = arith.constant 1024 : i32
      %mul3A_453 = arith.muli %scan3A_437, %mul3A_452 : i32
      %add3A_454 = vector.broadcast %mul3A_453 : i32 to vector<256x1xi32>
      %add3A_455 = arith.addi %broadcast_in_dim3A_451, %add3A_454 : vector<256x1xi32>
      %lt3A = arith.cmpf olt, %broadcast_in_dim3A_446, %scan3A_438 : vector<256x1xf32>
      %select_n3A_456 = arith.select %lt3A, %broadcast_in_dim3A_446, %scan3A_438 : vector<256x1xi1>, vector<256x1xf32>
      %select_n3A_457 = arith.select %lt3A, %add3A_455, %scan3A_439 : vector<256x1xi1>, vector<256x1xi32>
      scf.yield %select_n3A_456, %select_n3A_457 : vector<256x1xf32>, vector<256x1xi32>
    }
    %scan3A_31 = arith.constant 8 : i32
    %mul3A_32 = arith.constant 8192 : i32
    %mul3A_33 = arith.muli %arg0, %mul3A_32 : i32
    %add3A_34 = vector.broadcast %mul3A_33 : i32 to vector<256x1xi32>
    %add3A_35 = arith.addi %scan3A_30#1, %add3A_34 : vector<256x1xi32>
    %transpose3A_36 = tpu.transpose %add3A_35, [1, 0] : vector<256x1xi32> -> vector<1x256xi32>
    %swap3A = arith.constant 0 : index
    %swap3A_37 = arith.constant 0 : index
    %swap3A_38 = arith.constant 0 : index
    %swap3A_39 = vector.load %arg6[%swap3A, %swap3A_37, %swap3A_38] : memref<1x16x256xi32, #tpu.memory_space<vmem>>, vector<1x1x256xi32>
    %swap3A_40 = vector.shape_cast %swap3A_39 : vector<1x1x256xi32> to vector<1x256xi32>
    %swap3A_41 = vector.shape_cast %transpose3A_36 : vector<1x256xi32> to vector<1x1x256xi32>
    tpu.vector_store %arg6[%swap3A, %swap3A_37, %swap3A_38], %swap3A_41 {strides = array<i32>} : memref<1x16x256xi32, #tpu.memory_space<vmem>>, vector<1x1x256xi32>,
    %scan3A_42 = arith.constant 0 : i32
    %scan3A_43 = arith.constant 8 : i32
    %scan3A_44 = arith.addi %scan3A_42, %scan3A_43 : i32
    %scan3A_45 = arith.constant 1 : i32
    scf.for %scan3A_437 = %scan3A_42 to %scan3A_44 step %scan3A_45  : i32 {
      %mul3A_438 = arith.constant 1024 : i32
      %mul3A_439 = arith.muli %scan3A_437, %mul3A_438 : i32
      %add3A_440 = vector.broadcast %mul3A_439 : i32 to vector<256x1024xi32>
      %add3A_441 = arith.addi %iota3A, %add3A_440 : vector<256x1024xi32>
      %eq3A = vector.broadcast %scan3A_30#1 : vector<256x1xi32> to vector<256x1024xi32>
      %eq3A_442 = arith.cmpi eq, %add3A_441, %eq3A : vector<256x1024xi32>
      %get3A_443 = arith.index_cast %scan3A_437 : i32 to index
      %get3A_444 = arith.constant 0 : index
      %get3A_445 = arith.constant 0 : index
      %get3A_446 = vector.load %arg7[%get3A_443, %get3A_444, %get3A_445] : memref<8x256x1024xf32, #tpu.memory_space<vmem>>, vector<1x256x1024xf32>
      %get3A_447 = vector.shape_cast %get3A_446 : vector<1x256x1024xf32> to vector<256x1024xf32>
      %jit3A = arith.constant 1.000000e+30 : f32
      %broadcast_in_dim3A_448 = vector.broadcast %jit3A : f32 to vector<256x1024xf32>
      %select_n3A = arith.select %eq3A_442, %broadcast_in_dim3A_448, %get3A_447 : vector<256x1024xi1>, vector<256x1024xf32>
      %swap3A_449 = arith.index_cast %scan3A_437 : i32 to index
      %swap3A_450 = arith.constant 0 : index
      %swap3A_451 = arith.constant 0 : index
      %swap3A_452 = vector.load %arg7[%swap3A_449, %swap3A_450, %swap3A_451] : memref<8x256x1024xf32, #tpu.memory_space<vmem>>, vector<1x256x1024xf32>
      %swap3A_453 = vector.shape_cast %swap3A_452 : vector<1x256x1024xf32> to vector<256x1024xf32>
      %swap3A_454 = vector.shape_cast %select_n3A : vector<256x1024xf32> to vector<1x256x1024xf32>
      tpu.vector_store %arg7[%swap3A_449, %swap3A_450, %swap3A_451], %swap3A_454 {strides = array<i32>} : memref<8x256x1024xf32, #tpu.memory_space<vmem>>, vector<1x256x1024xf32>,
    }
    %scan3A_46 = arith.constant 8 : i32
    %broadcast_in_dim3A_47 = arith.constant 2.000000e+30 : f32
    %broadcast_in_dim3A_48 = vector.broadcast %broadcast_in_dim3A_47 : f32 to vector<256x1xf32>
    %broadcast_in_dim3A_49 = arith.constant 0 : i32
    %broadcast_in_dim3A_50 = vector.broadcast %broadcast_in_dim3A_49 : i32 to vector<256x1xi32>
    %scan3A_51 = arith.constant 0 : i32
    %scan3A_52 = arith.constant 8 : i32
    %scan3A_53 = arith.addi %scan3A_51, %scan3A_52 : i32
    %scan3A_54 = arith.constant 1 : i32
    %scan3A_55:2 = scf.for %scan3A_437 = %scan3A_51 to %scan3A_53 step %scan3A_54 iter_args(%scan3A_438 = %broadcast_in_dim3A_48, %scan3A_439 = %broadcast_in_dim3A_50) -> (vector<256x1xf32>, vector<256x1xi32>)  : i32 {
      %get3A_440 = arith.index_cast %scan3A_437 : i32 to index
      %get3A_441 = arith.constant 0 : index
      %get3A_442 = arith.constant 0 : index
      %get3A_443 = vector.load %arg7[%get3A_440, %get3A_441, %get3A_442] : memref<8x256x1024xf32, #tpu.memory_space<vmem>>, vector<1x256x1024xf32>
      %get3A_444 = vector.shape_cast %get3A_443 : vector<1x256x1024xf32> to vector<256x1024xf32>
      %reduce_min3A = arith.constant dense<0x7F800000> : vector<256xf32>
      %reduce_min3A_445 = vector.multi_reduction <minimumf>, %get3A_444, %reduce_min3A [1] : vector<256x1024xf32> to vector<256xf32>
      %broadcast_in_dim3A_446 = vector.shape_cast %reduce_min3A_445 : vector<256xf32> to vector<256x1xf32>
      %eq3A = vector.broadcast %broadcast_in_dim3A_446 : vector<256x1xf32> to vector<256x1024xf32>
      %eq3A_447 = arith.cmpf oeq, %get3A_444, %eq3A : vector<256x1024xf32>
      %jit3A = arith.constant 1024 : i32
      %broadcast_in_dim3A_448 = vector.broadcast %jit3A : i32 to vector<256x1024xi32>
      %select_n3A = arith.select %eq3A_447, %iota3A, %broadcast_in_dim3A_448 : vector<256x1024xi1>, vector<256x1024xi32>
      %reduce_min3A_449 = arith.constant dense<2147483647> : vector<256xi32>
      %reduce_min3A_450 = vector.multi_reduction <minsi>, %select_n3A, %reduce_min3A_449 [1] : vector<256x1024xi32> to vector<256xi32>
      %broadcast_in_dim3A_451 = vector.shape_cast %reduce_min3A_450 : vector<256xi32> to vector<256x1xi32>
      %mul3A_452 = arith.constant 1024 : i32
      %mul3A_453 = arith.muli %scan3A_437, %mul3A_452 : i32
      %add3A_454 = vector.broadcast %mul3A_453 : i32 to vector<256x1xi32>
      %add3A_455 = arith.addi %broadcast_in_dim3A_451, %add3A_454 : vector<256x1xi32>
      %lt3A = arith.cmpf olt, %broadcast_in_dim3A_446, %scan3A_438 : vector<256x1xf32>
      %select_n3A_456 = arith.select %lt3A, %broadcast_in_dim3A_446, %scan3A_438 : vector<256x1xi1>, vector<256x1xf32>
      %select_n3A_457 = arith.select %lt3A, %add3A_455, %scan3A_439 : vector<256x1xi1>, vector<256x1xi32>
      scf.yield %select_n3A_456, %select_n3A_457 : vector<256x1xf32>, vector<256x1xi32>
    }
    %scan3A_56 = arith.constant 8 : i32
    %mul3A_57 = arith.constant 8192 : i32
    %mul3A_58 = arith.muli %arg0, %mul3A_57 : i32
    %add3A_59 = vector.broadcast %mul3A_58 : i32 to vector<256x1xi32>
    %add3A_60 = arith.addi %scan3A_55#1, %add3A_59 : vector<256x1xi32>
    %transpose3A_61 = tpu.transpose %add3A_60, [1, 0] : vector<256x1xi32> -> vector<1x256xi32>
    %swap3A_62 = arith.constant 0 : index
    %swap3A_63 = arith.constant 1 : index
    %swap3A_64 = arith.constant 0 : index
    %swap3A_65 = vector.load %arg6[%swap3A_62, %swap3A_63, %swap3A_64] : memref<1x16x256xi32, #tpu.memory_space<vmem>>, vector<1x1x256xi32>
    %swap3A_66 = vector.shape_cast %swap3A_65 : vector<1x1x256xi32> to vector<1x256xi32>
    %swap3A_67 = vector.shape_cast %transpose3A_61 : vector<1x256xi32> to vector<1x1x256xi32>
    tpu.vector_store %arg6[%swap3A_62, %swap3A_63, %swap3A_64], %swap3A_67 {strides = array<i32>} : memref<1x16x256xi32, #tpu.memory_space<vmem>>, vector<1x1x256xi32>,
    %scan3A_68 = arith.constant 0 : i32
    %scan3A_69 = arith.constant 8 : i32
    %scan3A_70 = arith.addi %scan3A_68, %scan3A_69 : i32
    %scan3A_71 = arith.constant 1 : i32
    scf.for %scan3A_437 = %scan3A_68 to %scan3A_70 step %scan3A_71  : i32 {
      %mul3A_438 = arith.constant 1024 : i32
      %mul3A_439 = arith.muli %scan3A_437, %mul3A_438 : i32
      %add3A_440 = vector.broadcast %mul3A_439 : i32 to vector<256x1024xi32>
      %add3A_441 = arith.addi %iota3A, %add3A_440 : vector<256x1024xi32>
      %eq3A = vector.broadcast %scan3A_55#1 : vector<256x1xi32> to vector<256x1024xi32>
      %eq3A_442 = arith.cmpi eq, %add3A_441, %eq3A : vector<256x1024xi32>
      %get3A_443 = arith.index_cast %scan3A_437 : i32 to index
      %get3A_444 = arith.constant 0 : index
      %get3A_445 = arith.constant 0 : index
      %get3A_446 = vector.load %arg7[%get3A_443, %get3A_444, %get3A_445] : memref<8x256x1024xf32, #tpu.memory_space<vmem>>, vector<1x256x1024xf32>
      %get3A_447 = vector.shape_cast %get3A_446 : vector<1x256x1024xf32> to vector<256x1024xf32>
      %jit3A = arith.constant 1.000000e+30 : f32
      %broadcast_in_dim3A_448 = vector.broadcast %jit3A : f32 to vector<256x1024xf32>
      %select_n3A = arith.select %eq3A_442, %broadcast_in_dim3A_448, %get3A_447 : vector<256x1024xi1>, vector<256x1024xf32>
      %swap3A_449 = arith.index_cast %scan3A_437 : i32 to index
      %swap3A_450 = arith.constant 0 : index
      %swap3A_451 = arith.constant 0 : index
      %swap3A_452 = vector.load %arg7[%swap3A_449, %swap3A_450, %swap3A_451] : memref<8x256x1024xf32, #tpu.memory_space<vmem>>, vector<1x256x1024xf32>
      %swap3A_453 = vector.shape_cast %swap3A_452 : vector<1x256x1024xf32> to vector<256x1024xf32>
      %swap3A_454 = vector.shape_cast %select_n3A : vector<256x1024xf32> to vector<1x256x1024xf32>
      tpu.vector_store %arg7[%swap3A_449, %swap3A_450, %swap3A_451], %swap3A_454 {strides = array<i32>} : memref<8x256x1024xf32, #tpu.memory_space<vmem>>, vector<1x256x1024xf32>,
    }
    %scan3A_72 = arith.constant 8 : i32
    %broadcast_in_dim3A_73 = arith.constant 2.000000e+30 : f32
    %broadcast_in_dim3A_74 = vector.broadcast %broadcast_in_dim3A_73 : f32 to vector<256x1xf32>
    %broadcast_in_dim3A_75 = arith.constant 0 : i32
    %broadcast_in_dim3A_76 = vector.broadcast %broadcast_in_dim3A_75 : i32 to vector<256x1xi32>
    %scan3A_77 = arith.constant 0 : i32
    %scan3A_78 = arith.constant 8 : i32
    %scan3A_79 = arith.addi %scan3A_77, %scan3A_78 : i32
    %scan3A_80 = arith.constant 1 : i32
    %scan3A_81:2 = scf.for %scan3A_437 = %scan3A_77 to %scan3A_79 step %scan3A_80 iter_args(%scan3A_438 = %broadcast_in_dim3A_74, %scan3A_439 = %broadcast_in_dim3A_76) -> (vector<256x1xf32>, vector<256x1xi32>)  : i32 {
      %get3A_440 = arith.index_cast %scan3A_437 : i32 to index
      %get3A_441 = arith.constant 0 : index
      %get3A_442 = arith.constant 0 : index
      %get3A_443 = vector.load %arg7[%get3A_440, %get3A_441, %get3A_442] : memref<8x256x1024xf32, #tpu.memory_space<vmem>>, vector<1x256x1024xf32>
      %get3A_444 = vector.shape_cast %get3A_443 : vector<1x256x1024xf32> to vector<256x1024xf32>
      %reduce_min3A = arith.constant dense<0x7F800000> : vector<256xf32>
      %reduce_min3A_445 = vector.multi_reduction <minimumf>, %get3A_444, %reduce_min3A [1] : vector<256x1024xf32> to vector<256xf32>
      %broadcast_in_dim3A_446 = vector.shape_cast %reduce_min3A_445 : vector<256xf32> to vector<256x1xf32>
      %eq3A = vector.broadcast %broadcast_in_dim3A_446 : vector<256x1xf32> to vector<256x1024xf32>
      %eq3A_447 = arith.cmpf oeq, %get3A_444, %eq3A : vector<256x1024xf32>
      %jit3A = arith.constant 1024 : i32
      %broadcast_in_dim3A_448 = vector.broadcast %jit3A : i32 to vector<256x1024xi32>
      %select_n3A = arith.select %eq3A_447, %iota3A, %broadcast_in_dim3A_448 : vector<256x1024xi1>, vector<256x1024xi32>
      %reduce_min3A_449 = arith.constant dense<2147483647> : vector<256xi32>
      %reduce_min3A_450 = vector.multi_reduction <minsi>, %select_n3A, %reduce_min3A_449 [1] : vector<256x1024xi32> to vector<256xi32>
      %broadcast_in_dim3A_451 = vector.shape_cast %reduce_min3A_450 : vector<256xi32> to vector<256x1xi32>
      %mul3A_452 = arith.constant 1024 : i32
      %mul3A_453 = arith.muli %scan3A_437, %mul3A_452 : i32
      %add3A_454 = vector.broadcast %mul3A_453 : i32 to vector<256x1xi32>
      %add3A_455 = arith.addi %broadcast_in_dim3A_451, %add3A_454 : vector<256x1xi32>
      %lt3A = arith.cmpf olt, %broadcast_in_dim3A_446, %scan3A_438 : vector<256x1xf32>
      %select_n3A_456 = arith.select %lt3A, %broadcast_in_dim3A_446, %scan3A_438 : vector<256x1xi1>, vector<256x1xf32>
      %select_n3A_457 = arith.select %lt3A, %add3A_455, %scan3A_439 : vector<256x1xi1>, vector<256x1xi32>
      scf.yield %select_n3A_456, %select_n3A_457 : vector<256x1xf32>, vector<256x1xi32>
    }
    %scan3A_82 = arith.constant 8 : i32
    %mul3A_83 = arith.constant 8192 : i32
    %mul3A_84 = arith.muli %arg0, %mul3A_83 : i32
    %add3A_85 = vector.broadcast %mul3A_84 : i32 to vector<256x1xi32>
    %add3A_86 = arith.addi %scan3A_81#1, %add3A_85 : vector<256x1xi32>
    %transpose3A_87 = tpu.transpose %add3A_86, [1, 0] : vector<256x1xi32> -> vector<1x256xi32>
    %swap3A_88 = arith.constant 0 : index
    %swap3A_89 = arith.constant 2 : index
    %swap3A_90 = arith.constant 0 : index
    %swap3A_91 = vector.load %arg6[%swap3A_88, %swap3A_89, %swap3A_90] : memref<1x16x256xi32, #tpu.memory_space<vmem>>, vector<1x1x256xi32>
    %swap3A_92 = vector.shape_cast %swap3A_91 : vector<1x1x256xi32> to vector<1x256xi32>
    %swap3A_93 = vector.shape_cast %transpose3A_87 : vector<1x256xi32> to vector<1x1x256xi32>
    tpu.vector_store %arg6[%swap3A_88, %swap3A_89, %swap3A_90], %swap3A_93 {strides = array<i32>} : memref<1x16x256xi32, #tpu.memory_space<vmem>>, vector<1x1x256xi32>,
    %scan3A_94 = arith.constant 0 : i32
    %scan3A_95 = arith.constant 8 : i32
    %scan3A_96 = arith.addi %scan3A_94, %scan3A_95 : i32
    %scan3A_97 = arith.constant 1 : i32
    scf.for %scan3A_437 = %scan3A_94 to %scan3A_96 step %scan3A_97  : i32 {
      %mul3A_438 = arith.constant 1024 : i32
      %mul3A_439 = arith.muli %scan3A_437, %mul3A_438 : i32
      %add3A_440 = vector.broadcast %mul3A_439 : i32 to vector<256x1024xi32>
      %add3A_441 = arith.addi %iota3A, %add3A_440 : vector<256x1024xi32>
      %eq3A = vector.broadcast %scan3A_81#1 : vector<256x1xi32> to vector<256x1024xi32>
      %eq3A_442 = arith.cmpi eq, %add3A_441, %eq3A : vector<256x1024xi32>
      %get3A_443 = arith.index_cast %scan3A_437 : i32 to index
      %get3A_444 = arith.constant 0 : index
      %get3A_445 = arith.constant 0 : index
      %get3A_446 = vector.load %arg7[%get3A_443, %get3A_444, %get3A_445] : memref<8x256x1024xf32, #tpu.memory_space<vmem>>, vector<1x256x1024xf32>
      %get3A_447 = vector.shape_cast %get3A_446 : vector<1x256x1024xf32> to vector<256x1024xf32>
      %jit3A = arith.constant 1.000000e+30 : f32
      %broadcast_in_dim3A_448 = vector.broadcast %jit3A : f32 to vector<256x1024xf32>
      %select_n3A = arith.select %eq3A_442, %broadcast_in_dim3A_448, %get3A_447 : vector<256x1024xi1>, vector<256x1024xf32>
      %swap3A_449 = arith.index_cast %scan3A_437 : i32 to index
      %swap3A_450 = arith.constant 0 : index
      %swap3A_451 = arith.constant 0 : index
      %swap3A_452 = vector.load %arg7[%swap3A_449, %swap3A_450, %swap3A_451] : memref<8x256x1024xf32, #tpu.memory_space<vmem>>, vector<1x256x1024xf32>
      %swap3A_453 = vector.shape_cast %swap3A_452 : vector<1x256x1024xf32> to vector<256x1024xf32>
      %swap3A_454 = vector.shape_cast %select_n3A : vector<256x1024xf32> to vector<1x256x1024xf32>
      tpu.vector_store %arg7[%swap3A_449, %swap3A_450, %swap3A_451], %swap3A_454 {strides = array<i32>} : memref<8x256x1024xf32, #tpu.memory_space<vmem>>, vector<1x256x1024xf32>,
    }
    %scan3A_98 = arith.constant 8 : i32
    %broadcast_in_dim3A_99 = arith.constant 2.000000e+30 : f32
    %broadcast_in_dim3A_100 = vector.broadcast %broadcast_in_dim3A_99 : f32 to vector<256x1xf32>
    %broadcast_in_dim3A_101 = arith.constant 0 : i32
    %broadcast_in_dim3A_102 = vector.broadcast %broadcast_in_dim3A_101 : i32 to vector<256x1xi32>
    %scan3A_103 = arith.constant 0 : i32
    %scan3A_104 = arith.constant 8 : i32
    %scan3A_105 = arith.addi %scan3A_103, %scan3A_104 : i32
    %scan3A_106 = arith.constant 1 : i32
    %scan3A_107:2 = scf.for %scan3A_437 = %scan3A_103 to %scan3A_105 step %scan3A_106 iter_args(%scan3A_438 = %broadcast_in_dim3A_100, %scan3A_439 = %broadcast_in_dim3A_102) -> (vector<256x1xf32>, vector<256x1xi32>)  : i32 {
      %get3A_440 = arith.index_cast %scan3A_437 : i32 to index
      %get3A_441 = arith.constant 0 : index
      %get3A_442 = arith.constant 0 : index
      %get3A_443 = vector.load %arg7[%get3A_440, %get3A_441, %get3A_442] : memref<8x256x1024xf32, #tpu.memory_space<vmem>>, vector<1x256x1024xf32>
      %get3A_444 = vector.shape_cast %get3A_443 : vector<1x256x1024xf32> to vector<256x1024xf32>
      %reduce_min3A = arith.constant dense<0x7F800000> : vector<256xf32>
      %reduce_min3A_445 = vector.multi_reduction <minimumf>, %get3A_444, %reduce_min3A [1] : vector<256x1024xf32> to vector<256xf32>
      %broadcast_in_dim3A_446 = vector.shape_cast %reduce_min3A_445 : vector<256xf32> to vector<256x1xf32>
      %eq3A = vector.broadcast %broadcast_in_dim3A_446 : vector<256x1xf32> to vector<256x1024xf32>
      %eq3A_447 = arith.cmpf oeq, %get3A_444, %eq3A : vector<256x1024xf32>
      %jit3A = arith.constant 1024 : i32
      %broadcast_in_dim3A_448 = vector.broadcast %jit3A : i32 to vector<256x1024xi32>
      %select_n3A = arith.select %eq3A_447, %iota3A, %broadcast_in_dim3A_448 : vector<256x1024xi1>, vector<256x1024xi32>
      %reduce_min3A_449 = arith.constant dense<2147483647> : vector<256xi32>
      %reduce_min3A_450 = vector.multi_reduction <minsi>, %select_n3A, %reduce_min3A_449 [1] : vector<256x1024xi32> to vector<256xi32>
      %broadcast_in_dim3A_451 = vector.shape_cast %reduce_min3A_450 : vector<256xi32> to vector<256x1xi32>
      %mul3A_452 = arith.constant 1024 : i32
      %mul3A_453 = arith.muli %scan3A_437, %mul3A_452 : i32
      %add3A_454 = vector.broadcast %mul3A_453 : i32 to vector<256x1xi32>
      %add3A_455 = arith.addi %broadcast_in_dim3A_451, %add3A_454 : vector<256x1xi32>
      %lt3A = arith.cmpf olt, %broadcast_in_dim3A_446, %scan3A_438 : vector<256x1xf32>
      %select_n3A_456 = arith.select %lt3A, %broadcast_in_dim3A_446, %scan3A_438 : vector<256x1xi1>, vector<256x1xf32>
      %select_n3A_457 = arith.select %lt3A, %add3A_455, %scan3A_439 : vector<256x1xi1>, vector<256x1xi32>
      scf.yield %select_n3A_456, %select_n3A_457 : vector<256x1xf32>, vector<256x1xi32>
    }
    %scan3A_108 = arith.constant 8 : i32
    %mul3A_109 = arith.constant 8192 : i32
    %mul3A_110 = arith.muli %arg0, %mul3A_109 : i32
    %add3A_111 = vector.broadcast %mul3A_110 : i32 to vector<256x1xi32>
    %add3A_112 = arith.addi %scan3A_107#1, %add3A_111 : vector<256x1xi32>
    %transpose3A_113 = tpu.transpose %add3A_112, [1, 0] : vector<256x1xi32> -> vector<1x256xi32>
    %swap3A_114 = arith.constant 0 : index
    %swap3A_115 = arith.constant 3 : index
    %swap3A_116 = arith.constant 0 : index
    %swap3A_117 = vector.load %arg6[%swap3A_114, %swap3A_115, %swap3A_116] : memref<1x16x256xi32, #tpu.memory_space<vmem>>, vector<1x1x256xi32>
    %swap3A_118 = vector.shape_cast %swap3A_117 : vector<1x1x256xi32> to vector<1x256xi32>
    %swap3A_119 = vector.shape_cast %transpose3A_113 : vector<1x256xi32> to vector<1x1x256xi32>
    tpu.vector_store %arg6[%swap3A_114, %swap3A_115, %swap3A_116], %swap3A_119 {strides = array<i32>} : memref<1x16x256xi32, #tpu.memory_space<vmem>>, vector<1x1x256xi32>,
    %scan3A_120 = arith.constant 0 : i32
    %scan3A_121 = arith.constant 8 : i32
    %scan3A_122 = arith.addi %scan3A_120, %scan3A_121 : i32
    %scan3A_123 = arith.constant 1 : i32
    scf.for %scan3A_437 = %scan3A_120 to %scan3A_122 step %scan3A_123  : i32 {
      %mul3A_438 = arith.constant 1024 : i32
      %mul3A_439 = arith.muli %scan3A_437, %mul3A_438 : i32
      %add3A_440 = vector.broadcast %mul3A_439 : i32 to vector<256x1024xi32>
      %add3A_441 = arith.addi %iota3A, %add3A_440 : vector<256x1024xi32>
      %eq3A = vector.broadcast %scan3A_107#1 : vector<256x1xi32> to vector<256x1024xi32>
      %eq3A_442 = arith.cmpi eq, %add3A_441, %eq3A : vector<256x1024xi32>
      %get3A_443 = arith.index_cast %scan3A_437 : i32 to index
      %get3A_444 = arith.constant 0 : index
      %get3A_445 = arith.constant 0 : index
      %get3A_446 = vector.load %arg7[%get3A_443, %get3A_444, %get3A_445] : memref<8x256x1024xf32, #tpu.memory_space<vmem>>, vector<1x256x1024xf32>
      %get3A_447 = vector.shape_cast %get3A_446 : vector<1x256x1024xf32> to vector<256x1024xf32>
      %jit3A = arith.constant 1.000000e+30 : f32
      %broadcast_in_dim3A_448 = vector.broadcast %jit3A : f32 to vector<256x1024xf32>
      %select_n3A = arith.select %eq3A_442, %broadcast_in_dim3A_448, %get3A_447 : vector<256x1024xi1>, vector<256x1024xf32>
      %swap3A_449 = arith.index_cast %scan3A_437 : i32 to index
      %swap3A_450 = arith.constant 0 : index
      %swap3A_451 = arith.constant 0 : index
      %swap3A_452 = vector.load %arg7[%swap3A_449, %swap3A_450, %swap3A_451] : memref<8x256x1024xf32, #tpu.memory_space<vmem>>, vector<1x256x1024xf32>
      %swap3A_453 = vector.shape_cast %swap3A_452 : vector<1x256x1024xf32> to vector<256x1024xf32>
      %swap3A_454 = vector.shape_cast %select_n3A : vector<256x1024xf32> to vector<1x256x1024xf32>
      tpu.vector_store %arg7[%swap3A_449, %swap3A_450, %swap3A_451], %swap3A_454 {strides = array<i32>} : memref<8x256x1024xf32, #tpu.memory_space<vmem>>, vector<1x256x1024xf32>,
    }
    %scan3A_124 = arith.constant 8 : i32
    %broadcast_in_dim3A_125 = arith.constant 2.000000e+30 : f32
    %broadcast_in_dim3A_126 = vector.broadcast %broadcast_in_dim3A_125 : f32 to vector<256x1xf32>
    %broadcast_in_dim3A_127 = arith.constant 0 : i32
    %broadcast_in_dim3A_128 = vector.broadcast %broadcast_in_dim3A_127 : i32 to vector<256x1xi32>
    %scan3A_129 = arith.constant 0 : i32
    %scan3A_130 = arith.constant 8 : i32
    %scan3A_131 = arith.addi %scan3A_129, %scan3A_130 : i32
    %scan3A_132 = arith.constant 1 : i32
    %scan3A_133:2 = scf.for %scan3A_437 = %scan3A_129 to %scan3A_131 step %scan3A_132 iter_args(%scan3A_438 = %broadcast_in_dim3A_126, %scan3A_439 = %broadcast_in_dim3A_128) -> (vector<256x1xf32>, vector<256x1xi32>)  : i32 {
      %get3A_440 = arith.index_cast %scan3A_437 : i32 to index
      %get3A_441 = arith.constant 0 : index
      %get3A_442 = arith.constant 0 : index
      %get3A_443 = vector.load %arg7[%get3A_440, %get3A_441, %get3A_442] : memref<8x256x1024xf32, #tpu.memory_space<vmem>>, vector<1x256x1024xf32>
      %get3A_444 = vector.shape_cast %get3A_443 : vector<1x256x1024xf32> to vector<256x1024xf32>
      %reduce_min3A = arith.constant dense<0x7F800000> : vector<256xf32>
      %reduce_min3A_445 = vector.multi_reduction <minimumf>, %get3A_444, %reduce_min3A [1] : vector<256x1024xf32> to vector<256xf32>
      %broadcast_in_dim3A_446 = vector.shape_cast %reduce_min3A_445 : vector<256xf32> to vector<256x1xf32>
      %eq3A = vector.broadcast %broadcast_in_dim3A_446 : vector<256x1xf32> to vector<256x1024xf32>
      %eq3A_447 = arith.cmpf oeq, %get3A_444, %eq3A : vector<256x1024xf32>
      %jit3A = arith.constant 1024 : i32
      %broadcast_in_dim3A_448 = vector.broadcast %jit3A : i32 to vector<256x1024xi32>
      %select_n3A = arith.select %eq3A_447, %iota3A, %broadcast_in_dim3A_448 : vector<256x1024xi1>, vector<256x1024xi32>
      %reduce_min3A_449 = arith.constant dense<2147483647> : vector<256xi32>
      %reduce_min3A_450 = vector.multi_reduction <minsi>, %select_n3A, %reduce_min3A_449 [1] : vector<256x1024xi32> to vector<256xi32>
      %broadcast_in_dim3A_451 = vector.shape_cast %reduce_min3A_450 : vector<256xi32> to vector<256x1xi32>
      %mul3A_452 = arith.constant 1024 : i32
      %mul3A_453 = arith.muli %scan3A_437, %mul3A_452 : i32
      %add3A_454 = vector.broadcast %mul3A_453 : i32 to vector<256x1xi32>
      %add3A_455 = arith.addi %broadcast_in_dim3A_451, %add3A_454 : vector<256x1xi32>
      %lt3A = arith.cmpf olt, %broadcast_in_dim3A_446, %scan3A_438 : vector<256x1xf32>
      %select_n3A_456 = arith.select %lt3A, %broadcast_in_dim3A_446, %scan3A_438 : vector<256x1xi1>, vector<256x1xf32>
      %select_n3A_457 = arith.select %lt3A, %add3A_455, %scan3A_439 : vector<256x1xi1>, vector<256x1xi32>
      scf.yield %select_n3A_456, %select_n3A_457 : vector<256x1xf32>, vector<256x1xi32>
    }
    %scan3A_134 = arith.constant 8 : i32
    %mul3A_135 = arith.constant 8192 : i32
    %mul3A_136 = arith.muli %arg0, %mul3A_135 : i32
    %add3A_137 = vector.broadcast %mul3A_136 : i32 to vector<256x1xi32>
    %add3A_138 = arith.addi %scan3A_133#1, %add3A_137 : vector<256x1xi32>
    %transpose3A_139 = tpu.transpose %add3A_138, [1, 0] : vector<256x1xi32> -> vector<1x256xi32>
    %swap3A_140 = arith.constant 0 : index
    %swap3A_141 = arith.constant 4 : index
    %swap3A_142 = arith.constant 0 : index
    %swap3A_143 = vector.load %arg6[%swap3A_140, %swap3A_141, %swap3A_142] : memref<1x16x256xi32, #tpu.memory_space<vmem>>, vector<1x1x256xi32>
    %swap3A_144 = vector.shape_cast %swap3A_143 : vector<1x1x256xi32> to vector<1x256xi32>
    %swap3A_145 = vector.shape_cast %transpose3A_139 : vector<1x256xi32> to vector<1x1x256xi32>
    tpu.vector_store %arg6[%swap3A_140, %swap3A_141, %swap3A_142], %swap3A_145 {strides = array<i32>} : memref<1x16x256xi32, #tpu.memory_space<vmem>>, vector<1x1x256xi32>,
    %scan3A_146 = arith.constant 0 : i32
    %scan3A_147 = arith.constant 8 : i32
    %scan3A_148 = arith.addi %scan3A_146, %scan3A_147 : i32
    %scan3A_149 = arith.constant 1 : i32
    scf.for %scan3A_437 = %scan3A_146 to %scan3A_148 step %scan3A_149  : i32 {
      %mul3A_438 = arith.constant 1024 : i32
      %mul3A_439 = arith.muli %scan3A_437, %mul3A_438 : i32
      %add3A_440 = vector.broadcast %mul3A_439 : i32 to vector<256x1024xi32>
      %add3A_441 = arith.addi %iota3A, %add3A_440 : vector<256x1024xi32>
      %eq3A = vector.broadcast %scan3A_133#1 : vector<256x1xi32> to vector<256x1024xi32>
      %eq3A_442 = arith.cmpi eq, %add3A_441, %eq3A : vector<256x1024xi32>
      %get3A_443 = arith.index_cast %scan3A_437 : i32 to index
      %get3A_444 = arith.constant 0 : index
      %get3A_445 = arith.constant 0 : index
      %get3A_446 = vector.load %arg7[%get3A_443, %get3A_444, %get3A_445] : memref<8x256x1024xf32, #tpu.memory_space<vmem>>, vector<1x256x1024xf32>
      %get3A_447 = vector.shape_cast %get3A_446 : vector<1x256x1024xf32> to vector<256x1024xf32>
      %jit3A = arith.constant 1.000000e+30 : f32
      %broadcast_in_dim3A_448 = vector.broadcast %jit3A : f32 to vector<256x1024xf32>
      %select_n3A = arith.select %eq3A_442, %broadcast_in_dim3A_448, %get3A_447 : vector<256x1024xi1>, vector<256x1024xf32>
      %swap3A_449 = arith.index_cast %scan3A_437 : i32 to index
      %swap3A_450 = arith.constant 0 : index
      %swap3A_451 = arith.constant 0 : index
      %swap3A_452 = vector.load %arg7[%swap3A_449, %swap3A_450, %swap3A_451] : memref<8x256x1024xf32, #tpu.memory_space<vmem>>, vector<1x256x1024xf32>
      %swap3A_453 = vector.shape_cast %swap3A_452 : vector<1x256x1024xf32> to vector<256x1024xf32>
      %swap3A_454 = vector.shape_cast %select_n3A : vector<256x1024xf32> to vector<1x256x1024xf32>
      tpu.vector_store %arg7[%swap3A_449, %swap3A_450, %swap3A_451], %swap3A_454 {strides = array<i32>} : memref<8x256x1024xf32, #tpu.memory_space<vmem>>, vector<1x256x1024xf32>,
    }
    %scan3A_150 = arith.constant 8 : i32
    %broadcast_in_dim3A_151 = arith.constant 2.000000e+30 : f32
    %broadcast_in_dim3A_152 = vector.broadcast %broadcast_in_dim3A_151 : f32 to vector<256x1xf32>
    %broadcast_in_dim3A_153 = arith.constant 0 : i32
    %broadcast_in_dim3A_154 = vector.broadcast %broadcast_in_dim3A_153 : i32 to vector<256x1xi32>
    %scan3A_155 = arith.constant 0 : i32
    %scan3A_156 = arith.constant 8 : i32
    %scan3A_157 = arith.addi %scan3A_155, %scan3A_156 : i32
    %scan3A_158 = arith.constant 1 : i32
    %scan3A_159:2 = scf.for %scan3A_437 = %scan3A_155 to %scan3A_157 step %scan3A_158 iter_args(%scan3A_438 = %broadcast_in_dim3A_152, %scan3A_439 = %broadcast_in_dim3A_154) -> (vector<256x1xf32>, vector<256x1xi32>)  : i32 {
      %get3A_440 = arith.index_cast %scan3A_437 : i32 to index
      %get3A_441 = arith.constant 0 : index
      %get3A_442 = arith.constant 0 : index
      %get3A_443 = vector.load %arg7[%get3A_440, %get3A_441, %get3A_442] : memref<8x256x1024xf32, #tpu.memory_space<vmem>>, vector<1x256x1024xf32>
      %get3A_444 = vector.shape_cast %get3A_443 : vector<1x256x1024xf32> to vector<256x1024xf32>
      %reduce_min3A = arith.constant dense<0x7F800000> : vector<256xf32>
      %reduce_min3A_445 = vector.multi_reduction <minimumf>, %get3A_444, %reduce_min3A [1] : vector<256x1024xf32> to vector<256xf32>
      %broadcast_in_dim3A_446 = vector.shape_cast %reduce_min3A_445 : vector<256xf32> to vector<256x1xf32>
      %eq3A = vector.broadcast %broadcast_in_dim3A_446 : vector<256x1xf32> to vector<256x1024xf32>
      %eq3A_447 = arith.cmpf oeq, %get3A_444, %eq3A : vector<256x1024xf32>
      %jit3A = arith.constant 1024 : i32
      %broadcast_in_dim3A_448 = vector.broadcast %jit3A : i32 to vector<256x1024xi32>
      %select_n3A = arith.select %eq3A_447, %iota3A, %broadcast_in_dim3A_448 : vector<256x1024xi1>, vector<256x1024xi32>
      %reduce_min3A_449 = arith.constant dense<2147483647> : vector<256xi32>
      %reduce_min3A_450 = vector.multi_reduction <minsi>, %select_n3A, %reduce_min3A_449 [1] : vector<256x1024xi32> to vector<256xi32>
      %broadcast_in_dim3A_451 = vector.shape_cast %reduce_min3A_450 : vector<256xi32> to vector<256x1xi32>
      %mul3A_452 = arith.constant 1024 : i32
      %mul3A_453 = arith.muli %scan3A_437, %mul3A_452 : i32
      %add3A_454 = vector.broadcast %mul3A_453 : i32 to vector<256x1xi32>
      %add3A_455 = arith.addi %broadcast_in_dim3A_451, %add3A_454 : vector<256x1xi32>
      %lt3A = arith.cmpf olt, %broadcast_in_dim3A_446, %scan3A_438 : vector<256x1xf32>
      %select_n3A_456 = arith.select %lt3A, %broadcast_in_dim3A_446, %scan3A_438 : vector<256x1xi1>, vector<256x1xf32>
      %select_n3A_457 = arith.select %lt3A, %add3A_455, %scan3A_439 : vector<256x1xi1>, vector<256x1xi32>
      scf.yield %select_n3A_456, %select_n3A_457 : vector<256x1xf32>, vector<256x1xi32>
    }
    %scan3A_160 = arith.constant 8 : i32
    %mul3A_161 = arith.constant 8192 : i32
    %mul3A_162 = arith.muli %arg0, %mul3A_161 : i32
    %add3A_163 = vector.broadcast %mul3A_162 : i32 to vector<256x1xi32>
    %add3A_164 = arith.addi %scan3A_159#1, %add3A_163 : vector<256x1xi32>
    %transpose3A_165 = tpu.transpose %add3A_164, [1, 0] : vector<256x1xi32> -> vector<1x256xi32>
    %swap3A_166 = arith.constant 0 : index
    %swap3A_167 = arith.constant 5 : index
    %swap3A_168 = arith.constant 0 : index
    %swap3A_169 = vector.load %arg6[%swap3A_166, %swap3A_167, %swap3A_168] : memref<1x16x256xi32, #tpu.memory_space<vmem>>, vector<1x1x256xi32>
    %swap3A_170 = vector.shape_cast %swap3A_169 : vector<1x1x256xi32> to vector<1x256xi32>
    %swap3A_171 = vector.shape_cast %transpose3A_165 : vector<1x256xi32> to vector<1x1x256xi32>
    tpu.vector_store %arg6[%swap3A_166, %swap3A_167, %swap3A_168], %swap3A_171 {strides = array<i32>} : memref<1x16x256xi32, #tpu.memory_space<vmem>>, vector<1x1x256xi32>,
    %scan3A_172 = arith.constant 0 : i32
    %scan3A_173 = arith.constant 8 : i32
    %scan3A_174 = arith.addi %scan3A_172, %scan3A_173 : i32
    %scan3A_175 = arith.constant 1 : i32
    scf.for %scan3A_437 = %scan3A_172 to %scan3A_174 step %scan3A_175  : i32 {
      %mul3A_438 = arith.constant 1024 : i32
      %mul3A_439 = arith.muli %scan3A_437, %mul3A_438 : i32
      %add3A_440 = vector.broadcast %mul3A_439 : i32 to vector<256x1024xi32>
      %add3A_441 = arith.addi %iota3A, %add3A_440 : vector<256x1024xi32>
      %eq3A = vector.broadcast %scan3A_159#1 : vector<256x1xi32> to vector<256x1024xi32>
      %eq3A_442 = arith.cmpi eq, %add3A_441, %eq3A : vector<256x1024xi32>
      %get3A_443 = arith.index_cast %scan3A_437 : i32 to index
      %get3A_444 = arith.constant 0 : index
      %get3A_445 = arith.constant 0 : index
      %get3A_446 = vector.load %arg7[%get3A_443, %get3A_444, %get3A_445] : memref<8x256x1024xf32, #tpu.memory_space<vmem>>, vector<1x256x1024xf32>
      %get3A_447 = vector.shape_cast %get3A_446 : vector<1x256x1024xf32> to vector<256x1024xf32>
      %jit3A = arith.constant 1.000000e+30 : f32
      %broadcast_in_dim3A_448 = vector.broadcast %jit3A : f32 to vector<256x1024xf32>
      %select_n3A = arith.select %eq3A_442, %broadcast_in_dim3A_448, %get3A_447 : vector<256x1024xi1>, vector<256x1024xf32>
      %swap3A_449 = arith.index_cast %scan3A_437 : i32 to index
      %swap3A_450 = arith.constant 0 : index
      %swap3A_451 = arith.constant 0 : index
      %swap3A_452 = vector.load %arg7[%swap3A_449, %swap3A_450, %swap3A_451] : memref<8x256x1024xf32, #tpu.memory_space<vmem>>, vector<1x256x1024xf32>
      %swap3A_453 = vector.shape_cast %swap3A_452 : vector<1x256x1024xf32> to vector<256x1024xf32>
      %swap3A_454 = vector.shape_cast %select_n3A : vector<256x1024xf32> to vector<1x256x1024xf32>
      tpu.vector_store %arg7[%swap3A_449, %swap3A_450, %swap3A_451], %swap3A_454 {strides = array<i32>} : memref<8x256x1024xf32, #tpu.memory_space<vmem>>, vector<1x256x1024xf32>,
    }
    %scan3A_176 = arith.constant 8 : i32
    %broadcast_in_dim3A_177 = arith.constant 2.000000e+30 : f32
    %broadcast_in_dim3A_178 = vector.broadcast %broadcast_in_dim3A_177 : f32 to vector<256x1xf32>
    %broadcast_in_dim3A_179 = arith.constant 0 : i32
    %broadcast_in_dim3A_180 = vector.broadcast %broadcast_in_dim3A_179 : i32 to vector<256x1xi32>
    %scan3A_181 = arith.constant 0 : i32
    %scan3A_182 = arith.constant 8 : i32
    %scan3A_183 = arith.addi %scan3A_181, %scan3A_182 : i32
    %scan3A_184 = arith.constant 1 : i32
    %scan3A_185:2 = scf.for %scan3A_437 = %scan3A_181 to %scan3A_183 step %scan3A_184 iter_args(%scan3A_438 = %broadcast_in_dim3A_178, %scan3A_439 = %broadcast_in_dim3A_180) -> (vector<256x1xf32>, vector<256x1xi32>)  : i32 {
      %get3A_440 = arith.index_cast %scan3A_437 : i32 to index
      %get3A_441 = arith.constant 0 : index
      %get3A_442 = arith.constant 0 : index
      %get3A_443 = vector.load %arg7[%get3A_440, %get3A_441, %get3A_442] : memref<8x256x1024xf32, #tpu.memory_space<vmem>>, vector<1x256x1024xf32>
      %get3A_444 = vector.shape_cast %get3A_443 : vector<1x256x1024xf32> to vector<256x1024xf32>
      %reduce_min3A = arith.constant dense<0x7F800000> : vector<256xf32>
      %reduce_min3A_445 = vector.multi_reduction <minimumf>, %get3A_444, %reduce_min3A [1] : vector<256x1024xf32> to vector<256xf32>
      %broadcast_in_dim3A_446 = vector.shape_cast %reduce_min3A_445 : vector<256xf32> to vector<256x1xf32>
      %eq3A = vector.broadcast %broadcast_in_dim3A_446 : vector<256x1xf32> to vector<256x1024xf32>
      %eq3A_447 = arith.cmpf oeq, %get3A_444, %eq3A : vector<256x1024xf32>
      %jit3A = arith.constant 1024 : i32
      %broadcast_in_dim3A_448 = vector.broadcast %jit3A : i32 to vector<256x1024xi32>
      %select_n3A = arith.select %eq3A_447, %iota3A, %broadcast_in_dim3A_448 : vector<256x1024xi1>, vector<256x1024xi32>
      %reduce_min3A_449 = arith.constant dense<2147483647> : vector<256xi32>
      %reduce_min3A_450 = vector.multi_reduction <minsi>, %select_n3A, %reduce_min3A_449 [1] : vector<256x1024xi32> to vector<256xi32>
      %broadcast_in_dim3A_451 = vector.shape_cast %reduce_min3A_450 : vector<256xi32> to vector<256x1xi32>
      %mul3A_452 = arith.constant 1024 : i32
      %mul3A_453 = arith.muli %scan3A_437, %mul3A_452 : i32
      %add3A_454 = vector.broadcast %mul3A_453 : i32 to vector<256x1xi32>
      %add3A_455 = arith.addi %broadcast_in_dim3A_451, %add3A_454 : vector<256x1xi32>
      %lt3A = arith.cmpf olt, %broadcast_in_dim3A_446, %scan3A_438 : vector<256x1xf32>
      %select_n3A_456 = arith.select %lt3A, %broadcast_in_dim3A_446, %scan3A_438 : vector<256x1xi1>, vector<256x1xf32>
      %select_n3A_457 = arith.select %lt3A, %add3A_455, %scan3A_439 : vector<256x1xi1>, vector<256x1xi32>
      scf.yield %select_n3A_456, %select_n3A_457 : vector<256x1xf32>, vector<256x1xi32>
    }
    %scan3A_186 = arith.constant 8 : i32
    %mul3A_187 = arith.constant 8192 : i32
    %mul3A_188 = arith.muli %arg0, %mul3A_187 : i32
    %add3A_189 = vector.broadcast %mul3A_188 : i32 to vector<256x1xi32>
    %add3A_190 = arith.addi %scan3A_185#1, %add3A_189 : vector<256x1xi32>
    %transpose3A_191 = tpu.transpose %add3A_190, [1, 0] : vector<256x1xi32> -> vector<1x256xi32>
    %swap3A_192 = arith.constant 0 : index
    %swap3A_193 = arith.constant 6 : index
    %swap3A_194 = arith.constant 0 : index
    %swap3A_195 = vector.load %arg6[%swap3A_192, %swap3A_193, %swap3A_194] : memref<1x16x256xi32, #tpu.memory_space<vmem>>, vector<1x1x256xi32>
    %swap3A_196 = vector.shape_cast %swap3A_195 : vector<1x1x256xi32> to vector<1x256xi32>
    %swap3A_197 = vector.shape_cast %transpose3A_191 : vector<1x256xi32> to vector<1x1x256xi32>
    tpu.vector_store %arg6[%swap3A_192, %swap3A_193, %swap3A_194], %swap3A_197 {strides = array<i32>} : memref<1x16x256xi32, #tpu.memory_space<vmem>>, vector<1x1x256xi32>,
    %scan3A_198 = arith.constant 0 : i32
    %scan3A_199 = arith.constant 8 : i32
    %scan3A_200 = arith.addi %scan3A_198, %scan3A_199 : i32
    %scan3A_201 = arith.constant 1 : i32
    scf.for %scan3A_437 = %scan3A_198 to %scan3A_200 step %scan3A_201  : i32 {
      %mul3A_438 = arith.constant 1024 : i32
      %mul3A_439 = arith.muli %scan3A_437, %mul3A_438 : i32
      %add3A_440 = vector.broadcast %mul3A_439 : i32 to vector<256x1024xi32>
      %add3A_441 = arith.addi %iota3A, %add3A_440 : vector<256x1024xi32>
      %eq3A = vector.broadcast %scan3A_185#1 : vector<256x1xi32> to vector<256x1024xi32>
      %eq3A_442 = arith.cmpi eq, %add3A_441, %eq3A : vector<256x1024xi32>
      %get3A_443 = arith.index_cast %scan3A_437 : i32 to index
      %get3A_444 = arith.constant 0 : index
      %get3A_445 = arith.constant 0 : index
      %get3A_446 = vector.load %arg7[%get3A_443, %get3A_444, %get3A_445] : memref<8x256x1024xf32, #tpu.memory_space<vmem>>, vector<1x256x1024xf32>
      %get3A_447 = vector.shape_cast %get3A_446 : vector<1x256x1024xf32> to vector<256x1024xf32>
      %jit3A = arith.constant 1.000000e+30 : f32
      %broadcast_in_dim3A_448 = vector.broadcast %jit3A : f32 to vector<256x1024xf32>
      %select_n3A = arith.select %eq3A_442, %broadcast_in_dim3A_448, %get3A_447 : vector<256x1024xi1>, vector<256x1024xf32>
      %swap3A_449 = arith.index_cast %scan3A_437 : i32 to index
      %swap3A_450 = arith.constant 0 : index
      %swap3A_451 = arith.constant 0 : index
      %swap3A_452 = vector.load %arg7[%swap3A_449, %swap3A_450, %swap3A_451] : memref<8x256x1024xf32, #tpu.memory_space<vmem>>, vector<1x256x1024xf32>
      %swap3A_453 = vector.shape_cast %swap3A_452 : vector<1x256x1024xf32> to vector<256x1024xf32>
      %swap3A_454 = vector.shape_cast %select_n3A : vector<256x1024xf32> to vector<1x256x1024xf32>
      tpu.vector_store %arg7[%swap3A_449, %swap3A_450, %swap3A_451], %swap3A_454 {strides = array<i32>} : memref<8x256x1024xf32, #tpu.memory_space<vmem>>, vector<1x256x1024xf32>,
    }
    %scan3A_202 = arith.constant 8 : i32
    %broadcast_in_dim3A_203 = arith.constant 2.000000e+30 : f32
    %broadcast_in_dim3A_204 = vector.broadcast %broadcast_in_dim3A_203 : f32 to vector<256x1xf32>
    %broadcast_in_dim3A_205 = arith.constant 0 : i32
    %broadcast_in_dim3A_206 = vector.broadcast %broadcast_in_dim3A_205 : i32 to vector<256x1xi32>
    %scan3A_207 = arith.constant 0 : i32
    %scan3A_208 = arith.constant 8 : i32
    %scan3A_209 = arith.addi %scan3A_207, %scan3A_208 : i32
    %scan3A_210 = arith.constant 1 : i32
    %scan3A_211:2 = scf.for %scan3A_437 = %scan3A_207 to %scan3A_209 step %scan3A_210 iter_args(%scan3A_438 = %broadcast_in_dim3A_204, %scan3A_439 = %broadcast_in_dim3A_206) -> (vector<256x1xf32>, vector<256x1xi32>)  : i32 {
      %get3A_440 = arith.index_cast %scan3A_437 : i32 to index
      %get3A_441 = arith.constant 0 : index
      %get3A_442 = arith.constant 0 : index
      %get3A_443 = vector.load %arg7[%get3A_440, %get3A_441, %get3A_442] : memref<8x256x1024xf32, #tpu.memory_space<vmem>>, vector<1x256x1024xf32>
      %get3A_444 = vector.shape_cast %get3A_443 : vector<1x256x1024xf32> to vector<256x1024xf32>
      %reduce_min3A = arith.constant dense<0x7F800000> : vector<256xf32>
      %reduce_min3A_445 = vector.multi_reduction <minimumf>, %get3A_444, %reduce_min3A [1] : vector<256x1024xf32> to vector<256xf32>
      %broadcast_in_dim3A_446 = vector.shape_cast %reduce_min3A_445 : vector<256xf32> to vector<256x1xf32>
      %eq3A = vector.broadcast %broadcast_in_dim3A_446 : vector<256x1xf32> to vector<256x1024xf32>
      %eq3A_447 = arith.cmpf oeq, %get3A_444, %eq3A : vector<256x1024xf32>
      %jit3A = arith.constant 1024 : i32
      %broadcast_in_dim3A_448 = vector.broadcast %jit3A : i32 to vector<256x1024xi32>
      %select_n3A = arith.select %eq3A_447, %iota3A, %broadcast_in_dim3A_448 : vector<256x1024xi1>, vector<256x1024xi32>
      %reduce_min3A_449 = arith.constant dense<2147483647> : vector<256xi32>
      %reduce_min3A_450 = vector.multi_reduction <minsi>, %select_n3A, %reduce_min3A_449 [1] : vector<256x1024xi32> to vector<256xi32>
      %broadcast_in_dim3A_451 = vector.shape_cast %reduce_min3A_450 : vector<256xi32> to vector<256x1xi32>
      %mul3A_452 = arith.constant 1024 : i32
      %mul3A_453 = arith.muli %scan3A_437, %mul3A_452 : i32
      %add3A_454 = vector.broadcast %mul3A_453 : i32 to vector<256x1xi32>
      %add3A_455 = arith.addi %broadcast_in_dim3A_451, %add3A_454 : vector<256x1xi32>
      %lt3A = arith.cmpf olt, %broadcast_in_dim3A_446, %scan3A_438 : vector<256x1xf32>
      %select_n3A_456 = arith.select %lt3A, %broadcast_in_dim3A_446, %scan3A_438 : vector<256x1xi1>, vector<256x1xf32>
      %select_n3A_457 = arith.select %lt3A, %add3A_455, %scan3A_439 : vector<256x1xi1>, vector<256x1xi32>
      scf.yield %select_n3A_456, %select_n3A_457 : vector<256x1xf32>, vector<256x1xi32>
    }
    %scan3A_212 = arith.constant 8 : i32
    %mul3A_213 = arith.constant 8192 : i32
    %mul3A_214 = arith.muli %arg0, %mul3A_213 : i32
    %add3A_215 = vector.broadcast %mul3A_214 : i32 to vector<256x1xi32>
    %add3A_216 = arith.addi %scan3A_211#1, %add3A_215 : vector<256x1xi32>
    %transpose3A_217 = tpu.transpose %add3A_216, [1, 0] : vector<256x1xi32> -> vector<1x256xi32>
    %swap3A_218 = arith.constant 0 : index
    %swap3A_219 = arith.constant 7 : index
    %swap3A_220 = arith.constant 0 : index
    %swap3A_221 = vector.load %arg6[%swap3A_218, %swap3A_219, %swap3A_220] : memref<1x16x256xi32, #tpu.memory_space<vmem>>, vector<1x1x256xi32>
    %swap3A_222 = vector.shape_cast %swap3A_221 : vector<1x1x256xi32> to vector<1x256xi32>
    %swap3A_223 = vector.shape_cast %transpose3A_217 : vector<1x256xi32> to vector<1x1x256xi32>
    tpu.vector_store %arg6[%swap3A_218, %swap3A_219, %swap3A_220], %swap3A_223 {strides = array<i32>} : memref<1x16x256xi32, #tpu.memory_space<vmem>>, vector<1x1x256xi32>,
    %scan3A_224 = arith.constant 0 : i32
    %scan3A_225 = arith.constant 8 : i32
    %scan3A_226 = arith.addi %scan3A_224, %scan3A_225 : i32
    %scan3A_227 = arith.constant 1 : i32
    scf.for %scan3A_437 = %scan3A_224 to %scan3A_226 step %scan3A_227  : i32 {
      %mul3A_438 = arith.constant 1024 : i32
      %mul3A_439 = arith.muli %scan3A_437, %mul3A_438 : i32
      %add3A_440 = vector.broadcast %mul3A_439 : i32 to vector<256x1024xi32>
      %add3A_441 = arith.addi %iota3A, %add3A_440 : vector<256x1024xi32>
      %eq3A = vector.broadcast %scan3A_211#1 : vector<256x1xi32> to vector<256x1024xi32>
      %eq3A_442 = arith.cmpi eq, %add3A_441, %eq3A : vector<256x1024xi32>
      %get3A_443 = arith.index_cast %scan3A_437 : i32 to index
      %get3A_444 = arith.constant 0 : index
      %get3A_445 = arith.constant 0 : index
      %get3A_446 = vector.load %arg7[%get3A_443, %get3A_444, %get3A_445] : memref<8x256x1024xf32, #tpu.memory_space<vmem>>, vector<1x256x1024xf32>
      %get3A_447 = vector.shape_cast %get3A_446 : vector<1x256x1024xf32> to vector<256x1024xf32>
      %jit3A = arith.constant 1.000000e+30 : f32
      %broadcast_in_dim3A_448 = vector.broadcast %jit3A : f32 to vector<256x1024xf32>
      %select_n3A = arith.select %eq3A_442, %broadcast_in_dim3A_448, %get3A_447 : vector<256x1024xi1>, vector<256x1024xf32>
      %swap3A_449 = arith.index_cast %scan3A_437 : i32 to index
      %swap3A_450 = arith.constant 0 : index
      %swap3A_451 = arith.constant 0 : index
      %swap3A_452 = vector.load %arg7[%swap3A_449, %swap3A_450, %swap3A_451] : memref<8x256x1024xf32, #tpu.memory_space<vmem>>, vector<1x256x1024xf32>
      %swap3A_453 = vector.shape_cast %swap3A_452 : vector<1x256x1024xf32> to vector<256x1024xf32>
      %swap3A_454 = vector.shape_cast %select_n3A : vector<256x1024xf32> to vector<1x256x1024xf32>
      tpu.vector_store %arg7[%swap3A_449, %swap3A_450, %swap3A_451], %swap3A_454 {strides = array<i32>} : memref<8x256x1024xf32, #tpu.memory_space<vmem>>, vector<1x256x1024xf32>,
    }
    %scan3A_228 = arith.constant 8 : i32
    %broadcast_in_dim3A_229 = arith.constant 2.000000e+30 : f32
    %broadcast_in_dim3A_230 = vector.broadcast %broadcast_in_dim3A_229 : f32 to vector<256x1xf32>
    %broadcast_in_dim3A_231 = arith.constant 0 : i32
    %broadcast_in_dim3A_232 = vector.broadcast %broadcast_in_dim3A_231 : i32 to vector<256x1xi32>
    %scan3A_233 = arith.constant 0 : i32
    %scan3A_234 = arith.constant 8 : i32
    %scan3A_235 = arith.addi %scan3A_233, %scan3A_234 : i32
    %scan3A_236 = arith.constant 1 : i32
    %scan3A_237:2 = scf.for %scan3A_437 = %scan3A_233 to %scan3A_235 step %scan3A_236 iter_args(%scan3A_438 = %broadcast_in_dim3A_230, %scan3A_439 = %broadcast_in_dim3A_232) -> (vector<256x1xf32>, vector<256x1xi32>)  : i32 {
      %get3A_440 = arith.index_cast %scan3A_437 : i32 to index
      %get3A_441 = arith.constant 0 : index
      %get3A_442 = arith.constant 0 : index
      %get3A_443 = vector.load %arg7[%get3A_440, %get3A_441, %get3A_442] : memref<8x256x1024xf32, #tpu.memory_space<vmem>>, vector<1x256x1024xf32>
      %get3A_444 = vector.shape_cast %get3A_443 : vector<1x256x1024xf32> to vector<256x1024xf32>
      %reduce_min3A = arith.constant dense<0x7F800000> : vector<256xf32>
      %reduce_min3A_445 = vector.multi_reduction <minimumf>, %get3A_444, %reduce_min3A [1] : vector<256x1024xf32> to vector<256xf32>
      %broadcast_in_dim3A_446 = vector.shape_cast %reduce_min3A_445 : vector<256xf32> to vector<256x1xf32>
      %eq3A = vector.broadcast %broadcast_in_dim3A_446 : vector<256x1xf32> to vector<256x1024xf32>
      %eq3A_447 = arith.cmpf oeq, %get3A_444, %eq3A : vector<256x1024xf32>
      %jit3A = arith.constant 1024 : i32
      %broadcast_in_dim3A_448 = vector.broadcast %jit3A : i32 to vector<256x1024xi32>
      %select_n3A = arith.select %eq3A_447, %iota3A, %broadcast_in_dim3A_448 : vector<256x1024xi1>, vector<256x1024xi32>
      %reduce_min3A_449 = arith.constant dense<2147483647> : vector<256xi32>
      %reduce_min3A_450 = vector.multi_reduction <minsi>, %select_n3A, %reduce_min3A_449 [1] : vector<256x1024xi32> to vector<256xi32>
      %broadcast_in_dim3A_451 = vector.shape_cast %reduce_min3A_450 : vector<256xi32> to vector<256x1xi32>
      %mul3A_452 = arith.constant 1024 : i32
      %mul3A_453 = arith.muli %scan3A_437, %mul3A_452 : i32
      %add3A_454 = vector.broadcast %mul3A_453 : i32 to vector<256x1xi32>
      %add3A_455 = arith.addi %broadcast_in_dim3A_451, %add3A_454 : vector<256x1xi32>
      %lt3A = arith.cmpf olt, %broadcast_in_dim3A_446, %scan3A_438 : vector<256x1xf32>
      %select_n3A_456 = arith.select %lt3A, %broadcast_in_dim3A_446, %scan3A_438 : vector<256x1xi1>, vector<256x1xf32>
      %select_n3A_457 = arith.select %lt3A, %add3A_455, %scan3A_439 : vector<256x1xi1>, vector<256x1xi32>
      scf.yield %select_n3A_456, %select_n3A_457 : vector<256x1xf32>, vector<256x1xi32>
    }
    %scan3A_238 = arith.constant 8 : i32
    %mul3A_239 = arith.constant 8192 : i32
    %mul3A_240 = arith.muli %arg0, %mul3A_239 : i32
    %add3A_241 = vector.broadcast %mul3A_240 : i32 to vector<256x1xi32>
    %add3A_242 = arith.addi %scan3A_237#1, %add3A_241 : vector<256x1xi32>
    %transpose3A_243 = tpu.transpose %add3A_242, [1, 0] : vector<256x1xi32> -> vector<1x256xi32>
    %swap3A_244 = arith.constant 0 : index
    %swap3A_245 = arith.constant 8 : index
    %swap3A_246 = arith.constant 0 : index
    %swap3A_247 = vector.load %arg6[%swap3A_244, %swap3A_245, %swap3A_246] : memref<1x16x256xi32, #tpu.memory_space<vmem>>, vector<1x1x256xi32>
    %swap3A_248 = vector.shape_cast %swap3A_247 : vector<1x1x256xi32> to vector<1x256xi32>
    %swap3A_249 = vector.shape_cast %transpose3A_243 : vector<1x256xi32> to vector<1x1x256xi32>
    tpu.vector_store %arg6[%swap3A_244, %swap3A_245, %swap3A_246], %swap3A_249 {strides = array<i32>} : memref<1x16x256xi32, #tpu.memory_space<vmem>>, vector<1x1x256xi32>,
    %scan3A_250 = arith.constant 0 : i32
    %scan3A_251 = arith.constant 8 : i32
    %scan3A_252 = arith.addi %scan3A_250, %scan3A_251 : i32
    %scan3A_253 = arith.constant 1 : i32
    scf.for %scan3A_437 = %scan3A_250 to %scan3A_252 step %scan3A_253  : i32 {
      %mul3A_438 = arith.constant 1024 : i32
      %mul3A_439 = arith.muli %scan3A_437, %mul3A_438 : i32
      %add3A_440 = vector.broadcast %mul3A_439 : i32 to vector<256x1024xi32>
      %add3A_441 = arith.addi %iota3A, %add3A_440 : vector<256x1024xi32>
      %eq3A = vector.broadcast %scan3A_237#1 : vector<256x1xi32> to vector<256x1024xi32>
      %eq3A_442 = arith.cmpi eq, %add3A_441, %eq3A : vector<256x1024xi32>
      %get3A_443 = arith.index_cast %scan3A_437 : i32 to index
      %get3A_444 = arith.constant 0 : index
      %get3A_445 = arith.constant 0 : index
      %get3A_446 = vector.load %arg7[%get3A_443, %get3A_444, %get3A_445] : memref<8x256x1024xf32, #tpu.memory_space<vmem>>, vector<1x256x1024xf32>
      %get3A_447 = vector.shape_cast %get3A_446 : vector<1x256x1024xf32> to vector<256x1024xf32>
      %jit3A = arith.constant 1.000000e+30 : f32
      %broadcast_in_dim3A_448 = vector.broadcast %jit3A : f32 to vector<256x1024xf32>
      %select_n3A = arith.select %eq3A_442, %broadcast_in_dim3A_448, %get3A_447 : vector<256x1024xi1>, vector<256x1024xf32>
      %swap3A_449 = arith.index_cast %scan3A_437 : i32 to index
      %swap3A_450 = arith.constant 0 : index
      %swap3A_451 = arith.constant 0 : index
      %swap3A_452 = vector.load %arg7[%swap3A_449, %swap3A_450, %swap3A_451] : memref<8x256x1024xf32, #tpu.memory_space<vmem>>, vector<1x256x1024xf32>
      %swap3A_453 = vector.shape_cast %swap3A_452 : vector<1x256x1024xf32> to vector<256x1024xf32>
      %swap3A_454 = vector.shape_cast %select_n3A : vector<256x1024xf32> to vector<1x256x1024xf32>
      tpu.vector_store %arg7[%swap3A_449, %swap3A_450, %swap3A_451], %swap3A_454 {strides = array<i32>} : memref<8x256x1024xf32, #tpu.memory_space<vmem>>, vector<1x256x1024xf32>,
    }
    %scan3A_254 = arith.constant 8 : i32
    %broadcast_in_dim3A_255 = arith.constant 2.000000e+30 : f32
    %broadcast_in_dim3A_256 = vector.broadcast %broadcast_in_dim3A_255 : f32 to vector<256x1xf32>
    %broadcast_in_dim3A_257 = arith.constant 0 : i32
    %broadcast_in_dim3A_258 = vector.broadcast %broadcast_in_dim3A_257 : i32 to vector<256x1xi32>
    %scan3A_259 = arith.constant 0 : i32
    %scan3A_260 = arith.constant 8 : i32
    %scan3A_261 = arith.addi %scan3A_259, %scan3A_260 : i32
    %scan3A_262 = arith.constant 1 : i32
    %scan3A_263:2 = scf.for %scan3A_437 = %scan3A_259 to %scan3A_261 step %scan3A_262 iter_args(%scan3A_438 = %broadcast_in_dim3A_256, %scan3A_439 = %broadcast_in_dim3A_258) -> (vector<256x1xf32>, vector<256x1xi32>)  : i32 {
      %get3A_440 = arith.index_cast %scan3A_437 : i32 to index
      %get3A_441 = arith.constant 0 : index
      %get3A_442 = arith.constant 0 : index
      %get3A_443 = vector.load %arg7[%get3A_440, %get3A_441, %get3A_442] : memref<8x256x1024xf32, #tpu.memory_space<vmem>>, vector<1x256x1024xf32>
      %get3A_444 = vector.shape_cast %get3A_443 : vector<1x256x1024xf32> to vector<256x1024xf32>
      %reduce_min3A = arith.constant dense<0x7F800000> : vector<256xf32>
      %reduce_min3A_445 = vector.multi_reduction <minimumf>, %get3A_444, %reduce_min3A [1] : vector<256x1024xf32> to vector<256xf32>
      %broadcast_in_dim3A_446 = vector.shape_cast %reduce_min3A_445 : vector<256xf32> to vector<256x1xf32>
      %eq3A = vector.broadcast %broadcast_in_dim3A_446 : vector<256x1xf32> to vector<256x1024xf32>
      %eq3A_447 = arith.cmpf oeq, %get3A_444, %eq3A : vector<256x1024xf32>
      %jit3A = arith.constant 1024 : i32
      %broadcast_in_dim3A_448 = vector.broadcast %jit3A : i32 to vector<256x1024xi32>
      %select_n3A = arith.select %eq3A_447, %iota3A, %broadcast_in_dim3A_448 : vector<256x1024xi1>, vector<256x1024xi32>
      %reduce_min3A_449 = arith.constant dense<2147483647> : vector<256xi32>
      %reduce_min3A_450 = vector.multi_reduction <minsi>, %select_n3A, %reduce_min3A_449 [1] : vector<256x1024xi32> to vector<256xi32>
      %broadcast_in_dim3A_451 = vector.shape_cast %reduce_min3A_450 : vector<256xi32> to vector<256x1xi32>
      %mul3A_452 = arith.constant 1024 : i32
      %mul3A_453 = arith.muli %scan3A_437, %mul3A_452 : i32
      %add3A_454 = vector.broadcast %mul3A_453 : i32 to vector<256x1xi32>
      %add3A_455 = arith.addi %broadcast_in_dim3A_451, %add3A_454 : vector<256x1xi32>
      %lt3A = arith.cmpf olt, %broadcast_in_dim3A_446, %scan3A_438 : vector<256x1xf32>
      %select_n3A_456 = arith.select %lt3A, %broadcast_in_dim3A_446, %scan3A_438 : vector<256x1xi1>, vector<256x1xf32>
      %select_n3A_457 = arith.select %lt3A, %add3A_455, %scan3A_439 : vector<256x1xi1>, vector<256x1xi32>
      scf.yield %select_n3A_456, %select_n3A_457 : vector<256x1xf32>, vector<256x1xi32>
    }
    %scan3A_264 = arith.constant 8 : i32
    %mul3A_265 = arith.constant 8192 : i32
    %mul3A_266 = arith.muli %arg0, %mul3A_265 : i32
    %add3A_267 = vector.broadcast %mul3A_266 : i32 to vector<256x1xi32>
    %add3A_268 = arith.addi %scan3A_263#1, %add3A_267 : vector<256x1xi32>
    %transpose3A_269 = tpu.transpose %add3A_268, [1, 0] : vector<256x1xi32> -> vector<1x256xi32>
    %swap3A_270 = arith.constant 0 : index
    %swap3A_271 = arith.constant 9 : index
    %swap3A_272 = arith.constant 0 : index
    %swap3A_273 = vector.load %arg6[%swap3A_270, %swap3A_271, %swap3A_272] : memref<1x16x256xi32, #tpu.memory_space<vmem>>, vector<1x1x256xi32>
    %swap3A_274 = vector.shape_cast %swap3A_273 : vector<1x1x256xi32> to vector<1x256xi32>
    %swap3A_275 = vector.shape_cast %transpose3A_269 : vector<1x256xi32> to vector<1x1x256xi32>
    tpu.vector_store %arg6[%swap3A_270, %swap3A_271, %swap3A_272], %swap3A_275 {strides = array<i32>} : memref<1x16x256xi32, #tpu.memory_space<vmem>>, vector<1x1x256xi32>,
    %scan3A_276 = arith.constant 0 : i32
    %scan3A_277 = arith.constant 8 : i32
    %scan3A_278 = arith.addi %scan3A_276, %scan3A_277 : i32
    %scan3A_279 = arith.constant 1 : i32
    scf.for %scan3A_437 = %scan3A_276 to %scan3A_278 step %scan3A_279  : i32 {
      %mul3A_438 = arith.constant 1024 : i32
      %mul3A_439 = arith.muli %scan3A_437, %mul3A_438 : i32
      %add3A_440 = vector.broadcast %mul3A_439 : i32 to vector<256x1024xi32>
      %add3A_441 = arith.addi %iota3A, %add3A_440 : vector<256x1024xi32>
      %eq3A = vector.broadcast %scan3A_263#1 : vector<256x1xi32> to vector<256x1024xi32>
      %eq3A_442 = arith.cmpi eq, %add3A_441, %eq3A : vector<256x1024xi32>
      %get3A_443 = arith.index_cast %scan3A_437 : i32 to index
      %get3A_444 = arith.constant 0 : index
      %get3A_445 = arith.constant 0 : index
      %get3A_446 = vector.load %arg7[%get3A_443, %get3A_444, %get3A_445] : memref<8x256x1024xf32, #tpu.memory_space<vmem>>, vector<1x256x1024xf32>
      %get3A_447 = vector.shape_cast %get3A_446 : vector<1x256x1024xf32> to vector<256x1024xf32>
      %jit3A = arith.constant 1.000000e+30 : f32
      %broadcast_in_dim3A_448 = vector.broadcast %jit3A : f32 to vector<256x1024xf32>
      %select_n3A = arith.select %eq3A_442, %broadcast_in_dim3A_448, %get3A_447 : vector<256x1024xi1>, vector<256x1024xf32>
      %swap3A_449 = arith.index_cast %scan3A_437 : i32 to index
      %swap3A_450 = arith.constant 0 : index
      %swap3A_451 = arith.constant 0 : index
      %swap3A_452 = vector.load %arg7[%swap3A_449, %swap3A_450, %swap3A_451] : memref<8x256x1024xf32, #tpu.memory_space<vmem>>, vector<1x256x1024xf32>
      %swap3A_453 = vector.shape_cast %swap3A_452 : vector<1x256x1024xf32> to vector<256x1024xf32>
      %swap3A_454 = vector.shape_cast %select_n3A : vector<256x1024xf32> to vector<1x256x1024xf32>
      tpu.vector_store %arg7[%swap3A_449, %swap3A_450, %swap3A_451], %swap3A_454 {strides = array<i32>} : memref<8x256x1024xf32, #tpu.memory_space<vmem>>, vector<1x256x1024xf32>,
    }
    %scan3A_280 = arith.constant 8 : i32
    %broadcast_in_dim3A_281 = arith.constant 2.000000e+30 : f32
    %broadcast_in_dim3A_282 = vector.broadcast %broadcast_in_dim3A_281 : f32 to vector<256x1xf32>
    %broadcast_in_dim3A_283 = arith.constant 0 : i32
    %broadcast_in_dim3A_284 = vector.broadcast %broadcast_in_dim3A_283 : i32 to vector<256x1xi32>
    %scan3A_285 = arith.constant 0 : i32
    %scan3A_286 = arith.constant 8 : i32
    %scan3A_287 = arith.addi %scan3A_285, %scan3A_286 : i32
    %scan3A_288 = arith.constant 1 : i32
    %scan3A_289:2 = scf.for %scan3A_437 = %scan3A_285 to %scan3A_287 step %scan3A_288 iter_args(%scan3A_438 = %broadcast_in_dim3A_282, %scan3A_439 = %broadcast_in_dim3A_284) -> (vector<256x1xf32>, vector<256x1xi32>)  : i32 {
      %get3A_440 = arith.index_cast %scan3A_437 : i32 to index
      %get3A_441 = arith.constant 0 : index
      %get3A_442 = arith.constant 0 : index
      %get3A_443 = vector.load %arg7[%get3A_440, %get3A_441, %get3A_442] : memref<8x256x1024xf32, #tpu.memory_space<vmem>>, vector<1x256x1024xf32>
      %get3A_444 = vector.shape_cast %get3A_443 : vector<1x256x1024xf32> to vector<256x1024xf32>
      %reduce_min3A = arith.constant dense<0x7F800000> : vector<256xf32>
      %reduce_min3A_445 = vector.multi_reduction <minimumf>, %get3A_444, %reduce_min3A [1] : vector<256x1024xf32> to vector<256xf32>
      %broadcast_in_dim3A_446 = vector.shape_cast %reduce_min3A_445 : vector<256xf32> to vector<256x1xf32>
      %eq3A = vector.broadcast %broadcast_in_dim3A_446 : vector<256x1xf32> to vector<256x1024xf32>
      %eq3A_447 = arith.cmpf oeq, %get3A_444, %eq3A : vector<256x1024xf32>
      %jit3A = arith.constant 1024 : i32
      %broadcast_in_dim3A_448 = vector.broadcast %jit3A : i32 to vector<256x1024xi32>
      %select_n3A = arith.select %eq3A_447, %iota3A, %broadcast_in_dim3A_448 : vector<256x1024xi1>, vector<256x1024xi32>
      %reduce_min3A_449 = arith.constant dense<2147483647> : vector<256xi32>
      %reduce_min3A_450 = vector.multi_reduction <minsi>, %select_n3A, %reduce_min3A_449 [1] : vector<256x1024xi32> to vector<256xi32>
      %broadcast_in_dim3A_451 = vector.shape_cast %reduce_min3A_450 : vector<256xi32> to vector<256x1xi32>
      %mul3A_452 = arith.constant 1024 : i32
      %mul3A_453 = arith.muli %scan3A_437, %mul3A_452 : i32
      %add3A_454 = vector.broadcast %mul3A_453 : i32 to vector<256x1xi32>
      %add3A_455 = arith.addi %broadcast_in_dim3A_451, %add3A_454 : vector<256x1xi32>
      %lt3A = arith.cmpf olt, %broadcast_in_dim3A_446, %scan3A_438 : vector<256x1xf32>
      %select_n3A_456 = arith.select %lt3A, %broadcast_in_dim3A_446, %scan3A_438 : vector<256x1xi1>, vector<256x1xf32>
      %select_n3A_457 = arith.select %lt3A, %add3A_455, %scan3A_439 : vector<256x1xi1>, vector<256x1xi32>
      scf.yield %select_n3A_456, %select_n3A_457 : vector<256x1xf32>, vector<256x1xi32>
    }
    %scan3A_290 = arith.constant 8 : i32
    %mul3A_291 = arith.constant 8192 : i32
    %mul3A_292 = arith.muli %arg0, %mul3A_291 : i32
    %add3A_293 = vector.broadcast %mul3A_292 : i32 to vector<256x1xi32>
    %add3A_294 = arith.addi %scan3A_289#1, %add3A_293 : vector<256x1xi32>
    %transpose3A_295 = tpu.transpose %add3A_294, [1, 0] : vector<256x1xi32> -> vector<1x256xi32>
    %swap3A_296 = arith.constant 0 : index
    %swap3A_297 = arith.constant 10 : index
    %swap3A_298 = arith.constant 0 : index
    %swap3A_299 = vector.load %arg6[%swap3A_296, %swap3A_297, %swap3A_298] : memref<1x16x256xi32, #tpu.memory_space<vmem>>, vector<1x1x256xi32>
    %swap3A_300 = vector.shape_cast %swap3A_299 : vector<1x1x256xi32> to vector<1x256xi32>
    %swap3A_301 = vector.shape_cast %transpose3A_295 : vector<1x256xi32> to vector<1x1x256xi32>
    tpu.vector_store %arg6[%swap3A_296, %swap3A_297, %swap3A_298], %swap3A_301 {strides = array<i32>} : memref<1x16x256xi32, #tpu.memory_space<vmem>>, vector<1x1x256xi32>,
    %scan3A_302 = arith.constant 0 : i32
    %scan3A_303 = arith.constant 8 : i32
    %scan3A_304 = arith.addi %scan3A_302, %scan3A_303 : i32
    %scan3A_305 = arith.constant 1 : i32
    scf.for %scan3A_437 = %scan3A_302 to %scan3A_304 step %scan3A_305  : i32 {
      %mul3A_438 = arith.constant 1024 : i32
      %mul3A_439 = arith.muli %scan3A_437, %mul3A_438 : i32
      %add3A_440 = vector.broadcast %mul3A_439 : i32 to vector<256x1024xi32>
      %add3A_441 = arith.addi %iota3A, %add3A_440 : vector<256x1024xi32>
      %eq3A = vector.broadcast %scan3A_289#1 : vector<256x1xi32> to vector<256x1024xi32>
      %eq3A_442 = arith.cmpi eq, %add3A_441, %eq3A : vector<256x1024xi32>
      %get3A_443 = arith.index_cast %scan3A_437 : i32 to index
      %get3A_444 = arith.constant 0 : index
      %get3A_445 = arith.constant 0 : index
      %get3A_446 = vector.load %arg7[%get3A_443, %get3A_444, %get3A_445] : memref<8x256x1024xf32, #tpu.memory_space<vmem>>, vector<1x256x1024xf32>
      %get3A_447 = vector.shape_cast %get3A_446 : vector<1x256x1024xf32> to vector<256x1024xf32>
      %jit3A = arith.constant 1.000000e+30 : f32
      %broadcast_in_dim3A_448 = vector.broadcast %jit3A : f32 to vector<256x1024xf32>
      %select_n3A = arith.select %eq3A_442, %broadcast_in_dim3A_448, %get3A_447 : vector<256x1024xi1>, vector<256x1024xf32>
      %swap3A_449 = arith.index_cast %scan3A_437 : i32 to index
      %swap3A_450 = arith.constant 0 : index
      %swap3A_451 = arith.constant 0 : index
      %swap3A_452 = vector.load %arg7[%swap3A_449, %swap3A_450, %swap3A_451] : memref<8x256x1024xf32, #tpu.memory_space<vmem>>, vector<1x256x1024xf32>
      %swap3A_453 = vector.shape_cast %swap3A_452 : vector<1x256x1024xf32> to vector<256x1024xf32>
      %swap3A_454 = vector.shape_cast %select_n3A : vector<256x1024xf32> to vector<1x256x1024xf32>
      tpu.vector_store %arg7[%swap3A_449, %swap3A_450, %swap3A_451], %swap3A_454 {strides = array<i32>} : memref<8x256x1024xf32, #tpu.memory_space<vmem>>, vector<1x256x1024xf32>,
    }
    %scan3A_306 = arith.constant 8 : i32
    %broadcast_in_dim3A_307 = arith.constant 2.000000e+30 : f32
    %broadcast_in_dim3A_308 = vector.broadcast %broadcast_in_dim3A_307 : f32 to vector<256x1xf32>
    %broadcast_in_dim3A_309 = arith.constant 0 : i32
    %broadcast_in_dim3A_310 = vector.broadcast %broadcast_in_dim3A_309 : i32 to vector<256x1xi32>
    %scan3A_311 = arith.constant 0 : i32
    %scan3A_312 = arith.constant 8 : i32
    %scan3A_313 = arith.addi %scan3A_311, %scan3A_312 : i32
    %scan3A_314 = arith.constant 1 : i32
    %scan3A_315:2 = scf.for %scan3A_437 = %scan3A_311 to %scan3A_313 step %scan3A_314 iter_args(%scan3A_438 = %broadcast_in_dim3A_308, %scan3A_439 = %broadcast_in_dim3A_310) -> (vector<256x1xf32>, vector<256x1xi32>)  : i32 {
      %get3A_440 = arith.index_cast %scan3A_437 : i32 to index
      %get3A_441 = arith.constant 0 : index
      %get3A_442 = arith.constant 0 : index
      %get3A_443 = vector.load %arg7[%get3A_440, %get3A_441, %get3A_442] : memref<8x256x1024xf32, #tpu.memory_space<vmem>>, vector<1x256x1024xf32>
      %get3A_444 = vector.shape_cast %get3A_443 : vector<1x256x1024xf32> to vector<256x1024xf32>
      %reduce_min3A = arith.constant dense<0x7F800000> : vector<256xf32>
      %reduce_min3A_445 = vector.multi_reduction <minimumf>, %get3A_444, %reduce_min3A [1] : vector<256x1024xf32> to vector<256xf32>
      %broadcast_in_dim3A_446 = vector.shape_cast %reduce_min3A_445 : vector<256xf32> to vector<256x1xf32>
      %eq3A = vector.broadcast %broadcast_in_dim3A_446 : vector<256x1xf32> to vector<256x1024xf32>
      %eq3A_447 = arith.cmpf oeq, %get3A_444, %eq3A : vector<256x1024xf32>
      %jit3A = arith.constant 1024 : i32
      %broadcast_in_dim3A_448 = vector.broadcast %jit3A : i32 to vector<256x1024xi32>
      %select_n3A = arith.select %eq3A_447, %iota3A, %broadcast_in_dim3A_448 : vector<256x1024xi1>, vector<256x1024xi32>
      %reduce_min3A_449 = arith.constant dense<2147483647> : vector<256xi32>
      %reduce_min3A_450 = vector.multi_reduction <minsi>, %select_n3A, %reduce_min3A_449 [1] : vector<256x1024xi32> to vector<256xi32>
      %broadcast_in_dim3A_451 = vector.shape_cast %reduce_min3A_450 : vector<256xi32> to vector<256x1xi32>
      %mul3A_452 = arith.constant 1024 : i32
      %mul3A_453 = arith.muli %scan3A_437, %mul3A_452 : i32
      %add3A_454 = vector.broadcast %mul3A_453 : i32 to vector<256x1xi32>
      %add3A_455 = arith.addi %broadcast_in_dim3A_451, %add3A_454 : vector<256x1xi32>
      %lt3A = arith.cmpf olt, %broadcast_in_dim3A_446, %scan3A_438 : vector<256x1xf32>
      %select_n3A_456 = arith.select %lt3A, %broadcast_in_dim3A_446, %scan3A_438 : vector<256x1xi1>, vector<256x1xf32>
      %select_n3A_457 = arith.select %lt3A, %add3A_455, %scan3A_439 : vector<256x1xi1>, vector<256x1xi32>
      scf.yield %select_n3A_456, %select_n3A_457 : vector<256x1xf32>, vector<256x1xi32>
    }
    %scan3A_316 = arith.constant 8 : i32
    %mul3A_317 = arith.constant 8192 : i32
    %mul3A_318 = arith.muli %arg0, %mul3A_317 : i32
    %add3A_319 = vector.broadcast %mul3A_318 : i32 to vector<256x1xi32>
    %add3A_320 = arith.addi %scan3A_315#1, %add3A_319 : vector<256x1xi32>
    %transpose3A_321 = tpu.transpose %add3A_320, [1, 0] : vector<256x1xi32> -> vector<1x256xi32>
    %swap3A_322 = arith.constant 0 : index
    %swap3A_323 = arith.constant 11 : index
    %swap3A_324 = arith.constant 0 : index
    %swap3A_325 = vector.load %arg6[%swap3A_322, %swap3A_323, %swap3A_324] : memref<1x16x256xi32, #tpu.memory_space<vmem>>, vector<1x1x256xi32>
    %swap3A_326 = vector.shape_cast %swap3A_325 : vector<1x1x256xi32> to vector<1x256xi32>
    %swap3A_327 = vector.shape_cast %transpose3A_321 : vector<1x256xi32> to vector<1x1x256xi32>
    tpu.vector_store %arg6[%swap3A_322, %swap3A_323, %swap3A_324], %swap3A_327 {strides = array<i32>} : memref<1x16x256xi32, #tpu.memory_space<vmem>>, vector<1x1x256xi32>,
    %scan3A_328 = arith.constant 0 : i32
    %scan3A_329 = arith.constant 8 : i32
    %scan3A_330 = arith.addi %scan3A_328, %scan3A_329 : i32
    %scan3A_331 = arith.constant 1 : i32
    scf.for %scan3A_437 = %scan3A_328 to %scan3A_330 step %scan3A_331  : i32 {
      %mul3A_438 = arith.constant 1024 : i32
      %mul3A_439 = arith.muli %scan3A_437, %mul3A_438 : i32
      %add3A_440 = vector.broadcast %mul3A_439 : i32 to vector<256x1024xi32>
      %add3A_441 = arith.addi %iota3A, %add3A_440 : vector<256x1024xi32>
      %eq3A = vector.broadcast %scan3A_315#1 : vector<256x1xi32> to vector<256x1024xi32>
      %eq3A_442 = arith.cmpi eq, %add3A_441, %eq3A : vector<256x1024xi32>
      %get3A_443 = arith.index_cast %scan3A_437 : i32 to index
      %get3A_444 = arith.constant 0 : index
      %get3A_445 = arith.constant 0 : index
      %get3A_446 = vector.load %arg7[%get3A_443, %get3A_444, %get3A_445] : memref<8x256x1024xf32, #tpu.memory_space<vmem>>, vector<1x256x1024xf32>
      %get3A_447 = vector.shape_cast %get3A_446 : vector<1x256x1024xf32> to vector<256x1024xf32>
      %jit3A = arith.constant 1.000000e+30 : f32
      %broadcast_in_dim3A_448 = vector.broadcast %jit3A : f32 to vector<256x1024xf32>
      %select_n3A = arith.select %eq3A_442, %broadcast_in_dim3A_448, %get3A_447 : vector<256x1024xi1>, vector<256x1024xf32>
      %swap3A_449 = arith.index_cast %scan3A_437 : i32 to index
      %swap3A_450 = arith.constant 0 : index
      %swap3A_451 = arith.constant 0 : index
      %swap3A_452 = vector.load %arg7[%swap3A_449, %swap3A_450, %swap3A_451] : memref<8x256x1024xf32, #tpu.memory_space<vmem>>, vector<1x256x1024xf32>
      %swap3A_453 = vector.shape_cast %swap3A_452 : vector<1x256x1024xf32> to vector<256x1024xf32>
      %swap3A_454 = vector.shape_cast %select_n3A : vector<256x1024xf32> to vector<1x256x1024xf32>
      tpu.vector_store %arg7[%swap3A_449, %swap3A_450, %swap3A_451], %swap3A_454 {strides = array<i32>} : memref<8x256x1024xf32, #tpu.memory_space<vmem>>, vector<1x256x1024xf32>,
    }
    %scan3A_332 = arith.constant 8 : i32
    %broadcast_in_dim3A_333 = arith.constant 2.000000e+30 : f32
    %broadcast_in_dim3A_334 = vector.broadcast %broadcast_in_dim3A_333 : f32 to vector<256x1xf32>
    %broadcast_in_dim3A_335 = arith.constant 0 : i32
    %broadcast_in_dim3A_336 = vector.broadcast %broadcast_in_dim3A_335 : i32 to vector<256x1xi32>
    %scan3A_337 = arith.constant 0 : i32
    %scan3A_338 = arith.constant 8 : i32
    %scan3A_339 = arith.addi %scan3A_337, %scan3A_338 : i32
    %scan3A_340 = arith.constant 1 : i32
    %scan3A_341:2 = scf.for %scan3A_437 = %scan3A_337 to %scan3A_339 step %scan3A_340 iter_args(%scan3A_438 = %broadcast_in_dim3A_334, %scan3A_439 = %broadcast_in_dim3A_336) -> (vector<256x1xf32>, vector<256x1xi32>)  : i32 {
      %get3A_440 = arith.index_cast %scan3A_437 : i32 to index
      %get3A_441 = arith.constant 0 : index
      %get3A_442 = arith.constant 0 : index
      %get3A_443 = vector.load %arg7[%get3A_440, %get3A_441, %get3A_442] : memref<8x256x1024xf32, #tpu.memory_space<vmem>>, vector<1x256x1024xf32>
      %get3A_444 = vector.shape_cast %get3A_443 : vector<1x256x1024xf32> to vector<256x1024xf32>
      %reduce_min3A = arith.constant dense<0x7F800000> : vector<256xf32>
      %reduce_min3A_445 = vector.multi_reduction <minimumf>, %get3A_444, %reduce_min3A [1] : vector<256x1024xf32> to vector<256xf32>
      %broadcast_in_dim3A_446 = vector.shape_cast %reduce_min3A_445 : vector<256xf32> to vector<256x1xf32>
      %eq3A = vector.broadcast %broadcast_in_dim3A_446 : vector<256x1xf32> to vector<256x1024xf32>
      %eq3A_447 = arith.cmpf oeq, %get3A_444, %eq3A : vector<256x1024xf32>
      %jit3A = arith.constant 1024 : i32
      %broadcast_in_dim3A_448 = vector.broadcast %jit3A : i32 to vector<256x1024xi32>
      %select_n3A = arith.select %eq3A_447, %iota3A, %broadcast_in_dim3A_448 : vector<256x1024xi1>, vector<256x1024xi32>
      %reduce_min3A_449 = arith.constant dense<2147483647> : vector<256xi32>
      %reduce_min3A_450 = vector.multi_reduction <minsi>, %select_n3A, %reduce_min3A_449 [1] : vector<256x1024xi32> to vector<256xi32>
      %broadcast_in_dim3A_451 = vector.shape_cast %reduce_min3A_450 : vector<256xi32> to vector<256x1xi32>
      %mul3A_452 = arith.constant 1024 : i32
      %mul3A_453 = arith.muli %scan3A_437, %mul3A_452 : i32
      %add3A_454 = vector.broadcast %mul3A_453 : i32 to vector<256x1xi32>
      %add3A_455 = arith.addi %broadcast_in_dim3A_451, %add3A_454 : vector<256x1xi32>
      %lt3A = arith.cmpf olt, %broadcast_in_dim3A_446, %scan3A_438 : vector<256x1xf32>
      %select_n3A_456 = arith.select %lt3A, %broadcast_in_dim3A_446, %scan3A_438 : vector<256x1xi1>, vector<256x1xf32>
      %select_n3A_457 = arith.select %lt3A, %add3A_455, %scan3A_439 : vector<256x1xi1>, vector<256x1xi32>
      scf.yield %select_n3A_456, %select_n3A_457 : vector<256x1xf32>, vector<256x1xi32>
    }
    %scan3A_342 = arith.constant 8 : i32
    %mul3A_343 = arith.constant 8192 : i32
    %mul3A_344 = arith.muli %arg0, %mul3A_343 : i32
    %add3A_345 = vector.broadcast %mul3A_344 : i32 to vector<256x1xi32>
    %add3A_346 = arith.addi %scan3A_341#1, %add3A_345 : vector<256x1xi32>
    %transpose3A_347 = tpu.transpose %add3A_346, [1, 0] : vector<256x1xi32> -> vector<1x256xi32>
    %swap3A_348 = arith.constant 0 : index
    %swap3A_349 = arith.constant 12 : index
    %swap3A_350 = arith.constant 0 : index
    %swap3A_351 = vector.load %arg6[%swap3A_348, %swap3A_349, %swap3A_350] : memref<1x16x256xi32, #tpu.memory_space<vmem>>, vector<1x1x256xi32>
    %swap3A_352 = vector.shape_cast %swap3A_351 : vector<1x1x256xi32> to vector<1x256xi32>
    %swap3A_353 = vector.shape_cast %transpose3A_347 : vector<1x256xi32> to vector<1x1x256xi32>
    tpu.vector_store %arg6[%swap3A_348, %swap3A_349, %swap3A_350], %swap3A_353 {strides = array<i32>} : memref<1x16x256xi32, #tpu.memory_space<vmem>>, vector<1x1x256xi32>,
    %scan3A_354 = arith.constant 0 : i32
    %scan3A_355 = arith.constant 8 : i32
    %scan3A_356 = arith.addi %scan3A_354, %scan3A_355 : i32
    %scan3A_357 = arith.constant 1 : i32
    scf.for %scan3A_437 = %scan3A_354 to %scan3A_356 step %scan3A_357  : i32 {
      %mul3A_438 = arith.constant 1024 : i32
      %mul3A_439 = arith.muli %scan3A_437, %mul3A_438 : i32
      %add3A_440 = vector.broadcast %mul3A_439 : i32 to vector<256x1024xi32>
      %add3A_441 = arith.addi %iota3A, %add3A_440 : vector<256x1024xi32>
      %eq3A = vector.broadcast %scan3A_341#1 : vector<256x1xi32> to vector<256x1024xi32>
      %eq3A_442 = arith.cmpi eq, %add3A_441, %eq3A : vector<256x1024xi32>
      %get3A_443 = arith.index_cast %scan3A_437 : i32 to index
      %get3A_444 = arith.constant 0 : index
      %get3A_445 = arith.constant 0 : index
      %get3A_446 = vector.load %arg7[%get3A_443, %get3A_444, %get3A_445] : memref<8x256x1024xf32, #tpu.memory_space<vmem>>, vector<1x256x1024xf32>
      %get3A_447 = vector.shape_cast %get3A_446 : vector<1x256x1024xf32> to vector<256x1024xf32>
      %jit3A = arith.constant 1.000000e+30 : f32
      %broadcast_in_dim3A_448 = vector.broadcast %jit3A : f32 to vector<256x1024xf32>
      %select_n3A = arith.select %eq3A_442, %broadcast_in_dim3A_448, %get3A_447 : vector<256x1024xi1>, vector<256x1024xf32>
      %swap3A_449 = arith.index_cast %scan3A_437 : i32 to index
      %swap3A_450 = arith.constant 0 : index
      %swap3A_451 = arith.constant 0 : index
      %swap3A_452 = vector.load %arg7[%swap3A_449, %swap3A_450, %swap3A_451] : memref<8x256x1024xf32, #tpu.memory_space<vmem>>, vector<1x256x1024xf32>
      %swap3A_453 = vector.shape_cast %swap3A_452 : vector<1x256x1024xf32> to vector<256x1024xf32>
      %swap3A_454 = vector.shape_cast %select_n3A : vector<256x1024xf32> to vector<1x256x1024xf32>
      tpu.vector_store %arg7[%swap3A_449, %swap3A_450, %swap3A_451], %swap3A_454 {strides = array<i32>} : memref<8x256x1024xf32, #tpu.memory_space<vmem>>, vector<1x256x1024xf32>,
    }
    %scan3A_358 = arith.constant 8 : i32
    %broadcast_in_dim3A_359 = arith.constant 2.000000e+30 : f32
    %broadcast_in_dim3A_360 = vector.broadcast %broadcast_in_dim3A_359 : f32 to vector<256x1xf32>
    %broadcast_in_dim3A_361 = arith.constant 0 : i32
    %broadcast_in_dim3A_362 = vector.broadcast %broadcast_in_dim3A_361 : i32 to vector<256x1xi32>
    %scan3A_363 = arith.constant 0 : i32
    %scan3A_364 = arith.constant 8 : i32
    %scan3A_365 = arith.addi %scan3A_363, %scan3A_364 : i32
    %scan3A_366 = arith.constant 1 : i32
    %scan3A_367:2 = scf.for %scan3A_437 = %scan3A_363 to %scan3A_365 step %scan3A_366 iter_args(%scan3A_438 = %broadcast_in_dim3A_360, %scan3A_439 = %broadcast_in_dim3A_362) -> (vector<256x1xf32>, vector<256x1xi32>)  : i32 {
      %get3A_440 = arith.index_cast %scan3A_437 : i32 to index
      %get3A_441 = arith.constant 0 : index
      %get3A_442 = arith.constant 0 : index
      %get3A_443 = vector.load %arg7[%get3A_440, %get3A_441, %get3A_442] : memref<8x256x1024xf32, #tpu.memory_space<vmem>>, vector<1x256x1024xf32>
      %get3A_444 = vector.shape_cast %get3A_443 : vector<1x256x1024xf32> to vector<256x1024xf32>
      %reduce_min3A = arith.constant dense<0x7F800000> : vector<256xf32>
      %reduce_min3A_445 = vector.multi_reduction <minimumf>, %get3A_444, %reduce_min3A [1] : vector<256x1024xf32> to vector<256xf32>
      %broadcast_in_dim3A_446 = vector.shape_cast %reduce_min3A_445 : vector<256xf32> to vector<256x1xf32>
      %eq3A = vector.broadcast %broadcast_in_dim3A_446 : vector<256x1xf32> to vector<256x1024xf32>
      %eq3A_447 = arith.cmpf oeq, %get3A_444, %eq3A : vector<256x1024xf32>
      %jit3A = arith.constant 1024 : i32
      %broadcast_in_dim3A_448 = vector.broadcast %jit3A : i32 to vector<256x1024xi32>
      %select_n3A = arith.select %eq3A_447, %iota3A, %broadcast_in_dim3A_448 : vector<256x1024xi1>, vector<256x1024xi32>
      %reduce_min3A_449 = arith.constant dense<2147483647> : vector<256xi32>
      %reduce_min3A_450 = vector.multi_reduction <minsi>, %select_n3A, %reduce_min3A_449 [1] : vector<256x1024xi32> to vector<256xi32>
      %broadcast_in_dim3A_451 = vector.shape_cast %reduce_min3A_450 : vector<256xi32> to vector<256x1xi32>
      %mul3A_452 = arith.constant 1024 : i32
      %mul3A_453 = arith.muli %scan3A_437, %mul3A_452 : i32
      %add3A_454 = vector.broadcast %mul3A_453 : i32 to vector<256x1xi32>
      %add3A_455 = arith.addi %broadcast_in_dim3A_451, %add3A_454 : vector<256x1xi32>
      %lt3A = arith.cmpf olt, %broadcast_in_dim3A_446, %scan3A_438 : vector<256x1xf32>
      %select_n3A_456 = arith.select %lt3A, %broadcast_in_dim3A_446, %scan3A_438 : vector<256x1xi1>, vector<256x1xf32>
      %select_n3A_457 = arith.select %lt3A, %add3A_455, %scan3A_439 : vector<256x1xi1>, vector<256x1xi32>
      scf.yield %select_n3A_456, %select_n3A_457 : vector<256x1xf32>, vector<256x1xi32>
    }
    %scan3A_368 = arith.constant 8 : i32
    %mul3A_369 = arith.constant 8192 : i32
    %mul3A_370 = arith.muli %arg0, %mul3A_369 : i32
    %add3A_371 = vector.broadcast %mul3A_370 : i32 to vector<256x1xi32>
    %add3A_372 = arith.addi %scan3A_367#1, %add3A_371 : vector<256x1xi32>
    %transpose3A_373 = tpu.transpose %add3A_372, [1, 0] : vector<256x1xi32> -> vector<1x256xi32>
    %swap3A_374 = arith.constant 0 : index
    %swap3A_375 = arith.constant 13 : index
    %swap3A_376 = arith.constant 0 : index
    %swap3A_377 = vector.load %arg6[%swap3A_374, %swap3A_375, %swap3A_376] : memref<1x16x256xi32, #tpu.memory_space<vmem>>, vector<1x1x256xi32>
    %swap3A_378 = vector.shape_cast %swap3A_377 : vector<1x1x256xi32> to vector<1x256xi32>
    %swap3A_379 = vector.shape_cast %transpose3A_373 : vector<1x256xi32> to vector<1x1x256xi32>
    tpu.vector_store %arg6[%swap3A_374, %swap3A_375, %swap3A_376], %swap3A_379 {strides = array<i32>} : memref<1x16x256xi32, #tpu.memory_space<vmem>>, vector<1x1x256xi32>,
    %scan3A_380 = arith.constant 0 : i32
    %scan3A_381 = arith.constant 8 : i32
    %scan3A_382 = arith.addi %scan3A_380, %scan3A_381 : i32
    %scan3A_383 = arith.constant 1 : i32
    scf.for %scan3A_437 = %scan3A_380 to %scan3A_382 step %scan3A_383  : i32 {
      %mul3A_438 = arith.constant 1024 : i32
      %mul3A_439 = arith.muli %scan3A_437, %mul3A_438 : i32
      %add3A_440 = vector.broadcast %mul3A_439 : i32 to vector<256x1024xi32>
      %add3A_441 = arith.addi %iota3A, %add3A_440 : vector<256x1024xi32>
      %eq3A = vector.broadcast %scan3A_367#1 : vector<256x1xi32> to vector<256x1024xi32>
      %eq3A_442 = arith.cmpi eq, %add3A_441, %eq3A : vector<256x1024xi32>
      %get3A_443 = arith.index_cast %scan3A_437 : i32 to index
      %get3A_444 = arith.constant 0 : index
      %get3A_445 = arith.constant 0 : index
      %get3A_446 = vector.load %arg7[%get3A_443, %get3A_444, %get3A_445] : memref<8x256x1024xf32, #tpu.memory_space<vmem>>, vector<1x256x1024xf32>
      %get3A_447 = vector.shape_cast %get3A_446 : vector<1x256x1024xf32> to vector<256x1024xf32>
      %jit3A = arith.constant 1.000000e+30 : f32
      %broadcast_in_dim3A_448 = vector.broadcast %jit3A : f32 to vector<256x1024xf32>
      %select_n3A = arith.select %eq3A_442, %broadcast_in_dim3A_448, %get3A_447 : vector<256x1024xi1>, vector<256x1024xf32>
      %swap3A_449 = arith.index_cast %scan3A_437 : i32 to index
      %swap3A_450 = arith.constant 0 : index
      %swap3A_451 = arith.constant 0 : index
      %swap3A_452 = vector.load %arg7[%swap3A_449, %swap3A_450, %swap3A_451] : memref<8x256x1024xf32, #tpu.memory_space<vmem>>, vector<1x256x1024xf32>
      %swap3A_453 = vector.shape_cast %swap3A_452 : vector<1x256x1024xf32> to vector<256x1024xf32>
      %swap3A_454 = vector.shape_cast %select_n3A : vector<256x1024xf32> to vector<1x256x1024xf32>
      tpu.vector_store %arg7[%swap3A_449, %swap3A_450, %swap3A_451], %swap3A_454 {strides = array<i32>} : memref<8x256x1024xf32, #tpu.memory_space<vmem>>, vector<1x256x1024xf32>,
    }
    %scan3A_384 = arith.constant 8 : i32
    %broadcast_in_dim3A_385 = arith.constant 2.000000e+30 : f32
    %broadcast_in_dim3A_386 = vector.broadcast %broadcast_in_dim3A_385 : f32 to vector<256x1xf32>
    %broadcast_in_dim3A_387 = arith.constant 0 : i32
    %broadcast_in_dim3A_388 = vector.broadcast %broadcast_in_dim3A_387 : i32 to vector<256x1xi32>
    %scan3A_389 = arith.constant 0 : i32
    %scan3A_390 = arith.constant 8 : i32
    %scan3A_391 = arith.addi %scan3A_389, %scan3A_390 : i32
    %scan3A_392 = arith.constant 1 : i32
    %scan3A_393:2 = scf.for %scan3A_437 = %scan3A_389 to %scan3A_391 step %scan3A_392 iter_args(%scan3A_438 = %broadcast_in_dim3A_386, %scan3A_439 = %broadcast_in_dim3A_388) -> (vector<256x1xf32>, vector<256x1xi32>)  : i32 {
      %get3A_440 = arith.index_cast %scan3A_437 : i32 to index
      %get3A_441 = arith.constant 0 : index
      %get3A_442 = arith.constant 0 : index
      %get3A_443 = vector.load %arg7[%get3A_440, %get3A_441, %get3A_442] : memref<8x256x1024xf32, #tpu.memory_space<vmem>>, vector<1x256x1024xf32>
      %get3A_444 = vector.shape_cast %get3A_443 : vector<1x256x1024xf32> to vector<256x1024xf32>
      %reduce_min3A = arith.constant dense<0x7F800000> : vector<256xf32>
      %reduce_min3A_445 = vector.multi_reduction <minimumf>, %get3A_444, %reduce_min3A [1] : vector<256x1024xf32> to vector<256xf32>
      %broadcast_in_dim3A_446 = vector.shape_cast %reduce_min3A_445 : vector<256xf32> to vector<256x1xf32>
      %eq3A = vector.broadcast %broadcast_in_dim3A_446 : vector<256x1xf32> to vector<256x1024xf32>
      %eq3A_447 = arith.cmpf oeq, %get3A_444, %eq3A : vector<256x1024xf32>
      %jit3A = arith.constant 1024 : i32
      %broadcast_in_dim3A_448 = vector.broadcast %jit3A : i32 to vector<256x1024xi32>
      %select_n3A = arith.select %eq3A_447, %iota3A, %broadcast_in_dim3A_448 : vector<256x1024xi1>, vector<256x1024xi32>
      %reduce_min3A_449 = arith.constant dense<2147483647> : vector<256xi32>
      %reduce_min3A_450 = vector.multi_reduction <minsi>, %select_n3A, %reduce_min3A_449 [1] : vector<256x1024xi32> to vector<256xi32>
      %broadcast_in_dim3A_451 = vector.shape_cast %reduce_min3A_450 : vector<256xi32> to vector<256x1xi32>
      %mul3A_452 = arith.constant 1024 : i32
      %mul3A_453 = arith.muli %scan3A_437, %mul3A_452 : i32
      %add3A_454 = vector.broadcast %mul3A_453 : i32 to vector<256x1xi32>
      %add3A_455 = arith.addi %broadcast_in_dim3A_451, %add3A_454 : vector<256x1xi32>
      %lt3A = arith.cmpf olt, %broadcast_in_dim3A_446, %scan3A_438 : vector<256x1xf32>
      %select_n3A_456 = arith.select %lt3A, %broadcast_in_dim3A_446, %scan3A_438 : vector<256x1xi1>, vector<256x1xf32>
      %select_n3A_457 = arith.select %lt3A, %add3A_455, %scan3A_439 : vector<256x1xi1>, vector<256x1xi32>
      scf.yield %select_n3A_456, %select_n3A_457 : vector<256x1xf32>, vector<256x1xi32>
    }
    %scan3A_394 = arith.constant 8 : i32
    %mul3A_395 = arith.constant 8192 : i32
    %mul3A_396 = arith.muli %arg0, %mul3A_395 : i32
    %add3A_397 = vector.broadcast %mul3A_396 : i32 to vector<256x1xi32>
    %add3A_398 = arith.addi %scan3A_393#1, %add3A_397 : vector<256x1xi32>
    %transpose3A_399 = tpu.transpose %add3A_398, [1, 0] : vector<256x1xi32> -> vector<1x256xi32>
    %swap3A_400 = arith.constant 0 : index
    %swap3A_401 = arith.constant 14 : index
    %swap3A_402 = arith.constant 0 : index
    %swap3A_403 = vector.load %arg6[%swap3A_400, %swap3A_401, %swap3A_402] : memref<1x16x256xi32, #tpu.memory_space<vmem>>, vector<1x1x256xi32>
    %swap3A_404 = vector.shape_cast %swap3A_403 : vector<1x1x256xi32> to vector<1x256xi32>
    %swap3A_405 = vector.shape_cast %transpose3A_399 : vector<1x256xi32> to vector<1x1x256xi32>
    tpu.vector_store %arg6[%swap3A_400, %swap3A_401, %swap3A_402], %swap3A_405 {strides = array<i32>} : memref<1x16x256xi32, #tpu.memory_space<vmem>>, vector<1x1x256xi32>,
    %scan3A_406 = arith.constant 0 : i32
    %scan3A_407 = arith.constant 8 : i32
    %scan3A_408 = arith.addi %scan3A_406, %scan3A_407 : i32
    %scan3A_409 = arith.constant 1 : i32
    scf.for %scan3A_437 = %scan3A_406 to %scan3A_408 step %scan3A_409  : i32 {
      %mul3A_438 = arith.constant 1024 : i32
      %mul3A_439 = arith.muli %scan3A_437, %mul3A_438 : i32
      %add3A_440 = vector.broadcast %mul3A_439 : i32 to vector<256x1024xi32>
      %add3A_441 = arith.addi %iota3A, %add3A_440 : vector<256x1024xi32>
      %eq3A = vector.broadcast %scan3A_393#1 : vector<256x1xi32> to vector<256x1024xi32>
      %eq3A_442 = arith.cmpi eq, %add3A_441, %eq3A : vector<256x1024xi32>
      %get3A_443 = arith.index_cast %scan3A_437 : i32 to index
      %get3A_444 = arith.constant 0 : index
      %get3A_445 = arith.constant 0 : index
      %get3A_446 = vector.load %arg7[%get3A_443, %get3A_444, %get3A_445] : memref<8x256x1024xf32, #tpu.memory_space<vmem>>, vector<1x256x1024xf32>
      %get3A_447 = vector.shape_cast %get3A_446 : vector<1x256x1024xf32> to vector<256x1024xf32>
      %jit3A = arith.constant 1.000000e+30 : f32
      %broadcast_in_dim3A_448 = vector.broadcast %jit3A : f32 to vector<256x1024xf32>
      %select_n3A = arith.select %eq3A_442, %broadcast_in_dim3A_448, %get3A_447 : vector<256x1024xi1>, vector<256x1024xf32>
      %swap3A_449 = arith.index_cast %scan3A_437 : i32 to index
      %swap3A_450 = arith.constant 0 : index
      %swap3A_451 = arith.constant 0 : index
      %swap3A_452 = vector.load %arg7[%swap3A_449, %swap3A_450, %swap3A_451] : memref<8x256x1024xf32, #tpu.memory_space<vmem>>, vector<1x256x1024xf32>
      %swap3A_453 = vector.shape_cast %swap3A_452 : vector<1x256x1024xf32> to vector<256x1024xf32>
      %swap3A_454 = vector.shape_cast %select_n3A : vector<256x1024xf32> to vector<1x256x1024xf32>
      tpu.vector_store %arg7[%swap3A_449, %swap3A_450, %swap3A_451], %swap3A_454 {strides = array<i32>} : memref<8x256x1024xf32, #tpu.memory_space<vmem>>, vector<1x256x1024xf32>,
    }
    %scan3A_410 = arith.constant 8 : i32
    %broadcast_in_dim3A_411 = arith.constant 2.000000e+30 : f32
    %broadcast_in_dim3A_412 = vector.broadcast %broadcast_in_dim3A_411 : f32 to vector<256x1xf32>
    %broadcast_in_dim3A_413 = arith.constant 0 : i32
    %broadcast_in_dim3A_414 = vector.broadcast %broadcast_in_dim3A_413 : i32 to vector<256x1xi32>
    %scan3A_415 = arith.constant 0 : i32
    %scan3A_416 = arith.constant 8 : i32
    %scan3A_417 = arith.addi %scan3A_415, %scan3A_416 : i32
    %scan3A_418 = arith.constant 1 : i32
    %scan3A_419:2 = scf.for %scan3A_437 = %scan3A_415 to %scan3A_417 step %scan3A_418 iter_args(%scan3A_438 = %broadcast_in_dim3A_412, %scan3A_439 = %broadcast_in_dim3A_414) -> (vector<256x1xf32>, vector<256x1xi32>)  : i32 {
      %get3A_440 = arith.index_cast %scan3A_437 : i32 to index
      %get3A_441 = arith.constant 0 : index
      %get3A_442 = arith.constant 0 : index
      %get3A_443 = vector.load %arg7[%get3A_440, %get3A_441, %get3A_442] : memref<8x256x1024xf32, #tpu.memory_space<vmem>>, vector<1x256x1024xf32>
      %get3A_444 = vector.shape_cast %get3A_443 : vector<1x256x1024xf32> to vector<256x1024xf32>
      %reduce_min3A = arith.constant dense<0x7F800000> : vector<256xf32>
      %reduce_min3A_445 = vector.multi_reduction <minimumf>, %get3A_444, %reduce_min3A [1] : vector<256x1024xf32> to vector<256xf32>
      %broadcast_in_dim3A_446 = vector.shape_cast %reduce_min3A_445 : vector<256xf32> to vector<256x1xf32>
      %eq3A = vector.broadcast %broadcast_in_dim3A_446 : vector<256x1xf32> to vector<256x1024xf32>
      %eq3A_447 = arith.cmpf oeq, %get3A_444, %eq3A : vector<256x1024xf32>
      %jit3A = arith.constant 1024 : i32
      %broadcast_in_dim3A_448 = vector.broadcast %jit3A : i32 to vector<256x1024xi32>
      %select_n3A = arith.select %eq3A_447, %iota3A, %broadcast_in_dim3A_448 : vector<256x1024xi1>, vector<256x1024xi32>
      %reduce_min3A_449 = arith.constant dense<2147483647> : vector<256xi32>
      %reduce_min3A_450 = vector.multi_reduction <minsi>, %select_n3A, %reduce_min3A_449 [1] : vector<256x1024xi32> to vector<256xi32>
      %broadcast_in_dim3A_451 = vector.shape_cast %reduce_min3A_450 : vector<256xi32> to vector<256x1xi32>
      %mul3A_452 = arith.constant 1024 : i32
      %mul3A_453 = arith.muli %scan3A_437, %mul3A_452 : i32
      %add3A_454 = vector.broadcast %mul3A_453 : i32 to vector<256x1xi32>
      %add3A_455 = arith.addi %broadcast_in_dim3A_451, %add3A_454 : vector<256x1xi32>
      %lt3A = arith.cmpf olt, %broadcast_in_dim3A_446, %scan3A_438 : vector<256x1xf32>
      %select_n3A_456 = arith.select %lt3A, %broadcast_in_dim3A_446, %scan3A_438 : vector<256x1xi1>, vector<256x1xf32>
      %select_n3A_457 = arith.select %lt3A, %add3A_455, %scan3A_439 : vector<256x1xi1>, vector<256x1xi32>
      scf.yield %select_n3A_456, %select_n3A_457 : vector<256x1xf32>, vector<256x1xi32>
    }
    %scan3A_420 = arith.constant 8 : i32
    %mul3A_421 = arith.constant 8192 : i32
    %mul3A_422 = arith.muli %arg0, %mul3A_421 : i32
    %add3A_423 = vector.broadcast %mul3A_422 : i32 to vector<256x1xi32>
    %add3A_424 = arith.addi %scan3A_419#1, %add3A_423 : vector<256x1xi32>
    %transpose3A_425 = tpu.transpose %add3A_424, [1, 0] : vector<256x1xi32> -> vector<1x256xi32>
    %swap3A_426 = arith.constant 0 : index
    %swap3A_427 = arith.constant 15 : index
    %swap3A_428 = arith.constant 0 : index
    %swap3A_429 = vector.load %arg6[%swap3A_426, %swap3A_427, %swap3A_428] : memref<1x16x256xi32, #tpu.memory_space<vmem>>, vector<1x1x256xi32>
    %swap3A_430 = vector.shape_cast %swap3A_429 : vector<1x1x256xi32> to vector<1x256xi32>
    %swap3A_431 = vector.shape_cast %transpose3A_425 : vector<1x256xi32> to vector<1x1x256xi32>
    tpu.vector_store %arg6[%swap3A_426, %swap3A_427, %swap3A_428], %swap3A_431 {strides = array<i32>} : memref<1x16x256xi32, #tpu.memory_space<vmem>>, vector<1x1x256xi32>,
    %scan3A_432 = arith.constant 0 : i32
    %scan3A_433 = arith.constant 8 : i32
    %scan3A_434 = arith.addi %scan3A_432, %scan3A_433 : i32
    %scan3A_435 = arith.constant 1 : i32
    scf.for %scan3A_437 = %scan3A_432 to %scan3A_434 step %scan3A_435  : i32 {
      %mul3A_438 = arith.constant 1024 : i32
      %mul3A_439 = arith.muli %scan3A_437, %mul3A_438 : i32
      %add3A_440 = vector.broadcast %mul3A_439 : i32 to vector<256x1024xi32>
      %add3A_441 = arith.addi %iota3A, %add3A_440 : vector<256x1024xi32>
      %eq3A = vector.broadcast %scan3A_419#1 : vector<256x1xi32> to vector<256x1024xi32>
      %eq3A_442 = arith.cmpi eq, %add3A_441, %eq3A : vector<256x1024xi32>
      %get3A_443 = arith.index_cast %scan3A_437 : i32 to index
      %get3A_444 = arith.constant 0 : index
      %get3A_445 = arith.constant 0 : index
      %get3A_446 = vector.load %arg7[%get3A_443, %get3A_444, %get3A_445] : memref<8x256x1024xf32, #tpu.memory_space<vmem>>, vector<1x256x1024xf32>
      %get3A_447 = vector.shape_cast %get3A_446 : vector<1x256x1024xf32> to vector<256x1024xf32>
      %jit3A = arith.constant 1.000000e+30 : f32
      %broadcast_in_dim3A_448 = vector.broadcast %jit3A : f32 to vector<256x1024xf32>
      %select_n3A = arith.select %eq3A_442, %broadcast_in_dim3A_448, %get3A_447 : vector<256x1024xi1>, vector<256x1024xf32>
      %swap3A_449 = arith.index_cast %scan3A_437 : i32 to index
      %swap3A_450 = arith.constant 0 : index
      %swap3A_451 = arith.constant 0 : index
      %swap3A_452 = vector.load %arg7[%swap3A_449, %swap3A_450, %swap3A_451] : memref<8x256x1024xf32, #tpu.memory_space<vmem>>, vector<1x256x1024xf32>
      %swap3A_453 = vector.shape_cast %swap3A_452 : vector<1x256x1024xf32> to vector<256x1024xf32>
      %swap3A_454 = vector.shape_cast %select_n3A : vector<256x1024xf32> to vector<1x256x1024xf32>
      tpu.vector_store %arg7[%swap3A_449, %swap3A_450, %swap3A_451], %swap3A_454 {strides = array<i32>} : memref<8x256x1024xf32, #tpu.memory_space<vmem>>, vector<1x256x1024xf32>,
    }
    %scan3A_436 = arith.constant 8 : i32
    return
  }
  func.func @transform_0(%arg0: i32, %arg1: i32) -> (i32, i32, i32, i32) {
    %c0_i32 = arith.constant 0 : i32
    %c0_i32_0 = arith.constant 0 : i32
    %c0_i32_1 = arith.constant 0 : i32
    %c0_i32_2 = arith.constant 0 : i32
    return %arg0, %c0_i32, %c0_i32_0, %c0_i32_1 : i32, i32, i32, i32
  }
  func.func @transform_1(%arg0: i32, %arg1: i32) -> (i32, i32, i32) {
    %c0_i32 = arith.constant 0 : i32
    %c0_i32_0 = arith.constant 0 : i32
    return %arg0, %c0_i32, %arg1 : i32, i32, i32
  }
  func.func @transform_2(%arg0: i32, %arg1: i32) -> (i32, i32, i32) {
    %c0_i32 = arith.constant 0 : i32
    %c0_i32_0 = arith.constant 0 : i32
    return %arg0, %c0_i32, %arg1 : i32, i32, i32
  }
  func.func @transform_3(%arg0: i32, %arg1: i32) -> (i32, i32, i32) {
    %c0_i32 = arith.constant 0 : i32
    %c0_i32_0 = arith.constant 0 : i32
    return %arg0, %c0_i32, %arg1 : i32, i32, i32
  }
  func.func @transform_4(%arg0: i32, %arg1: i32) -> (i32, i32, i32) {
    %c0_i32 = arith.constant 0 : i32
    %c0_i32_0 = arith.constant 0 : i32
    return %arg0, %c0_i32, %arg1 : i32, i32, i32
  }
}

module attributes {stable_mosaic.version = 14 : i64} {
  func.func @_proj_body(%arg0: i32, %arg1: memref<1x8192x35xf32, #tpu.memory_space<vmem>>, %arg2: memref<35x128xf32, #tpu.memory_space<vmem>>, %arg3: memref<1x8192x128xf32, #tpu.memory_space<vmem>>) attributes {dimension_semantics = [#tpu.dimension_semantics<arbitrary>], iteration_bounds = array<i64: 4>, scalar_prefetch = 0 : i64, scratch_operands = 0 : i64, tpu.core_type = #tpu.core_type<tc>, window_params = [{transform_indices = @transform_0, window_bounds = array<i64: 1, 8192, 35>}, {pipeline_mode = #tpu.pipeline_mode<synchronous>, transform_indices = @transform_1, window_bounds = array<i64: 35, 128>}, {transform_indices = @transform_2, window_bounds = array<i64: 1, 8192, 128>}]} {
    %get3A = arith.constant 0 : index
    %get3A_0 = arith.constant 0 : index
    %get3A_1 = arith.constant 0 : index
    %get3A_2 = vector.load %arg1[%get3A, %get3A_0, %get3A_1] : memref<1x8192x35xf32, #tpu.memory_space<vmem>>, vector<1x8192x35xf32>
    %get3A_3 = vector.shape_cast %get3A_2 : vector<1x8192x35xf32> to vector<8192x35xf32>
    %get3A_4 = arith.constant 0 : index
    %get3A_5 = arith.constant 0 : index
    %get3A_6 = vector.load %arg2[%get3A_4, %get3A_5] : memref<35x128xf32, #tpu.memory_space<vmem>>, vector<35x128xf32>
    %dot_general3A = arith.constant dense<0.000000e+00> : vector<8192x128xf32>
    %dot_general3A_7 = tpu.matmul %get3A_3, %get3A_6, %dot_general3A {dimension_numbers = #tpu.dot_dimension_numbers<[1], [0], [0], [1], [0, 0, 1, 1], [], []>, precision = #tpu.contract_precision<fp32>, transpose_lhs_hint = false} : vector<8192x35xf32>, vector<35x128xf32>, vector<8192x128xf32> -> vector<8192x128xf32>
    %swap3A = arith.constant 0 : index
    %swap3A_8 = arith.constant 0 : index
    %swap3A_9 = arith.constant 0 : index
    %swap3A_10 = vector.load %arg3[%swap3A, %swap3A_8, %swap3A_9] : memref<1x8192x128xf32, #tpu.memory_space<vmem>>, vector<1x8192x128xf32>
    %swap3A_11 = vector.shape_cast %swap3A_10 : vector<1x8192x128xf32> to vector<8192x128xf32>
    %swap3A_12 = vector.shape_cast %dot_general3A_7 : vector<8192x128xf32> to vector<1x8192x128xf32>
    tpu.vector_store %arg3[%swap3A, %swap3A_8, %swap3A_9], %swap3A_12 {strides = array<i32>} : memref<1x8192x128xf32, #tpu.memory_space<vmem>>, vector<1x8192x128xf32>,
    return
  }
  func.func @transform_0(%arg0: i32) -> (i32, i32, i32) {
    %c0_i32 = arith.constant 0 : i32
    %c0_i32_0 = arith.constant 0 : i32
    %c0_i32_1 = arith.constant 0 : i32
    return %arg0, %c0_i32, %c0_i32_0 : i32, i32, i32
  }
  func.func @transform_1(%arg0: i32) -> (i32, i32) {
    %c0_i32 = arith.constant 0 : i32
    %c0_i32_0 = arith.constant 0 : i32
    %c0_i32_1 = arith.constant 0 : i32
    return %c0_i32, %c0_i32_0 : i32, i32
  }
  func.func @transform_2(%arg0: i32) -> (i32, i32, i32) {
    %c0_i32 = arith.constant 0 : i32
    %c0_i32_0 = arith.constant 0 : i32
    %c0_i32_1 = arith.constant 0 : i32
    return %arg0, %c0_i32, %c0_i32_0 : i32, i32, i32
  }
}

module attributes {stable_mosaic.version = 14 : i64} {
  func.func @_stats1_body(%arg0: i32, %arg1: i32, %arg2: memref<1x16x256x128xf32, #tpu.memory_space<vmem>>, %arg3: memref<1x1x256xf32, #tpu.memory_space<vmem>>, %arg4: memref<1x1x256xf32, #tpu.memory_space<vmem>>, %arg5: memref<1x1x256xf32, #tpu.memory_space<vmem>>, %arg6: memref<64x35xf32, #tpu.memory_space<vmem>>, %arg7: memref<1x64xf32, #tpu.memory_space<vmem>>, %arg8: memref<8x64xf32, #tpu.memory_space<vmem>>) attributes {dimension_semantics = [#tpu.dimension_semantics<arbitrary>, #tpu.dimension_semantics<arbitrary>], iteration_bounds = array<i64: 4, 8>, scalar_prefetch = 0 : i64, scratch_operands = 0 : i64, tpu.core_type = #tpu.core_type<tc>, window_params = [{transform_indices = @transform_0, window_bounds = array<i64: 1, 16, 256, 128>}, {transform_indices = @transform_1, window_bounds = array<i64: 1, 1, 256>}, {transform_indices = @transform_2, window_bounds = array<i64: 1, 1, 256>}, {transform_indices = @transform_3, window_bounds = array<i64: 1, 1, 256>}, {pipeline_mode = #tpu.pipeline_mode<synchronous>, transform_indices = @transform_4, window_bounds = array<i64: 64, 35>}, {pipeline_mode = #tpu.pipeline_mode<synchronous>, transform_indices = @transform_5, window_bounds = array<i64: 1, 64>}, {pipeline_mode = #tpu.pipeline_mode<synchronous>, transform_indices = @transform_6, window_bounds = array<i64: 8, 64>}]} {
    %get3A = arith.constant 0 : index
    %get3A_0 = arith.constant 0 : index
    %get3A_1 = arith.constant 0 : index
    %get3A_2 = vector.load %arg3[%get3A, %get3A_0, %get3A_1] : memref<1x1x256xf32, #tpu.memory_space<vmem>>, vector<1x1x256xf32>
    %get3A_3 = vector.shape_cast %get3A_2 : vector<1x1x256xf32> to vector<1x256xf32>
    %transpose3A = tpu.transpose %get3A_3, [1, 0] : vector<1x256xf32> -> vector<256x1xf32>
    %get3A_4 = arith.constant 0 : index
    %get3A_5 = arith.constant 0 : index
    %get3A_6 = arith.constant 0 : index
    %get3A_7 = vector.load %arg4[%get3A_4, %get3A_5, %get3A_6] : memref<1x1x256xf32, #tpu.memory_space<vmem>>, vector<1x1x256xf32>
    %get3A_8 = vector.shape_cast %get3A_7 : vector<1x1x256xf32> to vector<1x256xf32>
    %transpose3A_9 = tpu.transpose %get3A_8, [1, 0] : vector<1x256xf32> -> vector<256x1xf32>
    %get3A_10 = arith.constant 0 : index
    %get3A_11 = arith.constant 0 : index
    %get3A_12 = arith.constant 0 : index
    %get3A_13 = vector.load %arg5[%get3A_10, %get3A_11, %get3A_12] : memref<1x1x256xf32, #tpu.memory_space<vmem>>, vector<1x1x256xf32>
    %get3A_14 = vector.shape_cast %get3A_13 : vector<1x1x256xf32> to vector<1x256xf32>
    %transpose3A_15 = tpu.transpose %get3A_14, [1, 0] : vector<1x256xf32> -> vector<256x1xf32>
    %get3A_16 = arith.constant 0 : index
    %get3A_17 = arith.constant 0 : index
    %get3A_18 = vector.load %arg6[%get3A_16, %get3A_17] : memref<64x35xf32, #tpu.memory_space<vmem>>, vector<64x3xf32>
    %transpose3A_19 = tpu.transpose %get3A_18, [1, 0] : vector<64x3xf32> -> vector<3x64xf32>
    %get3A_20 = arith.constant 0 : index
    %get3A_21 = arith.constant 0 : index
    %get3A_22 = vector.load %arg7[%get3A_20, %get3A_21] : memref<1x64xf32, #tpu.memory_space<vmem>>, vector<1x64xf32>
    %slice3A = vector.extract_strided_slice %transpose3A_19 {offsets = [0, 0], sizes = [1, 64], strides = [1, 1]} : vector<3x64xf32> to vector<1x64xf32>
    %mul3A = vector.broadcast %transpose3A : vector<256x1xf32> to vector<256x64xf32>
    %mul3A_23 = vector.broadcast %slice3A : vector<1x64xf32> to vector<256x64xf32>
    %mul3A_24 = arith.mulf %mul3A, %mul3A_23 : vector<256x64xf32>
    %slice3A_25 = vector.extract_strided_slice %transpose3A_19 {offsets = [1, 0], sizes = [1, 64], strides = [1, 1]} : vector<3x64xf32> to vector<1x64xf32>
    %mul3A_26 = vector.broadcast %transpose3A_9 : vector<256x1xf32> to vector<256x64xf32>
    %mul3A_27 = vector.broadcast %slice3A_25 : vector<1x64xf32> to vector<256x64xf32>
    %mul3A_28 = arith.mulf %mul3A_26, %mul3A_27 : vector<256x64xf32>
    %add3A = arith.addf %mul3A_24, %mul3A_28 : vector<256x64xf32>
    %slice3A_29 = vector.extract_strided_slice %transpose3A_19 {offsets = [2, 0], sizes = [1, 64], strides = [1, 1]} : vector<3x64xf32> to vector<1x64xf32>
    %mul3A_30 = vector.broadcast %transpose3A_15 : vector<256x1xf32> to vector<256x64xf32>
    %mul3A_31 = vector.broadcast %slice3A_29 : vector<1x64xf32> to vector<256x64xf32>
    %mul3A_32 = arith.mulf %mul3A_30, %mul3A_31 : vector<256x64xf32>
    %add3A_33 = arith.addf %add3A, %mul3A_32 : vector<256x64xf32>
    %sub3A = vector.broadcast %get3A_22 : vector<1x64xf32> to vector<256x64xf32>
    %sub3A_34 = arith.subf %sub3A, %add3A_33 : vector<256x64xf32>
    %get3A_35 = arith.constant 0 : index
    %get3A_36 = arith.constant 0 : index
    %get3A_37 = arith.constant 0 : index
    %get3A_38 = arith.constant 0 : index
    %get3A_39 = vector.load %arg2[%get3A_35, %get3A_36, %get3A_37, %get3A_38] : memref<1x16x256x128xf32, #tpu.memory_space<vmem>>, vector<1x16x256x128xf32>
    %get3A_40 = vector.shape_cast %get3A_39 : vector<1x16x256x128xf32> to vector<16x256x128xf32>
    %slice3A_41 = vector.extract_strided_slice %get3A_40 {offsets = [0, 0, 0], sizes = [16, 256, 64], strides = [1, 1, 1]} : vector<16x256x128xf32> to vector<16x256x64xf32>
    %broadcast_in_dim3A = vector.shape_cast %sub3A_34 : vector<256x64xf32> to vector<1x256x64xf32>
    %add3A_42 = vector.broadcast %broadcast_in_dim3A : vector<1x256x64xf32> to vector<16x256x64xf32>
    %add3A_43 = arith.addf %slice3A_41, %add3A_42 : vector<16x256x64xf32>
    %reshape3A = vector.shape_cast %add3A_43 : vector<16x256x64xf32> to vector<4096x64xf32>
    %eq3A = arith.constant 0 : i32
    %eq3A_44 = arith.cmpi eq, %arg0, %eq3A : i32
    %eq3A_45 = arith.constant 0 : i32
    %eq3A_46 = arith.cmpi eq, %arg1, %eq3A_45 : i32
    %and3A = arith.andi %eq3A_44, %eq3A_46 : i1
    %convert_element_type3A = arith.extui %and3A : i1 to i32
    %cond3A = arith.constant 0 : i32
    %cond3A_47 = arith.cmpi ne, %convert_element_type3A, %cond3A : i32
    scf.if %cond3A_47 {
      %broadcast_in_dim3A_67 = arith.constant 0.000000e+00 : f32
      %broadcast_in_dim3A_68 = vector.broadcast %broadcast_in_dim3A_67 : f32 to vector<8x64xf32>
      %swap3A_69 = arith.constant 0 : index
      %swap3A_70 = arith.constant 0 : index
      %swap3A_71 = vector.load %arg8[%swap3A_69, %swap3A_70] : memref<8x64xf32, #tpu.memory_space<vmem>>, vector<8x64xf32>
      tpu.vector_store %arg8[%swap3A_69, %swap3A_70], %broadcast_in_dim3A_68 {strides = array<i32>} : memref<8x64xf32, #tpu.memory_space<vmem>>, vector<8x64xf32>,
    } else {
    }
    %get3A_48 = arith.constant 0 : index
    %get3A_49 = arith.constant 0 : index
    %get3A_50 = vector.load %arg8[%get3A_48, %get3A_49] : memref<8x64xf32, #tpu.memory_space<vmem>>, vector<1x64xf32>
    %reduce_sum3A = arith.constant dense<0.000000e+00> : vector<64xf32>
    %reduce_sum3A_51 = vector.multi_reduction <add>, %reshape3A, %reduce_sum3A [0] : vector<4096x64xf32> to vector<64xf32>
    %broadcast_in_dim3A_52 = vector.shape_cast %reduce_sum3A_51 : vector<64xf32> to vector<1x64xf32>
    %add3A_53 = arith.addf %get3A_50, %broadcast_in_dim3A_52 : vector<1x64xf32>
    %swap3A = arith.constant 0 : index
    %swap3A_54 = arith.constant 0 : index
    %swap3A_55 = vector.load %arg8[%swap3A, %swap3A_54] : memref<8x64xf32, #tpu.memory_space<vmem>>, vector<1x64xf32>
    tpu.vector_store %arg8[%swap3A, %swap3A_54], %add3A_53 {strides = array<i32>} : memref<8x64xf32, #tpu.memory_space<vmem>>, vector<1x64xf32>,
    %get3A_56 = arith.constant 1 : index
    %get3A_57 = arith.constant 0 : index
    %get3A_58 = vector.load %arg8[%get3A_56, %get3A_57] : memref<8x64xf32, #tpu.memory_space<vmem>>, vector<1x64xf32>
    %mul3A_59 = arith.mulf %reshape3A, %reshape3A : vector<4096x64xf32>
    %reduce_sum3A_60 = arith.constant dense<0.000000e+00> : vector<64xf32>
    %reduce_sum3A_61 = vector.multi_reduction <add>, %mul3A_59, %reduce_sum3A_60 [0] : vector<4096x64xf32> to vector<64xf32>
    %broadcast_in_dim3A_62 = vector.shape_cast %reduce_sum3A_61 : vector<64xf32> to vector<1x64xf32>
    %add3A_63 = arith.addf %get3A_58, %broadcast_in_dim3A_62 : vector<1x64xf32>
    %swap3A_64 = arith.constant 1 : index
    %swap3A_65 = arith.constant 0 : index
    %swap3A_66 = vector.load %arg8[%swap3A_64, %swap3A_65] : memref<8x64xf32, #tpu.memory_space<vmem>>, vector<1x64xf32>
    tpu.vector_store %arg8[%swap3A_64, %swap3A_65], %add3A_63 {strides = array<i32>} : memref<8x64xf32, #tpu.memory_space<vmem>>, vector<1x64xf32>,
    return
  }
  func.func @transform_0(%arg0: i32, %arg1: i32) -> (i32, i32, i32, i32) {
    %c0_i32 = arith.constant 0 : i32
    %c0_i32_0 = arith.constant 0 : i32
    %c0_i32_1 = arith.constant 0 : i32
    return %arg0, %c0_i32, %arg1, %c0_i32_0 : i32, i32, i32, i32
  }
  func.func @transform_1(%arg0: i32, %arg1: i32) -> (i32, i32, i32) {
    %c0_i32 = arith.constant 0 : i32
    %c0_i32_0 = arith.constant 0 : i32
    return %arg0, %c0_i32, %arg1 : i32, i32, i32
  }
  func.func @transform_2(%arg0: i32, %arg1: i32) -> (i32, i32, i32) {
    %c0_i32 = arith.constant 0 : i32
    %c0_i32_0 = arith.constant 0 : i32
    return %arg0, %c0_i32, %arg1 : i32, i32, i32
  }
  func.func @transform_3(%arg0: i32, %arg1: i32) -> (i32, i32, i32) {
    %c0_i32 = arith.constant 0 : i32
    %c0_i32_0 = arith.constant 0 : i32
    return %arg0, %c0_i32, %arg1 : i32, i32, i32
  }
  func.func @transform_4(%arg0: i32, %arg1: i32) -> (i32, i32) {
    %c0_i32 = arith.constant 0 : i32
    %c0_i32_0 = arith.constant 0 : i32
    %c0_i32_1 = arith.constant 0 : i32
    return %c0_i32, %c0_i32_0 : i32, i32
  }
  func.func @transform_5(%arg0: i32, %arg1: i32) -> (i32, i32) {
    %c0_i32 = arith.constant 0 : i32
    %c0_i32_0 = arith.constant 0 : i32
    %c0_i32_1 = arith.constant 0 : i32
    return %c0_i32, %c0_i32_0 : i32, i32
  }
  func.func @transform_6(%arg0: i32, %arg1: i32) -> (i32, i32) {
    %c0_i32 = arith.constant 0 : i32
    %c0_i32_0 = arith.constant 0 : i32
    %c0_i32_1 = arith.constant 0 : i32
    return %c0_i32, %c0_i32_0 : i32, i32
  }
}

module attributes {stable_mosaic.version = 14 : i64} {
  func.func @_stats2_body(%arg0: i32, %arg1: i32, %arg2: memref<1x16x256x128xf32, #tpu.memory_space<vmem>>, %arg3: memref<1x1x256xf32, #tpu.memory_space<vmem>>, %arg4: memref<1x1x256xf32, #tpu.memory_space<vmem>>, %arg5: memref<1x1x256xf32, #tpu.memory_space<vmem>>, %arg6: memref<64x35xf32, #tpu.memory_space<vmem>>, %arg7: memref<1x64xf32, #tpu.memory_space<vmem>>, %arg8: memref<1x64xf32, #tpu.memory_space<vmem>>, %arg9: memref<1x64xf32, #tpu.memory_space<vmem>>, %arg10: memref<64x64xf32, #tpu.memory_space<vmem>>, %arg11: memref<1x64xf32, #tpu.memory_space<vmem>>, %arg12: memref<8x64xf32, #tpu.memory_space<vmem>>) attributes {dimension_semantics = [#tpu.dimension_semantics<arbitrary>, #tpu.dimension_semantics<arbitrary>], iteration_bounds = array<i64: 4, 8>, scalar_prefetch = 0 : i64, scratch_operands = 0 : i64, tpu.core_type = #tpu.core_type<tc>, window_params = [{transform_indices = @transform_0, window_bounds = array<i64: 1, 16, 256, 128>}, {transform_indices = @transform_1, window_bounds = array<i64: 1, 1, 256>}, {transform_indices = @transform_2, window_bounds = array<i64: 1, 1, 256>}, {transform_indices = @transform_3, window_bounds = array<i64: 1, 1, 256>}, {pipeline_mode = #tpu.pipeline_mode<synchronous>, transform_indices = @transform_4, window_bounds = array<i64: 64, 35>}, {pipeline_mode = #tpu.pipeline_mode<synchronous>, transform_indices = @transform_5, window_bounds = array<i64: 1, 64>}, {pipeline_mode = #tpu.pipeline_mode<synchronous>, transform_indices = @transform_6, window_bounds = array<i64: 1, 64>}, {pipeline_mode = #tpu.pipeline_mode<synchronous>, transform_indices = @transform_7, window_bounds = array<i64: 1, 64>}, {pipeline_mode = #tpu.pipeline_mode<synchronous>, transform_indices = @transform_8, window_bounds = array<i64: 64, 64>}, {pipeline_mode = #tpu.pipeline_mode<synchronous>, transform_indices = @transform_9, window_bounds = array<i64: 1, 64>}, {pipeline_mode = #tpu.pipeline_mode<synchronous>, transform_indices = @transform_10, window_bounds = array<i64: 8, 64>}]} {
    %get3A = arith.constant 0 : index
    %get3A_0 = arith.constant 0 : index
    %get3A_1 = arith.constant 0 : index
    %get3A_2 = vector.load %arg3[%get3A, %get3A_0, %get3A_1] : memref<1x1x256xf32, #tpu.memory_space<vmem>>, vector<1x1x256xf32>
    %get3A_3 = vector.shape_cast %get3A_2 : vector<1x1x256xf32> to vector<1x256xf32>
    %transpose3A = tpu.transpose %get3A_3, [1, 0] : vector<1x256xf32> -> vector<256x1xf32>
    %get3A_4 = arith.constant 0 : index
    %get3A_5 = arith.constant 0 : index
    %get3A_6 = arith.constant 0 : index
    %get3A_7 = vector.load %arg4[%get3A_4, %get3A_5, %get3A_6] : memref<1x1x256xf32, #tpu.memory_space<vmem>>, vector<1x1x256xf32>
    %get3A_8 = vector.shape_cast %get3A_7 : vector<1x1x256xf32> to vector<1x256xf32>
    %transpose3A_9 = tpu.transpose %get3A_8, [1, 0] : vector<1x256xf32> -> vector<256x1xf32>
    %get3A_10 = arith.constant 0 : index
    %get3A_11 = arith.constant 0 : index
    %get3A_12 = arith.constant 0 : index
    %get3A_13 = vector.load %arg5[%get3A_10, %get3A_11, %get3A_12] : memref<1x1x256xf32, #tpu.memory_space<vmem>>, vector<1x1x256xf32>
    %get3A_14 = vector.shape_cast %get3A_13 : vector<1x1x256xf32> to vector<1x256xf32>
    %transpose3A_15 = tpu.transpose %get3A_14, [1, 0] : vector<1x256xf32> -> vector<256x1xf32>
    %get3A_16 = arith.constant 0 : index
    %get3A_17 = arith.constant 0 : index
    %get3A_18 = vector.load %arg6[%get3A_16, %get3A_17] : memref<64x35xf32, #tpu.memory_space<vmem>>, vector<64x3xf32>
    %transpose3A_19 = tpu.transpose %get3A_18, [1, 0] : vector<64x3xf32> -> vector<3x64xf32>
    %get3A_20 = arith.constant 0 : index
    %get3A_21 = arith.constant 0 : index
    %get3A_22 = vector.load %arg7[%get3A_20, %get3A_21] : memref<1x64xf32, #tpu.memory_space<vmem>>, vector<1x64xf32>
    %slice3A = vector.extract_strided_slice %transpose3A_19 {offsets = [0, 0], sizes = [1, 64], strides = [1, 1]} : vector<3x64xf32> to vector<1x64xf32>
    %mul3A = vector.broadcast %transpose3A : vector<256x1xf32> to vector<256x64xf32>
    %mul3A_23 = vector.broadcast %slice3A : vector<1x64xf32> to vector<256x64xf32>
    %mul3A_24 = arith.mulf %mul3A, %mul3A_23 : vector<256x64xf32>
    %slice3A_25 = vector.extract_strided_slice %transpose3A_19 {offsets = [1, 0], sizes = [1, 64], strides = [1, 1]} : vector<3x64xf32> to vector<1x64xf32>
    %mul3A_26 = vector.broadcast %transpose3A_9 : vector<256x1xf32> to vector<256x64xf32>
    %mul3A_27 = vector.broadcast %slice3A_25 : vector<1x64xf32> to vector<256x64xf32>
    %mul3A_28 = arith.mulf %mul3A_26, %mul3A_27 : vector<256x64xf32>
    %add3A = arith.addf %mul3A_24, %mul3A_28 : vector<256x64xf32>
    %slice3A_29 = vector.extract_strided_slice %transpose3A_19 {offsets = [2, 0], sizes = [1, 64], strides = [1, 1]} : vector<3x64xf32> to vector<1x64xf32>
    %mul3A_30 = vector.broadcast %transpose3A_15 : vector<256x1xf32> to vector<256x64xf32>
    %mul3A_31 = vector.broadcast %slice3A_29 : vector<1x64xf32> to vector<256x64xf32>
    %mul3A_32 = arith.mulf %mul3A_30, %mul3A_31 : vector<256x64xf32>
    %add3A_33 = arith.addf %add3A, %mul3A_32 : vector<256x64xf32>
    %sub3A = vector.broadcast %get3A_22 : vector<1x64xf32> to vector<256x64xf32>
    %sub3A_34 = arith.subf %sub3A, %add3A_33 : vector<256x64xf32>
    %get3A_35 = arith.constant 0 : index
    %get3A_36 = arith.constant 0 : index
    %get3A_37 = arith.constant 0 : index
    %get3A_38 = arith.constant 0 : index
    %get3A_39 = vector.load %arg2[%get3A_35, %get3A_36, %get3A_37, %get3A_38] : memref<1x16x256x128xf32, #tpu.memory_space<vmem>>, vector<1x16x256x128xf32>
    %get3A_40 = vector.shape_cast %get3A_39 : vector<1x16x256x128xf32> to vector<16x256x128xf32>
    %slice3A_41 = vector.extract_strided_slice %get3A_40 {offsets = [0, 0, 0], sizes = [16, 256, 64], strides = [1, 1, 1]} : vector<16x256x128xf32> to vector<16x256x64xf32>
    %broadcast_in_dim3A = vector.shape_cast %sub3A_34 : vector<256x64xf32> to vector<1x256x64xf32>
    %add3A_42 = vector.broadcast %broadcast_in_dim3A : vector<1x256x64xf32> to vector<16x256x64xf32>
    %add3A_43 = arith.addf %slice3A_41, %add3A_42 : vector<16x256x64xf32>
    %get3A_44 = arith.constant 0 : index
    %get3A_45 = arith.constant 0 : index
    %get3A_46 = vector.load %arg8[%get3A_44, %get3A_45] : memref<1x64xf32, #tpu.memory_space<vmem>>, vector<1x64xf32>
    %broadcast_in_dim3A_47 = vector.shape_cast %get3A_46 : vector<1x64xf32> to vector<1x1x64xf32>
    %mul3A_48 = vector.broadcast %broadcast_in_dim3A_47 : vector<1x1x64xf32> to vector<16x256x64xf32>
    %mul3A_49 = arith.mulf %add3A_43, %mul3A_48 : vector<16x256x64xf32>
    %get3A_50 = arith.constant 0 : index
    %get3A_51 = arith.constant 0 : index
    %get3A_52 = vector.load %arg9[%get3A_50, %get3A_51] : memref<1x64xf32, #tpu.memory_space<vmem>>, vector<1x64xf32>
    %broadcast_in_dim3A_53 = vector.shape_cast %get3A_52 : vector<1x64xf32> to vector<1x1x64xf32>
    %add3A_54 = vector.broadcast %broadcast_in_dim3A_53 : vector<1x1x64xf32> to vector<16x256x64xf32>
    %add3A_55 = arith.addf %mul3A_49, %add3A_54 : vector<16x256x64xf32>
    %max3A = arith.constant 0.000000e+00 : f32
    %max3A_56 = vector.broadcast %max3A : f32 to vector<16x256x64xf32>
    %max3A_57 = arith.maximumf %add3A_55, %max3A_56 : vector<16x256x64xf32>
    %reshape3A = vector.shape_cast %max3A_57 : vector<16x256x64xf32> to vector<4096x64xf32>
    %get3A_58 = arith.constant 0 : index
    %get3A_59 = arith.constant 0 : index
    %get3A_60 = vector.load %arg10[%get3A_58, %get3A_59] : memref<64x64xf32, #tpu.memory_space<vmem>>, vector<64x64xf32>
    %dot_general3A = arith.constant dense<0.000000e+00> : vector<4096x64xf32>
    %dot_general3A_61 = tpu.matmul %reshape3A, %get3A_60, %dot_general3A {dimension_numbers = #tpu.dot_dimension_numbers<[1], [0], [0], [1], [0, 0, 1, 1], [], []>, precision = #tpu.contract_precision<fp32>, transpose_lhs_hint = false} : vector<4096x64xf32>, vector<64x64xf32>, vector<4096x64xf32> -> vector<4096x64xf32>
    %get3A_62 = arith.constant 0 : index
    %get3A_63 = arith.constant 0 : index
    %get3A_64 = vector.load %arg11[%get3A_62, %get3A_63] : memref<1x64xf32, #tpu.memory_space<vmem>>, vector<1x64xf32>
    %add3A_65 = vector.broadcast %get3A_64 : vector<1x64xf32> to vector<4096x64xf32>
    %add3A_66 = arith.addf %dot_general3A_61, %add3A_65 : vector<4096x64xf32>
    %eq3A = arith.constant 0 : i32
    %eq3A_67 = arith.cmpi eq, %arg0, %eq3A : i32
    %eq3A_68 = arith.constant 0 : i32
    %eq3A_69 = arith.cmpi eq, %arg1, %eq3A_68 : i32
    %and3A = arith.andi %eq3A_67, %eq3A_69 : i1
    %convert_element_type3A = arith.extui %and3A : i1 to i32
    %cond3A = arith.constant 0 : i32
    %cond3A_70 = arith.cmpi ne, %convert_element_type3A, %cond3A : i32
    scf.if %cond3A_70 {
      %broadcast_in_dim3A_90 = arith.constant 0.000000e+00 : f32
      %broadcast_in_dim3A_91 = vector.broadcast %broadcast_in_dim3A_90 : f32 to vector<8x64xf32>
      %swap3A_92 = arith.constant 0 : index
      %swap3A_93 = arith.constant 0 : index
      %swap3A_94 = vector.load %arg12[%swap3A_92, %swap3A_93] : memref<8x64xf32, #tpu.memory_space<vmem>>, vector<8x64xf32>
      tpu.vector_store %arg12[%swap3A_92, %swap3A_93], %broadcast_in_dim3A_91 {strides = array<i32>} : memref<8x64xf32, #tpu.memory_space<vmem>>, vector<8x64xf32>,
    } else {
    }
    %get3A_71 = arith.constant 0 : index
    %get3A_72 = arith.constant 0 : index
    %get3A_73 = vector.load %arg12[%get3A_71, %get3A_72] : memref<8x64xf32, #tpu.memory_space<vmem>>, vector<1x64xf32>
    %reduce_sum3A = arith.constant dense<0.000000e+00> : vector<64xf32>
    %reduce_sum3A_74 = vector.multi_reduction <add>, %add3A_66, %reduce_sum3A [0] : vector<4096x64xf32> to vector<64xf32>
    %broadcast_in_dim3A_75 = vector.shape_cast %reduce_sum3A_74 : vector<64xf32> to vector<1x64xf32>
    %add3A_76 = arith.addf %get3A_73, %broadcast_in_dim3A_75 : vector<1x64xf32>
    %swap3A = arith.constant 0 : index
    %swap3A_77 = arith.constant 0 : index
    %swap3A_78 = vector.load %arg12[%swap3A, %swap3A_77] : memref<8x64xf32, #tpu.memory_space<vmem>>, vector<1x64xf32>
    tpu.vector_store %arg12[%swap3A, %swap3A_77], %add3A_76 {strides = array<i32>} : memref<8x64xf32, #tpu.memory_space<vmem>>, vector<1x64xf32>,
    %get3A_79 = arith.constant 1 : index
    %get3A_80 = arith.constant 0 : index
    %get3A_81 = vector.load %arg12[%get3A_79, %get3A_80] : memref<8x64xf32, #tpu.memory_space<vmem>>, vector<1x64xf32>
    %mul3A_82 = arith.mulf %add3A_66, %add3A_66 : vector<4096x64xf32>
    %reduce_sum3A_83 = arith.constant dense<0.000000e+00> : vector<64xf32>
    %reduce_sum3A_84 = vector.multi_reduction <add>, %mul3A_82, %reduce_sum3A_83 [0] : vector<4096x64xf32> to vector<64xf32>
    %broadcast_in_dim3A_85 = vector.shape_cast %reduce_sum3A_84 : vector<64xf32> to vector<1x64xf32>
    %add3A_86 = arith.addf %get3A_81, %broadcast_in_dim3A_85 : vector<1x64xf32>
    %swap3A_87 = arith.constant 1 : index
    %swap3A_88 = arith.constant 0 : index
    %swap3A_89 = vector.load %arg12[%swap3A_87, %swap3A_88] : memref<8x64xf32, #tpu.memory_space<vmem>>, vector<1x64xf32>
    tpu.vector_store %arg12[%swap3A_87, %swap3A_88], %add3A_86 {strides = array<i32>} : memref<8x64xf32, #tpu.memory_space<vmem>>, vector<1x64xf32>,
    return
  }
  func.func @transform_0(%arg0: i32, %arg1: i32) -> (i32, i32, i32, i32) {
    %c0_i32 = arith.constant 0 : i32
    %c0_i32_0 = arith.constant 0 : i32
    %c0_i32_1 = arith.constant 0 : i32
    return %arg0, %c0_i32, %arg1, %c0_i32_0 : i32, i32, i32, i32
  }
  func.func @transform_1(%arg0: i32, %arg1: i32) -> (i32, i32, i32) {
    %c0_i32 = arith.constant 0 : i32
    %c0_i32_0 = arith.constant 0 : i32
    return %arg0, %c0_i32, %arg1 : i32, i32, i32
  }
  func.func @transform_2(%arg0: i32, %arg1: i32) -> (i32, i32, i32) {
    %c0_i32 = arith.constant 0 : i32
    %c0_i32_0 = arith.constant 0 : i32
    return %arg0, %c0_i32, %arg1 : i32, i32, i32
  }
  func.func @transform_3(%arg0: i32, %arg1: i32) -> (i32, i32, i32) {
    %c0_i32 = arith.constant 0 : i32
    %c0_i32_0 = arith.constant 0 : i32
    return %arg0, %c0_i32, %arg1 : i32, i32, i32
  }
  func.func @transform_4(%arg0: i32, %arg1: i32) -> (i32, i32) {
    %c0_i32 = arith.constant 0 : i32
    %c0_i32_0 = arith.constant 0 : i32
    %c0_i32_1 = arith.constant 0 : i32
    return %c0_i32, %c0_i32_0 : i32, i32
  }
  func.func @transform_5(%arg0: i32, %arg1: i32) -> (i32, i32) {
    %c0_i32 = arith.constant 0 : i32
    %c0_i32_0 = arith.constant 0 : i32
    %c0_i32_1 = arith.constant 0 : i32
    return %c0_i32, %c0_i32_0 : i32, i32
  }
  func.func @transform_6(%arg0: i32, %arg1: i32) -> (i32, i32) {
    %c0_i32 = arith.constant 0 : i32
    %c0_i32_0 = arith.constant 0 : i32
    %c0_i32_1 = arith.constant 0 : i32
    return %c0_i32, %c0_i32_0 : i32, i32
  }
  func.func @transform_7(%arg0: i32, %arg1: i32) -> (i32, i32) {
    %c0_i32 = arith.constant 0 : i32
    %c0_i32_0 = arith.constant 0 : i32
    %c0_i32_1 = arith.constant 0 : i32
    return %c0_i32, %c0_i32_0 : i32, i32
  }
  func.func @transform_8(%arg0: i32, %arg1: i32) -> (i32, i32) {
    %c0_i32 = arith.constant 0 : i32
    %c0_i32_0 = arith.constant 0 : i32
    %c0_i32_1 = arith.constant 0 : i32
    return %c0_i32, %c0_i32_0 : i32, i32
  }
  func.func @transform_9(%arg0: i32, %arg1: i32) -> (i32, i32) {
    %c0_i32 = arith.constant 0 : i32
    %c0_i32_0 = arith.constant 0 : i32
    %c0_i32_1 = arith.constant 0 : i32
    return %c0_i32, %c0_i32_0 : i32, i32
  }
  func.func @transform_10(%arg0: i32, %arg1: i32) -> (i32, i32) {
    %c0_i32 = arith.constant 0 : i32
    %c0_i32_0 = arith.constant 0 : i32
    %c0_i32_1 = arith.constant 0 : i32
    return %c0_i32, %c0_i32_0 : i32, i32
  }
}

module attributes {stable_mosaic.version = 14 : i64} {
  func.func @_final_body(%arg0: i32, %arg1: i32, %arg2: memref<1x16x256x128xf32, #tpu.memory_space<vmem>>, %arg3: memref<1x1x256xf32, #tpu.memory_space<vmem>>, %arg4: memref<1x1x256xf32, #tpu.memory_space<vmem>>, %arg5: memref<1x1x256xf32, #tpu.memory_space<vmem>>, %arg6: memref<64x35xf32, #tpu.memory_space<vmem>>, %arg7: memref<1x64xf32, #tpu.memory_space<vmem>>, %arg8: memref<1x64xf32, #tpu.memory_space<vmem>>, %arg9: memref<1x64xf32, #tpu.memory_space<vmem>>, %arg10: memref<64x64xf32, #tpu.memory_space<vmem>>, %arg11: memref<1x64xf32, #tpu.memory_space<vmem>>, %arg12: memref<1x64xf32, #tpu.memory_space<vmem>>, %arg13: memref<1x64xf32, #tpu.memory_space<vmem>>, %arg14: memref<1x256x64xf32, #tpu.memory_space<vmem>>) attributes {dimension_semantics = [#tpu.dimension_semantics<arbitrary>, #tpu.dimension_semantics<arbitrary>], iteration_bounds = array<i64: 4, 8>, scalar_prefetch = 0 : i64, scratch_operands = 0 : i64, tpu.core_type = #tpu.core_type<tc>, window_params = [{transform_indices = @transform_0, window_bounds = array<i64: 1, 16, 256, 128>}, {transform_indices = @transform_1, window_bounds = array<i64: 1, 1, 256>}, {transform_indices = @transform_2, window_bounds = array<i64: 1, 1, 256>}, {transform_indices = @transform_3, window_bounds = array<i64: 1, 1, 256>}, {pipeline_mode = #tpu.pipeline_mode<synchronous>, transform_indices = @transform_4, window_bounds = array<i64: 64, 35>}, {pipeline_mode = #tpu.pipeline_mode<synchronous>, transform_indices = @transform_5, window_bounds = array<i64: 1, 64>}, {pipeline_mode = #tpu.pipeline_mode<synchronous>, transform_indices = @transform_6, window_bounds = array<i64: 1, 64>}, {pipeline_mode = #tpu.pipeline_mode<synchronous>, transform_indices = @transform_7, window_bounds = array<i64: 1, 64>}, {pipeline_mode = #tpu.pipeline_mode<synchronous>, transform_indices = @transform_8, window_bounds = array<i64: 64, 64>}, {pipeline_mode = #tpu.pipeline_mode<synchronous>, transform_indices = @transform_9, window_bounds = array<i64: 1, 64>}, {pipeline_mode = #tpu.pipeline_mode<synchronous>, transform_indices = @transform_10, window_bounds = array<i64: 1, 64>}, {pipeline_mode = #tpu.pipeline_mode<synchronous>, transform_indices = @transform_11, window_bounds = array<i64: 1, 64>}, {transform_indices = @transform_12, window_bounds = array<i64: 1, 256, 64>}]} {
    %get3A = arith.constant 0 : index
    %get3A_0 = arith.constant 0 : index
    %get3A_1 = arith.constant 0 : index
    %get3A_2 = vector.load %arg3[%get3A, %get3A_0, %get3A_1] : memref<1x1x256xf32, #tpu.memory_space<vmem>>, vector<1x1x256xf32>
    %get3A_3 = vector.shape_cast %get3A_2 : vector<1x1x256xf32> to vector<1x256xf32>
    %transpose3A = tpu.transpose %get3A_3, [1, 0] : vector<1x256xf32> -> vector<256x1xf32>
    %get3A_4 = arith.constant 0 : index
    %get3A_5 = arith.constant 0 : index
    %get3A_6 = arith.constant 0 : index
    %get3A_7 = vector.load %arg4[%get3A_4, %get3A_5, %get3A_6] : memref<1x1x256xf32, #tpu.memory_space<vmem>>, vector<1x1x256xf32>
    %get3A_8 = vector.shape_cast %get3A_7 : vector<1x1x256xf32> to vector<1x256xf32>
    %transpose3A_9 = tpu.transpose %get3A_8, [1, 0] : vector<1x256xf32> -> vector<256x1xf32>
    %get3A_10 = arith.constant 0 : index
    %get3A_11 = arith.constant 0 : index
    %get3A_12 = arith.constant 0 : index
    %get3A_13 = vector.load %arg5[%get3A_10, %get3A_11, %get3A_12] : memref<1x1x256xf32, #tpu.memory_space<vmem>>, vector<1x1x256xf32>
    %get3A_14 = vector.shape_cast %get3A_13 : vector<1x1x256xf32> to vector<1x256xf32>
    %transpose3A_15 = tpu.transpose %get3A_14, [1, 0] : vector<1x256xf32> -> vector<256x1xf32>
    %get3A_16 = arith.constant 0 : index
    %get3A_17 = arith.constant 0 : index
    %get3A_18 = vector.load %arg6[%get3A_16, %get3A_17] : memref<64x35xf32, #tpu.memory_space<vmem>>, vector<64x3xf32>
    %transpose3A_19 = tpu.transpose %get3A_18, [1, 0] : vector<64x3xf32> -> vector<3x64xf32>
    %get3A_20 = arith.constant 0 : index
    %get3A_21 = arith.constant 0 : index
    %get3A_22 = vector.load %arg7[%get3A_20, %get3A_21] : memref<1x64xf32, #tpu.memory_space<vmem>>, vector<1x64xf32>
    %slice3A = vector.extract_strided_slice %transpose3A_19 {offsets = [0, 0], sizes = [1, 64], strides = [1, 1]} : vector<3x64xf32> to vector<1x64xf32>
    %mul3A = vector.broadcast %transpose3A : vector<256x1xf32> to vector<256x64xf32>
    %mul3A_23 = vector.broadcast %slice3A : vector<1x64xf32> to vector<256x64xf32>
    %mul3A_24 = arith.mulf %mul3A, %mul3A_23 : vector<256x64xf32>
    %slice3A_25 = vector.extract_strided_slice %transpose3A_19 {offsets = [1, 0], sizes = [1, 64], strides = [1, 1]} : vector<3x64xf32> to vector<1x64xf32>
    %mul3A_26 = vector.broadcast %transpose3A_9 : vector<256x1xf32> to vector<256x64xf32>
    %mul3A_27 = vector.broadcast %slice3A_25 : vector<1x64xf32> to vector<256x64xf32>
    %mul3A_28 = arith.mulf %mul3A_26, %mul3A_27 : vector<256x64xf32>
    %add3A = arith.addf %mul3A_24, %mul3A_28 : vector<256x64xf32>
    %slice3A_29 = vector.extract_strided_slice %transpose3A_19 {offsets = [2, 0], sizes = [1, 64], strides = [1, 1]} : vector<3x64xf32> to vector<1x64xf32>
    %mul3A_30 = vector.broadcast %transpose3A_15 : vector<256x1xf32> to vector<256x64xf32>
    %mul3A_31 = vector.broadcast %slice3A_29 : vector<1x64xf32> to vector<256x64xf32>
    %mul3A_32 = arith.mulf %mul3A_30, %mul3A_31 : vector<256x64xf32>
    %add3A_33 = arith.addf %add3A, %mul3A_32 : vector<256x64xf32>
    %sub3A = vector.broadcast %get3A_22 : vector<1x64xf32> to vector<256x64xf32>
    %sub3A_34 = arith.subf %sub3A, %add3A_33 : vector<256x64xf32>
    %get3A_35 = arith.constant 0 : index
    %get3A_36 = arith.constant 0 : index
    %get3A_37 = arith.constant 0 : index
    %get3A_38 = arith.constant 0 : index
    %get3A_39 = vector.load %arg2[%get3A_35, %get3A_36, %get3A_37, %get3A_38] : memref<1x16x256x128xf32, #tpu.memory_space<vmem>>, vector<1x16x256x128xf32>
    %get3A_40 = vector.shape_cast %get3A_39 : vector<1x16x256x128xf32> to vector<16x256x128xf32>
    %slice3A_41 = vector.extract_strided_slice %get3A_40 {offsets = [0, 0, 0], sizes = [16, 256, 64], strides = [1, 1, 1]} : vector<16x256x128xf32> to vector<16x256x64xf32>
    %broadcast_in_dim3A = vector.shape_cast %sub3A_34 : vector<256x64xf32> to vector<1x256x64xf32>
    %add3A_42 = vector.broadcast %broadcast_in_dim3A : vector<1x256x64xf32> to vector<16x256x64xf32>
    %add3A_43 = arith.addf %slice3A_41, %add3A_42 : vector<16x256x64xf32>
    %get3A_44 = arith.constant 0 : index
    %get3A_45 = arith.constant 0 : index
    %get3A_46 = vector.load %arg8[%get3A_44, %get3A_45] : memref<1x64xf32, #tpu.memory_space<vmem>>, vector<1x64xf32>
    %broadcast_in_dim3A_47 = vector.shape_cast %get3A_46 : vector<1x64xf32> to vector<1x1x64xf32>
    %mul3A_48 = vector.broadcast %broadcast_in_dim3A_47 : vector<1x1x64xf32> to vector<16x256x64xf32>
    %mul3A_49 = arith.mulf %add3A_43, %mul3A_48 : vector<16x256x64xf32>
    %get3A_50 = arith.constant 0 : index
    %get3A_51 = arith.constant 0 : index
    %get3A_52 = vector.load %arg9[%get3A_50, %get3A_51] : memref<1x64xf32, #tpu.memory_space<vmem>>, vector<1x64xf32>
    %broadcast_in_dim3A_53 = vector.shape_cast %get3A_52 : vector<1x64xf32> to vector<1x1x64xf32>
    %add3A_54 = vector.broadcast %broadcast_in_dim3A_53 : vector<1x1x64xf32> to vector<16x256x64xf32>
    %add3A_55 = arith.addf %mul3A_49, %add3A_54 : vector<16x256x64xf32>
    %max3A = arith.constant 0.000000e+00 : f32
    %max3A_56 = vector.broadcast %max3A : f32 to vector<16x256x64xf32>
    %max3A_57 = arith.maximumf %add3A_55, %max3A_56 : vector<16x256x64xf32>
    %reshape3A = vector.shape_cast %max3A_57 : vector<16x256x64xf32> to vector<4096x64xf32>
    %get3A_58 = arith.constant 0 : index
    %get3A_59 = arith.constant 0 : index
    %get3A_60 = vector.load %arg10[%get3A_58, %get3A_59] : memref<64x64xf32, #tpu.memory_space<vmem>>, vector<64x64xf32>
    %dot_general3A = arith.constant dense<0.000000e+00> : vector<4096x64xf32>
    %dot_general3A_61 = tpu.matmul %reshape3A, %get3A_60, %dot_general3A {dimension_numbers = #tpu.dot_dimension_numbers<[1], [0], [0], [1], [0, 0, 1, 1], [], []>, precision = #tpu.contract_precision<fp32>, transpose_lhs_hint = false} : vector<4096x64xf32>, vector<64x64xf32>, vector<4096x64xf32> -> vector<4096x64xf32>
    %get3A_62 = arith.constant 0 : index
    %get3A_63 = arith.constant 0 : index
    %get3A_64 = vector.load %arg11[%get3A_62, %get3A_63] : memref<1x64xf32, #tpu.memory_space<vmem>>, vector<1x64xf32>
    %add3A_65 = vector.broadcast %get3A_64 : vector<1x64xf32> to vector<4096x64xf32>
    %add3A_66 = arith.addf %dot_general3A_61, %add3A_65 : vector<4096x64xf32>
    %get3A_67 = arith.constant 0 : index
    %get3A_68 = arith.constant 0 : index
    %get3A_69 = vector.load %arg12[%get3A_67, %get3A_68] : memref<1x64xf32, #tpu.memory_space<vmem>>, vector<1x64xf32>
    %mul3A_70 = vector.broadcast %get3A_69 : vector<1x64xf32> to vector<4096x64xf32>
    %mul3A_71 = arith.mulf %add3A_66, %mul3A_70 : vector<4096x64xf32>
    %get3A_72 = arith.constant 0 : index
    %get3A_73 = arith.constant 0 : index
    %get3A_74 = vector.load %arg13[%get3A_72, %get3A_73] : memref<1x64xf32, #tpu.memory_space<vmem>>, vector<1x64xf32>
    %add3A_75 = vector.broadcast %get3A_74 : vector<1x64xf32> to vector<4096x64xf32>
    %add3A_76 = arith.addf %mul3A_71, %add3A_75 : vector<4096x64xf32>
    %max3A_77 = arith.constant 0.000000e+00 : f32
    %max3A_78 = vector.broadcast %max3A_77 : f32 to vector<4096x64xf32>
    %max3A_79 = arith.maximumf %add3A_76, %max3A_78 : vector<4096x64xf32>
    %reshape3A_80 = vector.shape_cast %max3A_79 : vector<4096x64xf32> to vector<16x256x64xf32>
    %reduce_max3A = arith.constant dense<0xFF800000> : vector<256x64xf32>
    %reduce_max3A_81 = vector.multi_reduction <maximumf>, %reshape3A_80, %reduce_max3A [0] : vector<16x256x64xf32> to vector<256x64xf32>
    %swap3A = arith.constant 0 : index
    %swap3A_82 = arith.constant 0 : index
    %swap3A_83 = arith.constant 0 : index
    %swap3A_84 = vector.load %arg14[%swap3A, %swap3A_82, %swap3A_83] : memref<1x256x64xf32, #tpu.memory_space<vmem>>, vector<1x256x64xf32>
    %swap3A_85 = vector.shape_cast %swap3A_84 : vector<1x256x64xf32> to vector<256x64xf32>
    %swap3A_86 = vector.shape_cast %reduce_max3A_81 : vector<256x64xf32> to vector<1x256x64xf32>
    tpu.vector_store %arg14[%swap3A, %swap3A_82, %swap3A_83], %swap3A_86 {strides = array<i32>} : memref<1x256x64xf32, #tpu.memory_space<vmem>>, vector<1x256x64xf32>,
    return
  }
  func.func @transform_0(%arg0: i32, %arg1: i32) -> (i32, i32, i32, i32) {
    %c0_i32 = arith.constant 0 : i32
    %c0_i32_0 = arith.constant 0 : i32
    %c0_i32_1 = arith.constant 0 : i32
    return %arg0, %c0_i32, %arg1, %c0_i32_0 : i32, i32, i32, i32
  }
  func.func @transform_1(%arg0: i32, %arg1: i32) -> (i32, i32, i32) {
    %c0_i32 = arith.constant 0 : i32
    %c0_i32_0 = arith.constant 0 : i32
    return %arg0, %c0_i32, %arg1 : i32, i32, i32
  }
  func.func @transform_2(%arg0: i32, %arg1: i32) -> (i32, i32, i32) {
    %c0_i32 = arith.constant 0 : i32
    %c0_i32_0 = arith.constant 0 : i32
    return %arg0, %c0_i32, %arg1 : i32, i32, i32
  }
  func.func @transform_3(%arg0: i32, %arg1: i32) -> (i32, i32, i32) {
    %c0_i32 = arith.constant 0 : i32
    %c0_i32_0 = arith.constant 0 : i32
    return %arg0, %c0_i32, %arg1 : i32, i32, i32
  }
  func.func @transform_4(%arg0: i32, %arg1: i32) -> (i32, i32) {
    %c0_i32 = arith.constant 0 : i32
    %c0_i32_0 = arith.constant 0 : i32
    %c0_i32_1 = arith.constant 0 : i32
    return %c0_i32, %c0_i32_0 : i32, i32
  }
  func.func @transform_5(%arg0: i32, %arg1: i32) -> (i32, i32) {
    %c0_i32 = arith.constant 0 : i32
    %c0_i32_0 = arith.constant 0 : i32
    %c0_i32_1 = arith.constant 0 : i32
    return %c0_i32, %c0_i32_0 : i32, i32
  }
  func.func @transform_6(%arg0: i32, %arg1: i32) -> (i32, i32) {
    %c0_i32 = arith.constant 0 : i32
    %c0_i32_0 = arith.constant 0 : i32
    %c0_i32_1 = arith.constant 0 : i32
    return %c0_i32, %c0_i32_0 : i32, i32
  }
  func.func @transform_7(%arg0: i32, %arg1: i32) -> (i32, i32) {
    %c0_i32 = arith.constant 0 : i32
    %c0_i32_0 = arith.constant 0 : i32
    %c0_i32_1 = arith.constant 0 : i32
    return %c0_i32, %c0_i32_0 : i32, i32
  }
  func.func @transform_8(%arg0: i32, %arg1: i32) -> (i32, i32) {
    %c0_i32 = arith.constant 0 : i32
    %c0_i32_0 = arith.constant 0 : i32
    %c0_i32_1 = arith.constant 0 : i32
    return %c0_i32, %c0_i32_0 : i32, i32
  }
  func.func @transform_9(%arg0: i32, %arg1: i32) -> (i32, i32) {
    %c0_i32 = arith.constant 0 : i32
    %c0_i32_0 = arith.constant 0 : i32
    %c0_i32_1 = arith.constant 0 : i32
    return %c0_i32, %c0_i32_0 : i32, i32
  }
  func.func @transform_10(%arg0: i32, %arg1: i32) -> (i32, i32) {
    %c0_i32 = arith.constant 0 : i32
    %c0_i32_0 = arith.constant 0 : i32
    %c0_i32_1 = arith.constant 0 : i32
    return %c0_i32, %c0_i32_0 : i32, i32
  }
  func.func @transform_11(%arg0: i32, %arg1: i32) -> (i32, i32) {
    %c0_i32 = arith.constant 0 : i32
    %c0_i32_0 = arith.constant 0 : i32
    %c0_i32_1 = arith.constant 0 : i32
    return %c0_i32, %c0_i32_0 : i32, i32
  }
  func.func @transform_12(%arg0: i32, %arg1: i32) -> (i32, i32, i32) {
    %c0_i32 = arith.constant 0 : i32
    %c0_i32_0 = arith.constant 0 : i32
    return %arg0, %arg1, %c0_i32 : i32, i32, i32
  }
}

</mosaic_0001>

<sc_bundles>
// kernel: kernel.9.cloned.1.call-start
scs
__scs_entry_jumppad:
0x0: {  	(pc) =	sbr.rel $0x88, $3  }
0x1: {  	(tag) =	ssettag $0x0;
	lr =	simm.s32 $0x1  }
0x2: {  	[smem:$0x3F97] =	sst lr;
	_ =	strace $0xD0000000  }
0x3: {  	_ = 	snop  }
0x4: {  	_ = 	snop  }
0x5: {  	_ = 	snop  }
0x6: {  	_ = 	snop  }
0x7: {  	_ = 	snop  }
__scs_overlays_trampoline_lowered:
0x8: {  	[smem:$0x3FA6] =	sst s0  }
0x9: {  	[smem:$0x3FA7] =	sst s1  }
0xa: {  	[smem:$0x3FA8] =	sst s2  }
0xb: {  	[smem:$0x3FA9] =	sst s3  }
0xc: {  	[smem:$0x3FAA] =	sst s4  }
0xd: {  	[smem:$0x3FAB] =	sst s5  }
0xe: {  	[smem:$0x3FAC] =	sst s6  }
0xf: {  	[smem:$0x3FAD] =	sst s7  }
0x10: {  	[smem:$0x3FAE] =	sst s8  }
0x11: {  	[smem:$0x3FAF] =	sst s9;
	s0 =	simm.s32 @!p0 $0x0  }
0x12: {  	s1 =	sld [smem:$0x3F95];
	s0 =	simm.s32 @p0 $0x1  }
0x13: {  	[smem:$0x3FB0] =	sst s0;
	s0 =	simm.s32 @!p1 $0x0  }
0x14: {  	s2 =	sld [smem:$0x3F94];
	s0 =	simm.s32 @p1 $0x1  }
0x15: {  	[smem:$0x3FB1] =	sst s0;
	s0 =	simm.s32 @!p2 $0x0  }
0x16: {  	s3 =	sld [smem:$0x3FDB];
	s0 =	simm.s32 @p2 $0x1  }
0x17: {  	s4 =	simm.s32 $0x1BF5;
	[smem:$0x3FB3] =	sst s0  }
0x18: {  	s0 =	sld [smem:$0x3F96];
	_ =	swait.ge [sflag:s4], $0x0  }
0x19: {  	s7 =	sld [smem:$0x3F97]  }
0x1a: {  	s8 =	sadd.s32 $0xFFFFE003, lr  }
0x1b: {  	s9 =	sadd.s32 $0xFFFFFEF7, lr;
	s5 =	simm.s32 $0xFFFFFFFF;
	p2 =	slt.u32 s8, $0xFFFFF086  }
0x1c: {  	p1 =	slt.u32 s9, $0xF7A;
	s5 =	simm.s32 @!p2 $0x0  }
0x1d: {  	s5 =	simm.s32 @p1 $0x1;
	p0 =	seq.s32 s7, s2  }
0x1e: {  	s7 =	smul.u32 @!p0 $0xF7A, s2;
	p2 =	seq.s32 @!p0 s5, $0x0  }
0x1f: {  	s9 =	smul.u32 $0xF7A, s1;
	s8 =	simm.s32 @!p0 $0x1BF5;
	p2 =	por !p2, p0  }
0x20: {  	[sflag:s8] =	ssyncset.s32 @!p0 $0xFFFFF086;
	s6 =	sadd.s32 @!p0 s3, s7;
	s7 =	simm.s32 @!p0 $0x108  }
0x21: {  	s3 =	sadd.s32 s3, s9;
	s6 =	sadd.s32 @!p0 $0x88, s6;
	s7 =	simm.s32 @p2 $0x1082  }
0x22: {  	[simem:s7], [sflag:s8] =	dma.local @!p0 [hbm:s6], $0xF7A  }
0x23: {  	s9 =	sor.u32 $0xD0000000, s2;
	s6 =	simm.s32 $0x108;
	_ =	swait.ge @!p0 [sflag:s8], $0x0  }
0x24: {  	s3 =	sadd.s32 $0x88, s3;
	s6 =	simm.s32 @!p1 $0x1082;
	[sflag:s4] =	ssyncset.s32 $0xFFFFF086  }
0x25: {  	[simem:s6], [sflag:s4] =	dma.local [hbm:s3], $0xF7A  }
0x26: {  	[smem:$0x3F97] =	sst s1;
	(tag) =	ssettag s2;
	_ =	strace s9  }
0x27: {  	s1 =	sld [smem:$0x3FA7]  }
0x28: {  	s2 =	sld [smem:$0x3FA8]  }
0x29: {  	s4 =	sld [smem:$0x3FAA]  }
0x2a: {  	p0 =	seq.s32 s5, $0x0;
	s5 =	sld [smem:$0x3FAB]  }
0x2b: {  	s6 =	sld [smem:$0x3FAC]  }
0x2c: {  	s7 =	sld [smem:$0x3FAD]  }
0x2d: {  	s3 =	simm.s32 $0x108;
	s8 =	sld [smem:$0x3FAE]  }
0x2e: {  	s3 =	simm.s32 @!p0 $0x1082;
	s9 =	sld [smem:$0x3FAF]  }
0x2f: {  	lr =	sadd.s32 s0, s3;
	s0 =	sld [smem:$0x3FA6]  }
0x30: {  	s3 =	sld [smem:$0x3FA9]  }
0x31: {  	[smem:$0x3FB2] =	sst s10  }
0x32: {  	s10 =	sld [smem:$0x3FB0];
	_ =	sdelay $0x3  }
0x33: {  	p0 =	seq.s32 s10, $0x1;
	s10 =	sld [smem:$0x3FB2];
	_ =	sdelay $0x3  }
0x34: {  	[smem:$0x3FB2] =	sst s10  }
0x35: {  	s10 =	sld [smem:$0x3FB1];
	_ =	sdelay $0x3  }
0x36: {  	p1 =	seq.s32 s10, $0x1;
	s10 =	sld [smem:$0x3FB2];
	_ =	sdelay $0x3  }
0x37: {  	[smem:$0x3FB2] =	sst s10  }
0x38: {  	s10 =	sld [smem:$0x3FB3]  }
0x39: {  	_ = 	snop;
	(pc) =	sbr.ind lr, $3  }
0x3a: {  	_ = 	snop  }
0x3b: {  	_ = 	snop  }
0x3c: {  	p2 =	seq.s32 s10, $0x1;
	s10 =	sld [smem:$0x3FB2]  }
0x3d: {  	_ =	shalt  }
0x3e: {  	_ =	shalt  }
0x3f: {  	_ =	shalt  }
0x40: {  	_ =	shalt  }
0x41: {  	_ =	shalt  }
0x42: {  	_ =	shalt  }
0x43: {  	_ =	shalt  }
0x44: {  	_ =	shalt  }
0x45: {  	_ =	shalt  }
0x46: {  	_ =	shalt  }
0x47: {  	_ =	shalt  }
0x48: {  	_ =	shalt  }
0x49: {  	_ =	shalt  }
0x4a: {  	_ =	shalt  }
0x4b: {  	_ =	shalt  }
0x4c: {  	_ =	shalt  }
0x4d: {  	_ =	shalt  }
0x4e: {  	_ =	shalt  }
0x4f: {  	_ =	shalt  }
0x50: {  	_ =	shalt  }
0x51: {  	_ =	shalt  }
0x52: {  	_ =	shalt  }
0x53: {  	_ =	shalt  }
0x54: {  	_ =	shalt  }
0x55: {  	_ =	shalt  }
0x56: {  	_ =	shalt  }
0x57: {  	_ =	shalt  }
0x58: {  	_ =	shalt  }
0x59: {  	_ =	shalt  }
0x5a: {  	_ =	shalt  }
0x5b: {  	_ =	shalt  }
0x5c: {  	_ =	shalt  }
0x5d: {  	_ =	shalt  }
0x5e: {  	_ =	shalt  }
0x5f: {  	_ =	shalt  }
0x60: {  	_ =	shalt  }
0x61: {  	_ =	shalt  }
0x62: {  	_ =	shalt  }
0x63: {  	_ =	shalt  }
0x64: {  	_ =	shalt  }
0x65: {  	_ =	shalt  }
0x66: {  	_ =	shalt  }
0x67: {  	_ =	shalt  }
0x68: {  	_ =	shalt  }
0x69: {  	_ =	shalt  }
0x6a: {  	_ =	shalt  }
0x6b: {  	_ =	shalt  }
0x6c: {  	_ =	shalt  }
0x6d: {  	_ =	shalt  }
0x6e: {  	_ =	shalt  }
0x6f: {  	_ =	shalt  }
0x70: {  	_ =	shalt  }
0x71: {  	_ =	shalt  }
0x72: {  	_ =	shalt  }
0x73: {  	_ =	shalt  }
0x74: {  	_ =	shalt  }
0x75: {  	_ =	shalt  }
0x76: {  	_ =	shalt  }
0x77: {  	_ =	shalt  }
0x78: {  	_ =	shalt  }
0x79: {  	_ =	shalt  }
0x7a: {  	_ =	shalt  }
0x7b: {  	_ =	shalt  }
0x7c: {  	_ =	shalt  }
0x7d: {  	_ =	shalt  }
0x7e: {  	_ =	shalt  }
0x7f: {  	_ =	shalt  }
0x80: {  	_ =	shalt  }
0x81: {  	_ =	shalt  }
0x82: {  	_ =	shalt  }
0x83: {  	_ =	shalt  }
0x84: {  	_ =	shalt  }
0x85: {  	_ =	shalt  }
0x86: {  	_ =	shalt  }
0x87: {  	_ =	shalt  }
.Lfunc_end0:
.L_simem_size_0:
called_computation_lowered:
.L_overlay_start_0:
0x88: {  	s2 =	sld [smem:$0x3FD9]  }
0x89: {  	s3 =	sld [smem:$0x3FFE];
	_ =	sdelay $0x1  }
0x8a: {  	s1 =	srdreg.scid  }
0x8b: {  	s0 =	sand.u32 $0x1, s1  }
0x8c: {  	s14 =	sshll.u32 s0, $0xA;
	s2 =	sadd.s32 s3, s2  }
0x8d: {  	s2 =	sadd.s32 s2, s14  }
0x8e: {  	[smem:$0x3FBE] =	sst s2  }
0x8f: {  	_ = 	snop  }
0x90: {  	s2 =	sld [smem:$0x3FD0];
	_ =	sdelay $0x2  }
0x91: {  	s15 =	simm.s32 $0xA;
	s4 =	simm.s32 $0x10  }
0x92: {  	[smem:s4], [sflag:s15] =	dma.local [hbm:s2], $0x1  }
0x93: {  	_ =	swait.eq [sflag:s15], $0x1  }
0x94: {  	[sflag:s15] =	ssyncset.done $0x0  }
0x95: {  	[sflag:s15] =	ssyncadd.s32 $0xFFFFFFFF  }
0x96: {  	s16 =	sld [smem:$0x11];
	(tm) =	ssettm $0x1  }
0x97: {  	s17 =	sld [smem:$0x3FFB];
	_ =	sdelay $0x3  }
0x98: {  	_ =	strace s17  }
0x99: {  	s3 =	sld [smem:$0x3FFC];
	_ =	sdelay $0x3  }
0x9a: {  	_ =	strace s3  }
0x9b: {  	s3 =	sld [smem:$0x3FFD];
	_ =	sdelay $0x3  }
0x9c: {  	_ =	strace s3  }
0x9d: {  	_ =	strace $0x8FFFFFFF  }
0x9e: {  	s18 =	sld [smem:$0x3FDB];
	_ =	sdelay $0x1  }
0x9f: {  	s19 =	simm.s32 $_scs_section_size  }
0xa0: {  	s5 =	simm.s32 $_size__tile_overlayer_lowered;
	s6 =	simm.s32 $_tile_overlayer_lowered  }
0xa1: {  	s22 =	simm.s32 $0x1BFF;
	s21 =	sshll.u32 s6, $0x1;
	s3 =	sadd.s32 s19, s18  }
0xa2: {  	s7 =	simm.s32 $0x0;
	s20 =	sshll.u32 s5, $0x1;
	s5 =	sadd.s32 s21, s3  }
0xa3: {  	[timem:s7], [sflag:s22] =	dma.local [hbm:s5], s20  }
0xa4: {  	_ =	swait.ge [sflag:s22], s20  }
0xa5: {  	s4 =	ssub.s32 $0x0, s20;
	[sflag:s22] =	ssyncset.done $0x0  }
0xa6: {  	[sflag:s22] =	ssyncadd.s32 s4;
	_ =	sdelay $0x1  }
0xa7: {  	s23 =	simm.s32 $0x1B8B  }
0xa8: {  	_ =	swait.ge [sflag:s23], $0x1  }
0xa9: {  	[sflag:s23] =	ssyncset.done $0x0  }
0xaa: {  	s25 =	simm.s32 $0x1B8E;
	s24 =	sld [smem:$0x3FFE];
	[sflag:s23] =	ssyncadd.s32 $0xFFFFFFFF  }
0xab: {  	s26 =	simm.s32 $execute0_lowered;
	[smem:$0x3FD2] =	sst s25  }
0xac: {  	s5 =	sshll.u32 s26, $0x1;
	_ =	strace $0x80000046;
	[dreg:$0x1] =	wrdreg $0xFFFFFFFF  }
0xad: {  	s28 =	simm.s32 $_size_execute0_lowered;
	s3 =	sadd.s32 s3, s5;
	[dreg:$0x0] =	wrdreg $0x0  }
0xae: {  	s5 =	sshll.u32 s28, $0x1;
	[dreg:$0x2] =	wrdreg s3  }
0xaf: {  	[dreg:$0x3] =	wrdreg s5  }
0xb0: {  	[dreg:$0x4] =	wrdreg $0xC0  }
0xb1: {  	_ =	task [dreg:s7], $0x5FFFF  }
0xb2: {  	[dreg:$0x1] =	wrdreg $0xFFFFFFFF  }
0xb3: {  	[dreg:$0x0] =	wrdreg $0x60  }
0xb4: {  	[dreg:$0x2] =	wrdreg s24  }
0xb5: {  	[dreg:$0x3] =	wrdreg s16  }
0xb6: {  	[dreg:$0x4] =	wrdreg $0x9  }
0xb7: {  	_ =	task.clear_ibuf [dreg:s7], $0x5FFFF;
	_ =	strace $0x90000046  }
0xb8: {  	s29 =	simm.s32 $0x9;
	_ =	strace $0x80000048  }
0xb9: {  	_ =	swait.ge [sflag:s29], $0x1  }
0xba: {  	[sflag:s29] =	ssyncadd.s32 $0xFFFFFFFF  }
0xbb: {  	_ =	strace $0x90000048  }
0xbc: {  	_ =	sfence  }
0xbd: {  	s30 =	sld [smem:$0x0];
	_ =	sdelay $0x2  }
0xbe: {  	s31 =	sshll.u32 s1, $0xD;
	s1 =	sshrl.u32 s1, $0x2  }
0xbf: {  	s3 =	sand.u32 $0x4000, s31;
	s1 =	sadd.s32 s1, s30  }
0xc0: {  	s0 =	sor.u32 s3, s0;
	s1 =	sshll.u32 s1, $0x11  }
0xc1: {  	s0 =	sor.u32 s1, s0  }
0xc2: {  	s0 =	sadd.s32 $0x8F2B, s0  }
0xc3: {  	[sflag:s0] =	ssyncadd.remote.s32 $0x1  }
0xc4: {  	_ =	sfence.sel $0xFFFF  }
0xc5: {  	[dreg:$0x0] =	wrdreg $0xFFFFFFFF;
	(pc) =	sbr.abs _section_cstart, $3  }
0xc6: {  	[dreg:$0x1] =	wrdreg $0xFFFFFFFF  }
0xc7: {  	_ =	task.clear_ibuf [dreg:s7], $0x2FFFF;
	_ =	strace $0x9FFFFFFF  }
0xc8: {  	(tm) =	ssettm $0x7FFFFFFF  }
0xc9: {  	_ =	shalt  }
tec
execute0_lowered:
.L_overlay_start_1:
0x0: {  	(tag) =	ssettag $0x1  }
0x1: {  	s1 =	srdreg.scid  }
0x2: {  	s8 =	rddreg [dreg:$0x0];
	s0 =	stileid.u32;
	s22 =	sand.u32 $0x1, s1  }
0x3: {  	s21 =	rddreg [dreg:$0x1];
	s3 =	sshll.u32 s0, $0xD;
	s4 =	sshll.u32 s22, $0xC  }
0x4: {  	s2 =	simm.s32 $0x0;
	s1 =	rddreg [dreg:$0x2];
	s24 =	sor.u32 s4, s3  }
0x5: {  	[smem:$0x7FF] =	sst s2;
	s3 =	sshrl.u32 s24, $0x3  }
0x6: {  	_ =	strace $0x80000047;
	s4 =	sadd.s32 s21, s3;
	s3 =	simm.s32 $0x2  }
0x7: {  	[tilespmem:s2], [sflag:$0x2] =	stream.linear.gather [hbm4b:s4+s2], $0x200, $0x38;
	[tilespmem:$0x10200] =	vst v63  }
0x8: {  	_ =	swait.ge [sflag:s3], $0x200  }
0x9: {  	s6 =	simm.s32 $0x200;
	[sflag:s3] =	ssyncset.done $0x0  }
0xa: {  	s7 =	simm.s32 $0x1;
	s5 =	sadd.s32 $0x2000, s8;
	[sflag:s3] =	ssyncadd.s32 $0xFFFFFE00  }
0xb: {  	[tilespmem:s6], [sflag:$0x1] =	stream.indirect.gather [hbm4b:s5+s6], $0x80, s2, s6, $0xb8;
	[tilespmem:$0x10200] =	vst v63  }
0xc: {  	_ =	swait.ge [sflag:s7], $0x10000  }
0xd: {  	s23 =	sadd.s32 $0x82000, s8;
	s28 =	sshll.u32 s24, $0x4;
	[sflag:s7] =	ssyncset.done $0x0  }
0xe: {  	s8 =	sadd.s32 s23, s28;
	[sflag:s7] =	ssyncadd.s32 $0xFFFF0000  }
0xf: {  	[hbm4b:s8+s2] =	stream.linear.scatter [tilespmem:s6], [sflag:$0x2], $0x10000, $0x38;
	[tilespmem:$0x10200] =	vst v63  }
0x10: {  	s10 =	sor.u32 $0x200, s24;
	_ =	swait.ge [sflag:s3], $0x10000  }
0x11: {  	s9 =	sshrl.u32 s10, $0x3;
	[sflag:s3] =	ssyncset.done $0x0  }
0x12: {  	s9 =	sadd.s32 s21, s9;
	[sflag:s3] =	ssyncadd.s32 $0xFFFF0000  }
0x13: {  	[tilespmem:s2], [sflag:$0x2] =	stream.linear.gather [hbm4b:s9+s2], $0x200, $0x38;
	[tilespmem:$0x10200] =	vst v63  }
0x14: {  	_ =	swait.ge [sflag:s3], $0x200  }
0x15: {  	[sflag:s3] =	ssyncset.done $0x0  }
0x16: {  	[sflag:s3] =	ssyncadd.s32 $0xFFFFFE00  }
0x17: {  	[tilespmem:s6], [sflag:$0x1] =	stream.indirect.gather [hbm4b:s5+s6], $0x80, s2, s6, $0xb8;
	[tilespmem:$0x10200] =	vst v63  }
0x18: {  	_ =	swait.ge [sflag:s7], $0x10000  }
0x19: {  	s10 =	sshll.u32 s10, $0x4;
	[sflag:s7] =	ssyncset.done $0x0  }
0x1a: {  	s10 =	sadd.s32 s23, s10;
	[sflag:s7] =	ssyncadd.s32 $0xFFFF0000  }
0x1b: {  	[hbm4b:s10+s2] =	stream.linear.scatter [tilespmem:s6], [sflag:$0x2], $0x10000, $0x38;
	[tilespmem:$0x10200] =	vst v63  }
0x1c: {  	s12 =	sor.u32 $0x400, s24;
	_ =	swait.ge [sflag:s3], $0x10000  }
0x1d: {  	s11 =	sshrl.u32 s12, $0x3;
	[sflag:s3] =	ssyncset.done $0x0  }
0x1e: {  	s11 =	sadd.s32 s21, s11;
	[sflag:s3] =	ssyncadd.s32 $0xFFFF0000  }
0x1f: {  	[tilespmem:s2], [sflag:$0x2] =	stream.linear.gather [hbm4b:s11+s2], $0x200, $0x38;
	[tilespmem:$0x10200] =	vst v63  }
0x20: {  	_ =	swait.ge [sflag:s3], $0x200  }
0x21: {  	[sflag:s3] =	ssyncset.done $0x0  }
0x22: {  	[sflag:s3] =	ssyncadd.s32 $0xFFFFFE00  }
0x23: {  	[tilespmem:s6], [sflag:$0x1] =	stream.indirect.gather [hbm4b:s5+s6], $0x80, s2, s6, $0xb8;
	[tilespmem:$0x10200] =	vst v63  }
0x24: {  	_ =	swait.ge [sflag:s7], $0x10000  }
0x25: {  	s12 =	sshll.u32 s12, $0x4;
	[sflag:s7] =	ssyncset.done $0x0  }
0x26: {  	s12 =	sadd.s32 s23, s12;
	[sflag:s7] =	ssyncadd.s32 $0xFFFF0000  }
0x27: {  	[hbm4b:s12+s2] =	stream.linear.scatter [tilespmem:s6], [sflag:$0x2], $0x10000, $0x38;
	[tilespmem:$0x10200] =	vst v63  }
0x28: {  	s14 =	sor.u32 $0x600, s24;
	_ =	swait.ge [sflag:s3], $0x10000  }
0x29: {  	s13 =	sshrl.u32 s14, $0x3;
	[sflag:s3] =	ssyncset.done $0x0  }
0x2a: {  	s13 =	sadd.s32 s21, s13;
	[sflag:s3] =	ssyncadd.s32 $0xFFFF0000  }
0x2b: {  	[tilespmem:s2], [sflag:$0x2] =	stream.linear.gather [hbm4b:s13+s2], $0x200, $0x38;
	[tilespmem:$0x10200] =	vst v63  }
0x2c: {  	_ =	swait.ge [sflag:s3], $0x200  }
0x2d: {  	[sflag:s3] =	ssyncset.done $0x0  }
0x2e: {  	[sflag:s3] =	ssyncadd.s32 $0xFFFFFE00  }
0x2f: {  	[tilespmem:s6], [sflag:$0x1] =	stream.indirect.gather [hbm4b:s5+s6], $0x80, s2, s6, $0xb8;
	[tilespmem:$0x10200] =	vst v63  }
0x30: {  	_ =	swait.ge [sflag:s7], $0x10000  }
0x31: {  	s14 =	sshll.u32 s14, $0x4;
	[sflag:s7] =	ssyncset.done $0x0  }
0x32: {  	s14 =	sadd.s32 s23, s14;
	[sflag:s7] =	ssyncadd.s32 $0xFFFF0000  }
0x33: {  	[hbm4b:s14+s2] =	stream.linear.scatter [tilespmem:s6], [sflag:$0x2], $0x10000, $0x38;
	[tilespmem:$0x10200] =	vst v63  }
0x34: {  	s16 =	sor.u32 $0x800, s24;
	_ =	swait.ge [sflag:s3], $0x10000  }
0x35: {  	s15 =	sshrl.u32 s16, $0x3;
	[sflag:s3] =	ssyncset.done $0x0  }
0x36: {  	s15 =	sadd.s32 s21, s15;
	[sflag:s3] =	ssyncadd.s32 $0xFFFF0000  }
0x37: {  	[tilespmem:s2], [sflag:$0x2] =	stream.linear.gather [hbm4b:s15+s2], $0x200, $0x38;
	[tilespmem:$0x10200] =	vst v63  }
0x38: {  	_ =	swait.ge [sflag:s3], $0x200  }
0x39: {  	[sflag:s3] =	ssyncset.done $0x0  }
0x3a: {  	[sflag:s3] =	ssyncadd.s32 $0xFFFFFE00  }
0x3b: {  	[tilespmem:s6], [sflag:$0x1] =	stream.indirect.gather [hbm4b:s5+s6], $0x80, s2, s6, $0xb8;
	[tilespmem:$0x10200] =	vst v63  }
0x3c: {  	_ =	swait.ge [sflag:s7], $0x10000  }
0x3d: {  	s16 =	sshll.u32 s16, $0x4;
	[sflag:s7] =	ssyncset.done $0x0  }
0x3e: {  	s16 =	sadd.s32 s23, s16;
	[sflag:s7] =	ssyncadd.s32 $0xFFFF0000  }
0x3f: {  	[hbm4b:s16+s2] =	stream.linear.scatter [tilespmem:s6], [sflag:$0x2], $0x10000, $0x38;
	[tilespmem:$0x10200] =	vst v63  }
0x40: {  	s18 =	sor.u32 $0xA00, s24;
	_ =	swait.ge [sflag:s3], $0x10000  }
0x41: {  	s17 =	sshrl.u32 s18, $0x3;
	[sflag:s3] =	ssyncset.done $0x0  }
0x42: {  	s17 =	sadd.s32 s21, s17;
	[sflag:s3] =	ssyncadd.s32 $0xFFFF0000  }
0x43: {  	[tilespmem:s2], [sflag:$0x2] =	stream.linear.gather [hbm4b:s17+s2], $0x200, $0x38;
	[tilespmem:$0x10200] =	vst v63  }
0x44: {  	_ =	swait.ge [sflag:s3], $0x200  }
0x45: {  	[sflag:s3] =	ssyncset.done $0x0  }
0x46: {  	[sflag:s3] =	ssyncadd.s32 $0xFFFFFE00  }
0x47: {  	[tilespmem:s6], [sflag:$0x1] =	stream.indirect.gather [hbm4b:s5+s6], $0x80, s2, s6, $0xb8;
	[tilespmem:$0x10200] =	vst v63  }
0x48: {  	_ =	swait.ge [sflag:s7], $0x10000  }
0x49: {  	s18 =	sshll.u32 s18, $0x4;
	[sflag:s7] =	ssyncset.done $0x0  }
0x4a: {  	s18 =	sadd.s32 s23, s18;
	[sflag:s7] =	ssyncadd.s32 $0xFFFF0000  }
0x4b: {  	[hbm4b:s18+s2] =	stream.linear.scatter [tilespmem:s6], [sflag:$0x2], $0x10000, $0x38;
	[tilespmem:$0x10200] =	vst v63  }
0x4c: {  	s20 =	sor.u32 $0xC00, s24;
	_ =	swait.ge [sflag:s3], $0x10000  }
0x4d: {  	s19 =	sshrl.u32 s20, $0x3;
	[sflag:s3] =	ssyncset.done $0x0  }
0x4e: {  	s19 =	sadd.s32 s21, s19;
	[sflag:s3] =	ssyncadd.s32 $0xFFFF0000  }
0x4f: {  	[tilespmem:s2], [sflag:$0x2] =	stream.linear.gather [hbm4b:s19+s2], $0x200, $0x38;
	[tilespmem:$0x10200] =	vst v63  }
0x50: {  	_ =	swait.ge [sflag:s3], $0x200  }
0x51: {  	[sflag:s3] =	ssyncset.done $0x0  }
0x52: {  	[sflag:s3] =	ssyncadd.s32 $0xFFFFFE00  }
0x53: {  	[tilespmem:s6], [sflag:$0x1] =	stream.indirect.gather [hbm4b:s5+s6], $0x80, s2, s6, $0xb8;
	[tilespmem:$0x10200] =	vst v63  }
0x54: {  	_ =	swait.ge [sflag:s7], $0x10000  }
0x55: {  	s20 =	sshll.u32 s20, $0x4;
	[sflag:s7] =	ssyncset.done $0x0  }
0x56: {  	s20 =	sadd.s32 s23, s20;
	[sflag:s7] =	ssyncadd.s32 $0xFFFF0000  }
0x57: {  	[hbm4b:s20+s2] =	stream.linear.scatter [tilespmem:s6], [sflag:$0x2], $0x10000, $0x38;
	[tilespmem:$0x10200] =	vst v63  }
0x58: {  	s24 =	sor.u32 $0xE00, s24;
	_ =	swait.ge [sflag:s3], $0x10000  }
0x59: {  	s25 =	sshrl.u32 s24, $0x3;
	[sflag:s3] =	ssyncset.done $0x0  }
0x5a: {  	s22 =	ssub.s32 $0x2, s22;
	s21 =	sadd.s32 s21, s25;
	[sflag:s3] =	ssyncadd.s32 $0xFFFF0000  }
0x5b: {  	[tilespmem:s2], [sflag:$0x2] =	stream.linear.gather [hbm4b:s21+s2], $0x200, $0x38;
	[tilespmem:$0x10200] =	vst v63  }
0x5c: {  	s29 =	sshrl.u32 s22, $0x1;
	_ =	swait.ge [sflag:s3], $0x200  }
0x5d: {  	s25 =	ssub.s32 s22, s29;
	[sflag:s3] =	ssyncset.done $0x0  }
0x5e: {  	s31 =	smax.u32 s25, $0x1;
	[sflag:s3] =	ssyncadd.s32 $0xFFFFFE00  }
0x5f: {  	[tilespmem:s6], [sflag:$0x1] =	stream.indirect.gather [hbm4b:s5+s6], $0x80, s2, s6, $0xb8;
	[tilespmem:$0x10200] =	vst v63  }
0x60: {  	p0 =	sne.s32 s31, $0x1;
	_ =	swait.ge [sflag:s7], $0x10000  }
.Ltmp0:
0x61: {  	s30 =	sshll.u32 s24, $0x4;
	[sflag:s7] =	ssyncset.done $0x0;
	(pc) =	sbr.rel @!p0 .LBB2_2-.Ltmp0, $4  }
0x62: {  	s22 =	sadd.s32 s23, s30;
	[sflag:s7] =	ssyncadd.s32 $0xFFFF0000  }
0x63: {  	[hbm4b:s22+s2] =	stream.linear.scatter [tilespmem:s6], [sflag:$0x2], $0x10000, $0x38;
	[tilespmem:$0x10200] =	vst v63  }
0x64: {  	_ =	swait.ge [sflag:s3], $0x10000  }
0x65: {  	s23 =	sadd.s32 $0xFFFFFFFF, s31;
	[sflag:s3] =	ssyncset.done $0x0  }
.LBB2_1:
0x66: {  	p0 =	sne.s32 s23, $0x1;
	s23 =	sadd.s32 $0xFFFFFFFF, s23;
	[sflag:s3] =	ssyncadd.s32 $0xFFFF0000  }
0x67: {  	[tilespmem:s2], [sflag:$0x2] =	stream.linear.gather [hbm4b:s4+s2], $0x200, $0x38;
	[tilespmem:$0x10200] =	vst v63  }
0x68: {  	_ =	swait.ge [sflag:s3], $0x200  }
0x69: {  	[sflag:s3] =	ssyncset.done $0x0  }
0x6a: {  	[sflag:s3] =	ssyncadd.s32 $0xFFFFFE00  }
0x6b: {  	[tilespmem:s6], [sflag:$0x1] =	stream.indirect.gather [hbm4b:s5+s6], $0x80, s2, s6, $0xb8;
	[tilespmem:$0x10200] =	vst v63  }
0x6c: {  	_ =	swait.ge [sflag:s7], $0x10000  }
0x6d: {  	[sflag:s7] =	ssyncset.done $0x0  }
0x6e: {  	[sflag:s7] =	ssyncadd.s32 $0xFFFF0000  }
0x6f: {  	[hbm4b:s8+s2] =	stream.linear.scatter [tilespmem:s6], [sflag:$0x2], $0x10000, $0x38;
	[tilespmem:$0x10200] =	vst v63  }
0x70: {  	_ =	swait.ge [sflag:s3], $0x10000  }
0x71: {  	[sflag:s3] =	ssyncset.done $0x0  }
0x72: {  	[sflag:s3] =	ssyncadd.s32 $0xFFFF0000  }
0x73: {  	[tilespmem:s2], [sflag:$0x2] =	stream.linear.gather [hbm4b:s9+s2], $0x200, $0x38;
	[tilespmem:$0x10200] =	vst v63  }
0x74: {  	_ =	swait.ge [sflag:s3], $0x200  }
0x75: {  	[sflag:s3] =	ssyncset.done $0x0  }
0x76: {  	[sflag:s3] =	ssyncadd.s32 $0xFFFFFE00  }
0x77: {  	[tilespmem:s6], [sflag:$0x1] =	stream.indirect.gather [hbm4b:s5+s6], $0x80, s2, s6, $0xb8;
	[tilespmem:$0x10200] =	vst v63  }
0x78: {  	_ =	swait.ge [sflag:s7], $0x10000  }
0x79: {  	[sflag:s7] =	ssyncset.done $0x0  }
0x7a: {  	[sflag:s7] =	ssyncadd.s32 $0xFFFF0000  }
0x7b: {  	[hbm4b:s10+s2] =	stream.linear.scatter [tilespmem:s6], [sflag:$0x2], $0x10000, $0x38;
	[tilespmem:$0x10200] =	vst v63  }
0x7c: {  	_ =	swait.ge [sflag:s3], $0x10000  }
0x7d: {  	[sflag:s3] =	ssyncset.done $0x0  }
0x7e: {  	[sflag:s3] =	ssyncadd.s32 $0xFFFF0000  }
0x7f: {  	[tilespmem:s2], [sflag:$0x2] =	stream.linear.gather [hbm4b:s11+s2], $0x200, $0x38;
	[tilespmem:$0x10200] =	vst v63  }
0x80: {  	_ =	swait.ge [sflag:s3], $0x200  }
0x81: {  	[sflag:s3] =	ssyncset.done $0x0  }
0x82: {  	[sflag:s3] =	ssyncadd.s32 $0xFFFFFE00  }
0x83: {  	[tilespmem:s6], [sflag:$0x1] =	stream.indirect.gather [hbm4b:s5+s6], $0x80, s2, s6, $0xb8;
	[tilespmem:$0x10200] =	vst v63  }
0x84: {  	_ =	swait.ge [sflag:s7], $0x10000  }
0x85: {  	[sflag:s7] =	ssyncset.done $0x0  }
0x86: {  	[sflag:s7] =	ssyncadd.s32 $0xFFFF0000  }
0x87: {  	[hbm4b:s12+s2] =	stream.linear.scatter [tilespmem:s6], [sflag:$0x2], $0x10000, $0x38;
	[tilespmem:$0x10200] =	vst v63  }
0x88: {  	_ =	swait.ge [sflag:s3], $0x10000  }
0x89: {  	[sflag:s3] =	ssyncset.done $0x0  }
0x8a: {  	[sflag:s3] =	ssyncadd.s32 $0xFFFF0000  }
0x8b: {  	[tilespmem:s2], [sflag:$0x2] =	stream.linear.gather [hbm4b:s13+s2], $0x200, $0x38;
	[tilespmem:$0x10200] =	vst v63  }
0x8c: {  	_ =	swait.ge [sflag:s3], $0x200  }
0x8d: {  	[sflag:s3] =	ssyncset.done $0x0  }
0x8e: {  	[sflag:s3] =	ssyncadd.s32 $0xFFFFFE00  }
0x8f: {  	[tilespmem:s6], [sflag:$0x1] =	stream.indirect.gather [hbm4b:s5+s6], $0x80, s2, s6, $0xb8;
	[tilespmem:$0x10200] =	vst v63  }
0x90: {  	_ =	swait.ge [sflag:s7], $0x10000  }
0x91: {  	[sflag:s7] =	ssyncset.done $0x0  }
0x92: {  	[sflag:s7] =	ssyncadd.s32 $0xFFFF0000  }
0x93: {  	[hbm4b:s14+s2] =	stream.linear.scatter [tilespmem:s6], [sflag:$0x2], $0x10000, $0x38;
	[tilespmem:$0x10200] =	vst v63  }
0x94: {  	_ =	swait.ge [sflag:s3], $0x10000  }
0x95: {  	[sflag:s3] =	ssyncset.done $0x0  }
0x96: {  	[sflag:s3] =	ssyncadd.s32 $0xFFFF0000  }
0x97: {  	[tilespmem:s2], [sflag:$0x2] =	stream.linear.gather [hbm4b:s15+s2], $0x200, $0x38;
	[tilespmem:$0x10200] =	vst v63  }
0x98: {  	_ =	swait.ge [sflag:s3], $0x200  }
0x99: {  	[sflag:s3] =	ssyncset.done $0x0  }
0x9a: {  	[sflag:s3] =	ssyncadd.s32 $0xFFFFFE00  }
0x9b: {  	[tilespmem:s6], [sflag:$0x1] =	stream.indirect.gather [hbm4b:s5+s6], $0x80, s2, s6, $0xb8;
	[tilespmem:$0x10200] =	vst v63  }
0x9c: {  	_ =	swait.ge [sflag:s7], $0x10000  }
0x9d: {  	[sflag:s7] =	ssyncset.done $0x0  }
0x9e: {  	[sflag:s7] =	ssyncadd.s32 $0xFFFF0000  }
0x9f: {  	[hbm4b:s16+s2] =	stream.linear.scatter [tilespmem:s6], [sflag:$0x2], $0x10000, $0x38;
	[tilespmem:$0x10200] =	vst v63  }
0xa0: {  	_ =	swait.ge [sflag:s3], $0x10000  }
0xa1: {  	[sflag:s3] =	ssyncset.done $0x0  }
0xa2: {  	[sflag:s3] =	ssyncadd.s32 $0xFFFF0000  }
0xa3: {  	[tilespmem:s2], [sflag:$0x2] =	stream.linear.gather [hbm4b:s17+s2], $0x200, $0x38;
	[tilespmem:$0x10200] =	vst v63  }
0xa4: {  	_ =	swait.ge [sflag:s3], $0x200  }
0xa5: {  	[sflag:s3] =	ssyncset.done $0x0  }
0xa6: {  	[sflag:s3] =	ssyncadd.s32 $0xFFFFFE00  }
0xa7: {  	[tilespmem:s6], [sflag:$0x1] =	stream.indirect.gather [hbm4b:s5+s6], $0x80, s2, s6, $0xb8;
	[tilespmem:$0x10200] =	vst v63  }
0xa8: {  	_ =	swait.ge [sflag:s7], $0x10000  }
0xa9: {  	[sflag:s7] =	ssyncset.done $0x0  }
0xaa: {  	[sflag:s7] =	ssyncadd.s32 $0xFFFF0000  }
0xab: {  	[hbm4b:s18+s2] =	stream.linear.scatter [tilespmem:s6], [sflag:$0x2], $0x10000, $0x38;
	[tilespmem:$0x10200] =	vst v63  }
0xac: {  	_ =	swait.ge [sflag:s3], $0x10000  }
0xad: {  	[sflag:s3] =	ssyncset.done $0x0  }
0xae: {  	[sflag:s3] =	ssyncadd.s32 $0xFFFF0000  }
0xaf: {  	[tilespmem:s2], [sflag:$0x2] =	stream.linear.gather [hbm4b:s19+s2], $0x200, $0x38;
	[tilespmem:$0x10200] =	vst v63  }
0xb0: {  	_ =	swait.ge [sflag:s3], $0x200  }
0xb1: {  	[sflag:s3] =	ssyncset.done $0x0  }
0xb2: {  	[sflag:s3] =	ssyncadd.s32 $0xFFFFFE00  }
0xb3: {  	[tilespmem:s6], [sflag:$0x1] =	stream.indirect.gather [hbm4b:s5+s6], $0x80, s2, s6, $0xb8;
	[tilespmem:$0x10200] =	vst v63  }
0xb4: {  	_ =	swait.ge [sflag:s7], $0x10000  }
0xb5: {  	[sflag:s7] =	ssyncset.done $0x0  }
0xb6: {  	[sflag:s7] =	ssyncadd.s32 $0xFFFF0000  }
0xb7: {  	[hbm4b:s20+s2] =	stream.linear.scatter [tilespmem:s6], [sflag:$0x2], $0x10000, $0x38;
	[tilespmem:$0x10200] =	vst v63  }
0xb8: {  	_ =	swait.ge [sflag:s3], $0x10000  }
0xb9: {  	[sflag:s3] =	ssyncset.done $0x0  }
0xba: {  	[sflag:s3] =	ssyncadd.s32 $0xFFFF0000  }
0xbb: {  	[tilespmem:s2], [sflag:$0x2] =	stream.linear.gather [hbm4b:s21+s2], $0x200, $0x38;
	[tilespmem:$0x10200] =	vst v63  }
0xbc: {  	_ =	swait.ge [sflag:s3], $0x200  }
0xbd: {  	[sflag:s3] =	ssyncset.done $0x0  }
0xbe: {  	[sflag:s3] =	ssyncadd.s32 $0xFFFFFE00  }
0xbf: {  	[tilespmem:s6], [sflag:$0x1] =	stream.indirect.gather [hbm4b:s5+s6], $0x80, s2, s6, $0xb8;
	[tilespmem:$0x10200] =	vst v63  }
0xc0: {  	_ =	swait.ge [sflag:s7], $0x10000  }
.Ltmp1:
0xc1: {  	[sflag:s7] =	ssyncset.done $0x0;
	(pc) =	sbr.rel @p0 .LBB2_1-.Ltmp1, $4  }
0xc2: {  	[sflag:s7] =	ssyncadd.s32 $0xFFFF0000  }
0xc3: {  	[hbm4b:s22+s2] =	stream.linear.scatter [tilespmem:s6], [sflag:$0x2], $0x10000, $0x38;
	[tilespmem:$0x10200] =	vst v63  }
0xc4: {  	_ =	swait.ge [sflag:s3], $0x10000  }
0xc5: {  	[sflag:s3] =	ssyncset.done $0x0  }
.LBB2_2:
0xc6: {  	[sflag:s3] =	ssyncadd.s32 $0xFFFF0000  }
0xc7: {  	_ =	sfence.sel $0x180000  }
0xc8: {  	[bflag:$0x0] =	sbarrier.arrive $0xFFFF  }
0xc9: {  	p0 =	sne.s32 s0, $0x0;
	_ =	strace $0x90000047  }
0xca: {  	s0 =	sadd.s32 @!p0 $0x100000, s1;
	[bflag:$0x2] =	sbarrier.arrive $0xFFFF  }
0xcb: {  	[sflag:s0] =	ssyncadd.tile.s32 @!p0 $0x1;
	_ =	shalt  }
.Lfunc_end2:
_tile_overlayer_lowered:
.L_overlay_start_2:
0xcc: {  	(tag) =	ssettag $0x2  }
0xcd: {  	s0 =	rddreg [dreg:$0x0];
	s2 =	stileid.u32  }
0xce: {  	s1 =	rddreg [dreg:$0x1];
	p0 =	sne.s32 s2, $0x0  }
0xcf: {  	s3 =	rddreg [dreg:$0x2];
	[bflag:$0x3] =	sbarrier.arrive $0xFFFF;
	s2 =	simm.s32 @!p0 $0x1C02  }
0xd0: {  	[timem:s3], [sflag:s2] =	dma.local @!p0 [hbm:s0], s1  }
0xd1: {  	s0 =	simm.s32 @!p0 $0x2  }
0xd2: {  	_ =	swait.ge @!p0 [sflag:s0], s1  }
0xd3: {  	s1 =	ssub.s32 @!p0 $0x0, s1;
	[sflag:s0] =	ssyncset.done @!p0 $0x0  }
0xd4: {  	[sflag:s0] =	ssyncadd.s32 @!p0 s1  }
0xd5: {  	[bflag:$0x3] =	sbarrier.arrive $0xFFFF  }
0xd6: {  	_ =	shalt  }

</sc_bundles>
